<compile_context>
chip_gen: v7x
topology: tpu7x:2x2x1
jax: 0.10.2.dev20260603
libtpu: 0.0.44.dev20260713+nightly
codegen_flags: <defaults>
</compile_context>

<pallas_src>
import functools

import jax
import jax.numpy as jnp
from jax import lax
from jax.experimental import pallas as pl
from jax.experimental.pallas import tpu as pltpu
from jax.experimental.pallas import tpu_sc as plsc

ROWS = 128
COLS = 32768
L = 16
SLICES = COLS // L
UNROLL = 16
C_UNROLL = 8
NC = 2
NS = 16
NW = NC * NS
ROWS_PER = ROWS // NW

_NEG = float("-inf")


def _compute_tau(buf, cand):
    def max_body(i, acc):
        for j in range(UNROLL):
            acc = jnp.maximum(acc, buf[pl.ds((i * UNROLL + j) * L, L)])
        return acc
    acc0 = jnp.full((L,), _NEG, dtype=jnp.float32)
    colmax = lax.fori_loop(0, SLICES // UNROLL, max_body, acc0)
    m = jnp.max(colmax)
    t0 = jnp.broadcast_to(m, (L,)) - 1.0

    iota = lax.iota(jnp.int32, L)
    i16 = jnp.full((L,), 16, dtype=jnp.int32)
    i0 = jnp.zeros((L,), dtype=jnp.int32)
    def c_body(s_idx, base16i):
        v = buf[pl.ds(s_idx * L, L)]
        mask = v > t0
        cnt = plsc.all_reduce_population_count(mask)
        anyb = cnt > 0
        plsc.store_scatter(cand, [base16i], v, mask=anyb)
        return base16i + jnp.where(anyb, i16, i0)
    base16i = plsc.parallel_loop(
        0, SLICES, unroll=C_UNROLL, carry=iota
    )(c_body)
    kc = jnp.max(base16i) - (L - 1)

    def sum_count(t):
        def body(i, carry):
            s, k = carry
            v = cand[pl.ds(i * L, L)]
            mask = v > t
            s = s + jnp.where(mask, v, 0.0)
            k = k + jnp.where(mask, 1.0, 0.0)
            return s, k
        z16 = jnp.zeros((L,), dtype=jnp.float32)
        s, k = lax.fori_loop(0, lax.div(kc, L), body, (z16, z16))
        return jnp.sum(s), jnp.sum(k)

    def cond(c):
        return jnp.logical_not(c[1])

    def step(c):
        t, _ = c
        s, k = sum_count(t)
        t_new = (jnp.broadcast_to(s, (L,)) - 1.0) / jnp.broadcast_to(k, (L,))
        t_up = jnp.maximum(t, t_new)
        return t_up, jnp.all(t_up == t)

    tau, _ = lax.while_loop(cond, step, (t0, False))
    return tau


def _sparsemax_body(logits_hbm, out_hbm, buf_a, buf_b, cand,
                    sem_a, sem_b, sem_o):
    wid = lax.axis_index("s") * NC + lax.axis_index("c")
    base_row = wid * ROWS_PER
    bufs = [buf_a, buf_b]
    sems = [sem_a, sem_b]

    def start_in(r):
        return pltpu.async_copy(logits_hbm.at[base_row + r], bufs[r % 2],
                                sems[r % 2])

    handles = [start_in(0), None]
    out_h = None
    for r in range(ROWS_PER):
        buf = bufs[r % 2]
        handles[r % 2].wait()
        if r == 0:
            handles[1] = start_in(1)
        tau = _compute_tau(buf, cand)
        if out_h is not None:
            out_h.wait()
            if r + 1 < ROWS_PER:
                handles[(r + 1) % 2] = start_in(r + 1)

        def relu_body(i, c):
            for j in range(UNROLL):
                idx = pl.ds((i * UNROLL + j) * L, L)
                buf[idx] = jnp.maximum(buf[idx] - tau, 0.0)
            return c
        lax.fori_loop(0, SLICES // UNROLL, relu_body, 0)

        out_h = pltpu.async_copy(buf, out_hbm.at[base_row + r], sem_o)
    out_h.wait()


@jax.jit
def _sparsemax_sc(logits):
    mesh = plsc.VectorSubcoreMesh(core_axis_name="c", subcore_axis_name="s")
    kfn = functools.partial(
        pl.kernel,
        mesh=mesh,
        out_type=jax.ShapeDtypeStruct((ROWS, COLS), jnp.float32),
        scratch_types=[
            pltpu.VMEM((COLS,), jnp.float32),
            pltpu.VMEM((COLS,), jnp.float32),
            pltpu.VMEM((COLS,), jnp.float32),
            pltpu.SemaphoreType.DMA,
            pltpu.SemaphoreType.DMA,
            pltpu.SemaphoreType.DMA,
        ],
        compiler_params=pltpu.CompilerParams(needs_layout_passes=False),
    )(_sparsemax_body)
    return kfn(logits)


def kernel(logits):
    return _sparsemax_sc(logits.astype(jnp.float32))

# --- scband reference (transcript-rebuilt; emitter-appended) ---
"""Pipeline reference for scband-sparsemax-17669495456359 (READ-ONLY COPY).

The authoritative reference and input builder live on the scoring server;
editing this copy changes nothing except your own understanding.
"""

import jax, jax.numpy as jnp
import numpy as np


def setup_inputs(seed: int = 0) -> dict:
    key = jax.random.key(seed)
    logits = jax.random.normal(key, (128, 32768), dtype=jnp.float32)
    return {"logits": logits}


def _compute_2d_sparsemax(logits):
    shape = logits.shape
    obs = int(np.prod(shape[:-1]))
    dims = int(shape[-1])
    z = logits.reshape(obs, dims)
    # tf.nn.top_k(z, k=dims) -> descending sort of each row
    z_sorted, _ = jax.lax.top_k(z, dims)
    z_cumsum = jnp.cumsum(z_sorted, axis=-1)
    k = jnp.arange(1, dims + 1, dtype=logits.dtype)
    z_check = 1 + k * z_sorted > z_cumsum
    k_z = jnp.sum(z_check.astype(jnp.int32), axis=-1)
    k_z_safe = jnp.maximum(k_z, 1)
    tau_sum = z_cumsum[jnp.arange(obs), k_z_safe - 1]
    tau_z = (tau_sum - 1) / k_z.astype(logits.dtype)
    p = jnp.maximum(jnp.asarray(0, dtype=logits.dtype), z - tau_z[:, None])
    bad = jnp.logical_or(k_z == 0, jnp.isnan(z_cumsum[:, -1]))
    p_safe = jnp.where(bad[:, None], jnp.asarray(float('nan'), dtype=logits.dtype), p)
    return p_safe.reshape(shape)


def reference(logits):
    logits = logits.astype(jnp.float32)
    # axis == -1 path
    return _compute_2d_sparsemax(logits)

if __name__ == "__main__":
    import jax
    _d = setup_inputs()
    print(jax.jit(kernel)(*tuple(_d.values())))

</pallas_src>

<mosaic_0001>
#map = affine_map<(d0, d1) -> (0, 0)>
module attributes {stable_mosaic.version = 14 : i64} {
  func.func @_sparsemax_body(%arg0: i32, %arg1: i32, %arg2: memref<128x32768xf32, #tpu.memory_space<hbm>>, %arg3: memref<128x32768xf32, #tpu.memory_space<hbm>>, %arg4: memref<32768xf32, #tpu.memory_space<vmem>>, %arg5: memref<32768xf32, #tpu.memory_space<vmem>>, %arg6: memref<32768xf32, #tpu.memory_space<vmem>>, %arg7: memref<!tpu.dma_semaphore, #tpu.memory_space<semaphore_mem>>, %arg8: memref<!tpu.dma_semaphore, #tpu.memory_space<semaphore_mem>>, %arg9: memref<!tpu.dma_semaphore, #tpu.memory_space<semaphore_mem>>) attributes {dimension_semantics = [#tpu.dimension_semantics<core_parallel>, #tpu.dimension_semantics<subcore_parallel>], iteration_bounds = array<i64: 2, 16>, scalar_prefetch = 0 : i64, scratch_operands = 6 : i64, tpu.core_type = #tpu.core_type<sc_vector_subcore>, window_params = [{transform_indices = #map}, {transform_indices = #map}]} {
    %mul3A = arith.constant 2 : i32
    %mul3A_0 = arith.muli %arg1, %mul3A : i32
    %add3A = arith.addi %mul3A_0, %arg0 : i32
    %mul3A_1 = arith.constant 4 : i32
    %mul3A_2 = arith.muli %add3A, %mul3A_1 : i32
    %add3A_3 = arith.constant 0 : i32
    %add3A_4 = arith.addi %mul3A_2, %add3A_3 : i32
    %dma_start3A = arith.constant 0 : i32
    %dma_start3A_5 = tpu.memref_slice %arg2[%add3A_4, %dma_start3A] : memref<128x32768xf32, #tpu.memory_space<hbm>> -> memref<1x32768xf32, #tpu.memory_space<hbm>>
    %dma_start3A_6 = tpu.memref_squeeze %dma_start3A_5 : memref<1x32768xf32, #tpu.memory_space<hbm>> -> memref<32768xf32, #tpu.memory_space<hbm>>
    %dma_start3A_7 = arith.constant 0 : i32
    %dma_start3A_8 = tpu.memref_slice %arg2[%add3A_4, %dma_start3A_7] : memref<128x32768xf32, #tpu.memory_space<hbm>> -> memref<1x32768xf32, #tpu.memory_space<hbm>>
    %dma_start3A_9 = tpu.memref_squeeze %dma_start3A_8 : memref<1x32768xf32, #tpu.memory_space<hbm>> -> memref<32768xf32, #tpu.memory_space<hbm>>
    tpu.enqueue_dma source(%dma_start3A_9 : memref<32768xf32, #tpu.memory_space<hbm>>) target(%arg4 : memref<32768xf32, #tpu.memory_space<vmem>>) target_semaphore(%arg7 : memref<!tpu.dma_semaphore, #tpu.memory_space<semaphore_mem>>)
    %dma_wait3A = arith.constant 0 : i32
    %dma_wait3A_10 = tpu.memref_slice %arg2[%add3A_4, %dma_wait3A] : memref<128x32768xf32, #tpu.memory_space<hbm>> -> memref<1x32768xf32, #tpu.memory_space<hbm>>
    %dma_wait3A_11 = tpu.memref_squeeze %dma_wait3A_10 : memref<1x32768xf32, #tpu.memory_space<hbm>> -> memref<32768xf32, #tpu.memory_space<hbm>>
    %dma_wait3A_12 = arith.constant 0 : i32
    %dma_wait3A_13 = tpu.memref_slice %arg2[%add3A_4, %dma_wait3A_12] : memref<128x32768xf32, #tpu.memory_space<hbm>> -> memref<1x32768xf32, #tpu.memory_space<hbm>>
    %dma_wait3A_14 = tpu.memref_squeeze %dma_wait3A_13 : memref<1x32768xf32, #tpu.memory_space<hbm>> -> memref<32768xf32, #tpu.memory_space<hbm>>
    tpu.wait_dma2 semaphore(%arg7 : memref<!tpu.dma_semaphore, #tpu.memory_space<semaphore_mem>>) src(%dma_wait3A_14 : memref<32768xf32, #tpu.memory_space<hbm>>) dst(%arg4 : memref<32768xf32, #tpu.memory_space<vmem>>)
    %add3A_15 = arith.constant 1 : i32
    %add3A_16 = arith.addi %mul3A_2, %add3A_15 : i32
    %dma_start3A_17 = arith.constant 0 : i32
    %dma_start3A_18 = tpu.memref_slice %arg2[%add3A_16, %dma_start3A_17] : memref<128x32768xf32, #tpu.memory_space<hbm>> -> memref<1x32768xf32, #tpu.memory_space<hbm>>
    %dma_start3A_19 = tpu.memref_squeeze %dma_start3A_18 : memref<1x32768xf32, #tpu.memory_space<hbm>> -> memref<32768xf32, #tpu.memory_space<hbm>>
    %dma_start3A_20 = arith.constant 0 : i32
    %dma_start3A_21 = tpu.memref_slice %arg2[%add3A_16, %dma_start3A_20] : memref<128x32768xf32, #tpu.memory_space<hbm>> -> memref<1x32768xf32, #tpu.memory_space<hbm>>
    %dma_start3A_22 = tpu.memref_squeeze %dma_start3A_21 : memref<1x32768xf32, #tpu.memory_space<hbm>> -> memref<32768xf32, #tpu.memory_space<hbm>>
    tpu.enqueue_dma source(%dma_start3A_22 : memref<32768xf32, #tpu.memory_space<hbm>>) target(%arg5 : memref<32768xf32, #tpu.memory_space<vmem>>) target_semaphore(%arg8 : memref<!tpu.dma_semaphore, #tpu.memory_space<semaphore_mem>>)
    %broadcast_in_dim3A = arith.constant 0xFF800000 : f32
    %broadcast_in_dim3A_23 = vector.broadcast %broadcast_in_dim3A : f32 to vector<16xf32>
    %scan3A = arith.constant 0 : i32
    %scan3A_24 = arith.constant 128 : i32
    %scan3A_25 = arith.addi %scan3A, %scan3A_24 : i32
    %scan3A_26 = arith.constant 1 : i32
    %scan3A_27 = scf.for %scan3A_278 = %scan3A to %scan3A_25 step %scan3A_26 iter_args(%scan3A_279 = %broadcast_in_dim3A_23) -> (vector<16xf32>)  : i32 {
      %mul3A_280 = arith.constant 16 : i32
      %mul3A_281 = arith.muli %scan3A_278, %mul3A_280 : i32
      %add3A_282 = arith.constant 0 : i32
      %add3A_283 = arith.addi %mul3A_281, %add3A_282 : i32
      %mul3A_284 = arith.constant 16 : i32
      %mul3A_285 = arith.muli %add3A_283, %mul3A_284 : i32
      %get3A = arith.index_cast %mul3A_285 : i32 to index
      %get3A_286 = tpu.vector_load %arg4[%get3A] {strides = array<i32>} : memref<32768xf32, #tpu.memory_space<vmem>>, vector<16xf32>,
      %max3A = arith.maximumf %scan3A_279, %get3A_286 : vector<16xf32>
      %mul3A_287 = arith.constant 16 : i32
      %mul3A_288 = arith.muli %scan3A_278, %mul3A_287 : i32
      %add3A_289 = arith.constant 1 : i32
      %add3A_290 = arith.addi %mul3A_288, %add3A_289 : i32
      %mul3A_291 = arith.constant 16 : i32
      %mul3A_292 = arith.muli %add3A_290, %mul3A_291 : i32
      %get3A_293 = arith.index_cast %mul3A_292 : i32 to index
      %get3A_294 = tpu.vector_load %arg4[%get3A_293] {strides = array<i32>} : memref<32768xf32, #tpu.memory_space<vmem>>, vector<16xf32>,
      %max3A_295 = arith.maximumf %max3A, %get3A_294 : vector<16xf32>
      %mul3A_296 = arith.constant 16 : i32
      %mul3A_297 = arith.muli %scan3A_278, %mul3A_296 : i32
      %add3A_298 = arith.constant 2 : i32
      %add3A_299 = arith.addi %mul3A_297, %add3A_298 : i32
      %mul3A_300 = arith.constant 16 : i32
      %mul3A_301 = arith.muli %add3A_299, %mul3A_300 : i32
      %get3A_302 = arith.index_cast %mul3A_301 : i32 to index
      %get3A_303 = tpu.vector_load %arg4[%get3A_302] {strides = array<i32>} : memref<32768xf32, #tpu.memory_space<vmem>>, vector<16xf32>,
      %max3A_304 = arith.maximumf %max3A_295, %get3A_303 : vector<16xf32>
      %mul3A_305 = arith.constant 16 : i32
      %mul3A_306 = arith.muli %scan3A_278, %mul3A_305 : i32
      %add3A_307 = arith.constant 3 : i32
      %add3A_308 = arith.addi %mul3A_306, %add3A_307 : i32
      %mul3A_309 = arith.constant 16 : i32
      %mul3A_310 = arith.muli %add3A_308, %mul3A_309 : i32
      %get3A_311 = arith.index_cast %mul3A_310 : i32 to index
      %get3A_312 = tpu.vector_load %arg4[%get3A_311] {strides = array<i32>} : memref<32768xf32, #tpu.memory_space<vmem>>, vector<16xf32>,
      %max3A_313 = arith.maximumf %max3A_304, %get3A_312 : vector<16xf32>
      %mul3A_314 = arith.constant 16 : i32
      %mul3A_315 = arith.muli %scan3A_278, %mul3A_314 : i32
      %add3A_316 = arith.constant 4 : i32
      %add3A_317 = arith.addi %mul3A_315, %add3A_316 : i32
      %mul3A_318 = arith.constant 16 : i32
      %mul3A_319 = arith.muli %add3A_317, %mul3A_318 : i32
      %get3A_320 = arith.index_cast %mul3A_319 : i32 to index
      %get3A_321 = tpu.vector_load %arg4[%get3A_320] {strides = array<i32>} : memref<32768xf32, #tpu.memory_space<vmem>>, vector<16xf32>,
      %max3A_322 = arith.maximumf %max3A_313, %get3A_321 : vector<16xf32>
      %mul3A_323 = arith.constant 16 : i32
      %mul3A_324 = arith.muli %scan3A_278, %mul3A_323 : i32
      %add3A_325 = arith.constant 5 : i32
      %add3A_326 = arith.addi %mul3A_324, %add3A_325 : i32
      %mul3A_327 = arith.constant 16 : i32
      %mul3A_328 = arith.muli %add3A_326, %mul3A_327 : i32
      %get3A_329 = arith.index_cast %mul3A_328 : i32 to index
      %get3A_330 = tpu.vector_load %arg4[%get3A_329] {strides = array<i32>} : memref<32768xf32, #tpu.memory_space<vmem>>, vector<16xf32>,
      %max3A_331 = arith.maximumf %max3A_322, %get3A_330 : vector<16xf32>
      %mul3A_332 = arith.constant 16 : i32
      %mul3A_333 = arith.muli %scan3A_278, %mul3A_332 : i32
      %add3A_334 = arith.constant 6 : i32
      %add3A_335 = arith.addi %mul3A_333, %add3A_334 : i32
      %mul3A_336 = arith.constant 16 : i32
      %mul3A_337 = arith.muli %add3A_335, %mul3A_336 : i32
      %get3A_338 = arith.index_cast %mul3A_337 : i32 to index
      %get3A_339 = tpu.vector_load %arg4[%get3A_338] {strides = array<i32>} : memref<32768xf32, #tpu.memory_space<vmem>>, vector<16xf32>,
      %max3A_340 = arith.maximumf %max3A_331, %get3A_339 : vector<16xf32>
      %mul3A_341 = arith.constant 16 : i32
      %mul3A_342 = arith.muli %scan3A_278, %mul3A_341 : i32
      %add3A_343 = arith.constant 7 : i32
      %add3A_344 = arith.addi %mul3A_342, %add3A_343 : i32
      %mul3A_345 = arith.constant 16 : i32
      %mul3A_346 = arith.muli %add3A_344, %mul3A_345 : i32
      %get3A_347 = arith.index_cast %mul3A_346 : i32 to index
      %get3A_348 = tpu.vector_load %arg4[%get3A_347] {strides = array<i32>} : memref<32768xf32, #tpu.memory_space<vmem>>, vector<16xf32>,
      %max3A_349 = arith.maximumf %max3A_340, %get3A_348 : vector<16xf32>
      %mul3A_350 = arith.constant 16 : i32
      %mul3A_351 = arith.muli %scan3A_278, %mul3A_350 : i32
      %add3A_352 = arith.constant 8 : i32
      %add3A_353 = arith.addi %mul3A_351, %add3A_352 : i32
      %mul3A_354 = arith.constant 16 : i32
      %mul3A_355 = arith.muli %add3A_353, %mul3A_354 : i32
      %get3A_356 = arith.index_cast %mul3A_355 : i32 to index
      %get3A_357 = tpu.vector_load %arg4[%get3A_356] {strides = array<i32>} : memref<32768xf32, #tpu.memory_space<vmem>>, vector<16xf32>,
      %max3A_358 = arith.maximumf %max3A_349, %get3A_357 : vector<16xf32>
      %mul3A_359 = arith.constant 16 : i32
      %mul3A_360 = arith.muli %scan3A_278, %mul3A_359 : i32
      %add3A_361 = arith.constant 9 : i32
      %add3A_362 = arith.addi %mul3A_360, %add3A_361 : i32
      %mul3A_363 = arith.constant 16 : i32
      %mul3A_364 = arith.muli %add3A_362, %mul3A_363 : i32
      %get3A_365 = arith.index_cast %mul3A_364 : i32 to index
      %get3A_366 = tpu.vector_load %arg4[%get3A_365] {strides = array<i32>} : memref<32768xf32, #tpu.memory_space<vmem>>, vector<16xf32>,
      %max3A_367 = arith.maximumf %max3A_358, %get3A_366 : vector<16xf32>
      %mul3A_368 = arith.constant 16 : i32
      %mul3A_369 = arith.muli %scan3A_278, %mul3A_368 : i32
      %add3A_370 = arith.constant 10 : i32
      %add3A_371 = arith.addi %mul3A_369, %add3A_370 : i32
      %mul3A_372 = arith.constant 16 : i32
      %mul3A_373 = arith.muli %add3A_371, %mul3A_372 : i32
      %get3A_374 = arith.index_cast %mul3A_373 : i32 to index
      %get3A_375 = tpu.vector_load %arg4[%get3A_374] {strides = array<i32>} : memref<32768xf32, #tpu.memory_space<vmem>>, vector<16xf32>,
      %max3A_376 = arith.maximumf %max3A_367, %get3A_375 : vector<16xf32>
      %mul3A_377 = arith.constant 16 : i32
      %mul3A_378 = arith.muli %scan3A_278, %mul3A_377 : i32
      %add3A_379 = arith.constant 11 : i32
      %add3A_380 = arith.addi %mul3A_378, %add3A_379 : i32
      %mul3A_381 = arith.constant 16 : i32
      %mul3A_382 = arith.muli %add3A_380, %mul3A_381 : i32
      %get3A_383 = arith.index_cast %mul3A_382 : i32 to index
      %get3A_384 = tpu.vector_load %arg4[%get3A_383] {strides = array<i32>} : memref<32768xf32, #tpu.memory_space<vmem>>, vector<16xf32>,
      %max3A_385 = arith.maximumf %max3A_376, %get3A_384 : vector<16xf32>
      %mul3A_386 = arith.constant 16 : i32
      %mul3A_387 = arith.muli %scan3A_278, %mul3A_386 : i32
      %add3A_388 = arith.constant 12 : i32
      %add3A_389 = arith.addi %mul3A_387, %add3A_388 : i32
      %mul3A_390 = arith.constant 16 : i32
      %mul3A_391 = arith.muli %add3A_389, %mul3A_390 : i32
      %get3A_392 = arith.index_cast %mul3A_391 : i32 to index
      %get3A_393 = tpu.vector_load %arg4[%get3A_392] {strides = array<i32>} : memref<32768xf32, #tpu.memory_space<vmem>>, vector<16xf32>,
      %max3A_394 = arith.maximumf %max3A_385, %get3A_393 : vector<16xf32>
      %mul3A_395 = arith.constant 16 : i32
      %mul3A_396 = arith.muli %scan3A_278, %mul3A_395 : i32
      %add3A_397 = arith.constant 13 : i32
      %add3A_398 = arith.addi %mul3A_396, %add3A_397 : i32
      %mul3A_399 = arith.constant 16 : i32
      %mul3A_400 = arith.muli %add3A_398, %mul3A_399 : i32
      %get3A_401 = arith.index_cast %mul3A_400 : i32 to index
      %get3A_402 = tpu.vector_load %arg4[%get3A_401] {strides = array<i32>} : memref<32768xf32, #tpu.memory_space<vmem>>, vector<16xf32>,
      %max3A_403 = arith.maximumf %max3A_394, %get3A_402 : vector<16xf32>
      %mul3A_404 = arith.constant 16 : i32
      %mul3A_405 = arith.muli %scan3A_278, %mul3A_404 : i32
      %add3A_406 = arith.constant 14 : i32
      %add3A_407 = arith.addi %mul3A_405, %add3A_406 : i32
      %mul3A_408 = arith.constant 16 : i32
      %mul3A_409 = arith.muli %add3A_407, %mul3A_408 : i32
      %get3A_410 = arith.index_cast %mul3A_409 : i32 to index
      %get3A_411 = tpu.vector_load %arg4[%get3A_410] {strides = array<i32>} : memref<32768xf32, #tpu.memory_space<vmem>>, vector<16xf32>,
      %max3A_412 = arith.maximumf %max3A_403, %get3A_411 : vector<16xf32>
      %mul3A_413 = arith.constant 16 : i32
      %mul3A_414 = arith.muli %scan3A_278, %mul3A_413 : i32
      %add3A_415 = arith.constant 15 : i32
      %add3A_416 = arith.addi %mul3A_414, %add3A_415 : i32
      %mul3A_417 = arith.constant 16 : i32
      %mul3A_418 = arith.muli %add3A_416, %mul3A_417 : i32
      %get3A_419 = arith.index_cast %mul3A_418 : i32 to index
      %get3A_420 = tpu.vector_load %arg4[%get3A_419] {strides = array<i32>} : memref<32768xf32, #tpu.memory_space<vmem>>, vector<16xf32>,
      %max3A_421 = arith.maximumf %max3A_412, %get3A_420 : vector<16xf32>
      scf.yield %max3A_421 : vector<16xf32>
    }
    %scan3A_28 = arith.constant 128 : i32
    %reduce_max3A = arith.constant true
    %reduce_max3A_29 = vector.broadcast %reduce_max3A : i1 to vector<16xi1>
    %reduce_max3A_30 = tpu.scan <max>, %scan3A_27 masked %reduce_max3A_29 : vector<16xf32>, vector<16xi1> -> vector<16xf32>
    %reduce_max3A_31 = vector.extract %reduce_max3A_30[15] : f32 from vector<16xf32>
    %broadcast_in_dim3A_32 = vector.broadcast %reduce_max3A_31 : f32 to vector<16xf32>
    %sub3A = arith.constant 1.000000e+00 : f32
    %sub3A_33 = vector.broadcast %sub3A : f32 to vector<16xf32>
    %sub3A_34 = arith.subf %broadcast_in_dim3A_32, %sub3A_33 : vector<16xf32>
    %iota3A = tpu.iota {dimensions = array<i32: 0>} : vector<16xi32>
    %broadcast_in_dim3A_35 = arith.constant 16 : i32
    %broadcast_in_dim3A_36 = vector.broadcast %broadcast_in_dim3A_35 : i32 to vector<16xi32>
    %broadcast_in_dim3A_37 = arith.constant 0 : i32
    %broadcast_in_dim3A_38 = vector.broadcast %broadcast_in_dim3A_37 : i32 to vector<16xi32>
    %parallel_loop3A = arith.constant 0 : i32
    %parallel_loop3A_39 = arith.constant 2048 : i32
    %parallel_loop3A_40 = arith.constant 1 : i32
    %parallel_loop3A_41 = scf.for %parallel_loop3A_278 = %parallel_loop3A to %parallel_loop3A_39 step %parallel_loop3A_40 iter_args(%parallel_loop3A_279 = %iota3A) -> (vector<16xi32>)  : i32 {
      %parallel_loop3A_280 = arith.constant 16 : i32
      %parallel_loop3A_281 = arith.muli %parallel_loop3A_278, %parallel_loop3A_280 : i32
      %parallel_loop3A_282 = arith.index_cast %parallel_loop3A_281 : i32 to index
      %parallel_loop3A_283 = tpu.vector_load %arg4[%parallel_loop3A_282] {strides = array<i32>} : memref<32768xf32, #tpu.memory_space<vmem>>, vector<16xf32>,
      %parallel_loop3A_284 = arith.cmpf ogt, %parallel_loop3A_283, %sub3A_34 : vector<16xf32>
      %parallel_loop3A_285 = tpu.all_reduce %parallel_loop3A_284 {dim = 0 : i64, kind = #tpu.reduction_kind<sum>} : vector<16xi1> -> vector<16xi32>
      %parallel_loop3A_286 = arith.constant 0 : i32
      %parallel_loop3A_287 = vector.broadcast %parallel_loop3A_286 : i32 to vector<16xi32>
      %parallel_loop3A_288 = arith.cmpi sgt, %parallel_loop3A_285, %parallel_loop3A_287 : vector<16xi32>
      tpu.vector_store_idx %arg6[%parallel_loop3A_279], %parallel_loop3A_283 masked %parallel_loop3A_288 : memref<32768xf32, #tpu.memory_space<vmem>>[vector<16xi32>], vector<16xf32>, vector<16xi1>
      %parallel_loop3A_289 = arith.select %parallel_loop3A_288, %broadcast_in_dim3A_36, %broadcast_in_dim3A_38 : vector<16xi1>, vector<16xi32>
      %parallel_loop3A_290 = arith.addi %parallel_loop3A_279, %parallel_loop3A_289 : vector<16xi32>
      scf.yield %parallel_loop3A_290 : vector<16xi32>
    } {sc.loop_unroll_factor = 8 : i64, sc.parallel_access}
    %reduce_max3A_42 = arith.constant true
    %reduce_max3A_43 = vector.broadcast %reduce_max3A_42 : i1 to vector<16xi1>
    %reduce_max3A_44 = arith.constant -2147483648 : i32
    %reduce_max3A_45 = vector.broadcast %reduce_max3A_44 : i32 to vector<16xi32>
    %reduce_max3A_46 = arith.xori %parallel_loop3A_41, %reduce_max3A_45 : vector<16xi32>
    %reduce_max3A_47 = tpu.scan <max>, %reduce_max3A_46 masked %reduce_max3A_43 : vector<16xi32>, vector<16xi1> -> vector<16xi32>
    %reduce_max3A_48 = arith.xori %reduce_max3A_47, %reduce_max3A_45 : vector<16xi32>
    %reduce_max3A_49 = vector.extract %reduce_max3A_48[15] : i32 from vector<16xi32>
    %sub3A_50 = arith.constant 15 : i32
    %sub3A_51 = arith.subi %reduce_max3A_49, %sub3A_50 : i32
    %while3A = arith.constant false
    %while3A_52:2 = scf.while (%while3A_278 = %sub3A_34, %while3A_279 = %while3A) : (vector<16xf32>, i1) -> (vector<16xf32>, i1) {
      %not3A = arith.constant true
      %not3A_280 = arith.xori %while3A_279, %not3A : i1
      scf.condition(%not3A_280) %while3A_278, %while3A_279 : vector<16xf32>, i1
    } do {
    ^bb0(%while3A_278: vector<16xf32>, %while3A_279: i1):
      %broadcast_in_dim3A_280 = arith.constant 0.000000e+00 : f32
      %broadcast_in_dim3A_281 = vector.broadcast %broadcast_in_dim3A_280 : f32 to vector<16xf32>
      %div3A = arith.constant 16 : i32
      %div3A_282 = arith.divsi %sub3A_51, %div3A : i32
      %while3A_283 = arith.constant 0 : i32
      %while3A_284 = arith.subi %div3A_282, %while3A_283 : i32
      %while3A_285 = arith.addi %while3A_283, %while3A_284 : i32
      %while3A_286 = arith.constant 1 : i32
      %while3A_287 = arith.divsi %while3A_284, %while3A_286 : i32
      %while3A_288 = arith.muli %while3A_287, %while3A_286 : i32
      %while3A_289 = arith.addi %while3A_283, %while3A_288 : i32
      %while3A_290 = arith.constant 1 : i32
      %while3A_291:2 = scf.for %while3A_317 = %while3A_283 to %while3A_289 step %while3A_290 iter_args(%while3A_318 = %broadcast_in_dim3A_281, %while3A_319 = %broadcast_in_dim3A_281) -> (vector<16xf32>, vector<16xf32>)  : i32 {
        %mul3A_320 = arith.constant 16 : i32
        %mul3A_321 = arith.muli %while3A_317, %mul3A_320 : i32
        %get3A = arith.index_cast %mul3A_321 : i32 to index
        %get3A_322 = tpu.vector_load %arg6[%get3A] {strides = array<i32>} : memref<32768xf32, #tpu.memory_space<vmem>>, vector<16xf32>,
        %gt3A = arith.cmpf ogt, %get3A_322, %while3A_278 : vector<16xf32>
        %jit3A = arith.constant 0.000000e+00 : f32
        %broadcast_in_dim3A_323 = vector.broadcast %jit3A : f32 to vector<16xf32>
        %select_n3A = arith.select %gt3A, %get3A_322, %broadcast_in_dim3A_323 : vector<16xi1>, vector<16xf32>
        %add3A_324 = arith.addf %while3A_318, %select_n3A : vector<16xf32>
        %jit3A_325 = arith.constant 1.000000e+00 : f32
        %jit3A_326 = arith.constant 0.000000e+00 : f32
        %broadcast_in_dim3A_327 = vector.broadcast %jit3A_325 : f32 to vector<16xf32>
        %broadcast_in_dim3A_328 = vector.broadcast %jit3A_326 : f32 to vector<16xf32>
        %select_n3A_329 = arith.select %gt3A, %broadcast_in_dim3A_327, %broadcast_in_dim3A_328 : vector<16xi1>, vector<16xf32>
        %add3A_330 = arith.addf %while3A_319, %select_n3A_329 : vector<16xf32>
        scf.yield %add3A_324, %add3A_330 : vector<16xf32>, vector<16xf32>
      }
      %while3A_292 = arith.constant 1 : i32
      %while3A_293:2 = scf.for %while3A_317 = %while3A_289 to %while3A_285 step %while3A_292 iter_args(%while3A_318 = %while3A_291#0, %while3A_319 = %while3A_291#1) -> (vector<16xf32>, vector<16xf32>)  : i32 {
        %mul3A_320 = arith.constant 16 : i32
        %mul3A_321 = arith.muli %while3A_317, %mul3A_320 : i32
        %get3A = arith.index_cast %mul3A_321 : i32 to index
        %get3A_322 = tpu.vector_load %arg6[%get3A] {strides = array<i32>} : memref<32768xf32, #tpu.memory_space<vmem>>, vector<16xf32>,
        %gt3A = arith.cmpf ogt, %get3A_322, %while3A_278 : vector<16xf32>
        %jit3A = arith.constant 0.000000e+00 : f32
        %broadcast_in_dim3A_323 = vector.broadcast %jit3A : f32 to vector<16xf32>
        %select_n3A = arith.select %gt3A, %get3A_322, %broadcast_in_dim3A_323 : vector<16xi1>, vector<16xf32>
        %add3A_324 = arith.addf %while3A_318, %select_n3A : vector<16xf32>
        %jit3A_325 = arith.constant 1.000000e+00 : f32
        %jit3A_326 = arith.constant 0.000000e+00 : f32
        %broadcast_in_dim3A_327 = vector.broadcast %jit3A_325 : f32 to vector<16xf32>
        %broadcast_in_dim3A_328 = vector.broadcast %jit3A_326 : f32 to vector<16xf32>
        %select_n3A_329 = arith.select %gt3A, %broadcast_in_dim3A_327, %broadcast_in_dim3A_328 : vector<16xi1>, vector<16xf32>
        %add3A_330 = arith.addf %while3A_319, %select_n3A_329 : vector<16xf32>
        scf.yield %add3A_324, %add3A_330 : vector<16xf32>, vector<16xf32>
      }
      %reduce_sum3A = arith.constant true
      %reduce_sum3A_294 = vector.broadcast %reduce_sum3A : i1 to vector<16xi1>
      %reduce_sum3A_295 = tpu.scan <sum>, %while3A_293#0 masked %reduce_sum3A_294 : vector<16xf32>, vector<16xi1> -> vector<16xf32>
      %reduce_sum3A_296 = vector.extract %reduce_sum3A_295[15] : f32 from vector<16xf32>
      %reduce_sum3A_297 = arith.constant true
      %reduce_sum3A_298 = vector.broadcast %reduce_sum3A_297 : i1 to vector<16xi1>
      %reduce_sum3A_299 = tpu.scan <sum>, %while3A_293#1 masked %reduce_sum3A_298 : vector<16xf32>, vector<16xi1> -> vector<16xf32>
      %reduce_sum3A_300 = vector.extract %reduce_sum3A_299[15] : f32 from vector<16xf32>
      %broadcast_in_dim3A_301 = vector.broadcast %reduce_sum3A_296 : f32 to vector<16xf32>
      %sub3A_302 = arith.constant 1.000000e+00 : f32
      %sub3A_303 = vector.broadcast %sub3A_302 : f32 to vector<16xf32>
      %sub3A_304 = arith.subf %broadcast_in_dim3A_301, %sub3A_303 : vector<16xf32>
      %broadcast_in_dim3A_305 = vector.broadcast %reduce_sum3A_300 : f32 to vector<16xf32>
      %div3A_306 = arith.divf %sub3A_304, %broadcast_in_dim3A_305 : vector<16xf32>
      %max3A = arith.maximumf %while3A_278, %div3A_306 : vector<16xf32>
      %eq3A = arith.cmpf oeq, %max3A, %while3A_278 : vector<16xf32>
      %reduce_and3A = arith.constant 1.000000e+00 : f32
      %reduce_and3A_307 = arith.constant 0.000000e+00 : f32
      %reduce_and3A_308 = vector.broadcast %reduce_and3A : f32 to vector<16xf32>
      %reduce_and3A_309 = vector.broadcast %reduce_and3A_307 : f32 to vector<16xf32>
      %reduce_and3A_310 = arith.select %eq3A, %reduce_and3A_308, %reduce_and3A_309 : vector<16xi1>, vector<16xf32>
      %reduce_and3A_311 = arith.constant true
      %reduce_and3A_312 = vector.broadcast %reduce_and3A_311 : i1 to vector<16xi1>
      %reduce_and3A_313 = tpu.scan <min>, %reduce_and3A_310 masked %reduce_and3A_312 : vector<16xf32>, vector<16xi1> -> vector<16xf32>
      %reduce_and3A_314 = vector.extract %reduce_and3A_313[15] : f32 from vector<16xf32>
      %reduce_and3A_315 = arith.constant 0.000000e+00 : f32
      %reduce_and3A_316 = arith.cmpf ogt, %reduce_and3A_314, %reduce_and3A_315 : f32
      scf.yield %max3A, %reduce_and3A_316 : vector<16xf32>, i1
    }
    %scan3A_53 = arith.constant 0 : i32
    %scan3A_54 = arith.constant 0 : i32
    %scan3A_55 = arith.constant 128 : i32
    %scan3A_56 = arith.addi %scan3A_54, %scan3A_55 : i32
    %scan3A_57 = arith.constant 1 : i32
    scf.for %scan3A_278 = %scan3A_54 to %scan3A_56 step %scan3A_57  : i32 {
      %mul3A_279 = arith.constant 16 : i32
      %mul3A_280 = arith.muli %scan3A_278, %mul3A_279 : i32
      %add3A_281 = arith.constant 0 : i32
      %add3A_282 = arith.addi %mul3A_280, %add3A_281 : i32
      %mul3A_283 = arith.constant 16 : i32
      %mul3A_284 = arith.muli %add3A_282, %mul3A_283 : i32
      %get3A = arith.index_cast %mul3A_284 : i32 to index
      %get3A_285 = tpu.vector_load %arg4[%get3A] {strides = array<i32>} : memref<32768xf32, #tpu.memory_space<vmem>>, vector<16xf32>,
      %sub3A_286 = arith.subf %get3A_285, %while3A_52#0 : vector<16xf32>
      %max3A = arith.constant 0.000000e+00 : f32
      %max3A_287 = vector.broadcast %max3A : f32 to vector<16xf32>
      %max3A_288 = arith.maximumf %sub3A_286, %max3A_287 : vector<16xf32>
      %swap3A = arith.index_cast %mul3A_284 : i32 to index
      %swap3A_289 = tpu.vector_load %arg4[%swap3A] {strides = array<i32>} : memref<32768xf32, #tpu.memory_space<vmem>>, vector<16xf32>,
      tpu.vector_store %arg4[%swap3A], %max3A_288 {strides = array<i32>} : memref<32768xf32, #tpu.memory_space<vmem>>, vector<16xf32>,
      %mul3A_290 = arith.constant 16 : i32
      %mul3A_291 = arith.muli %scan3A_278, %mul3A_290 : i32
      %add3A_292 = arith.constant 1 : i32
      %add3A_293 = arith.addi %mul3A_291, %add3A_292 : i32
      %mul3A_294 = arith.constant 16 : i32
      %mul3A_295 = arith.muli %add3A_293, %mul3A_294 : i32
      %get3A_296 = arith.index_cast %mul3A_295 : i32 to index
      %get3A_297 = tpu.vector_load %arg4[%get3A_296] {strides = array<i32>} : memref<32768xf32, #tpu.memory_space<vmem>>, vector<16xf32>,
      %sub3A_298 = arith.subf %get3A_297, %while3A_52#0 : vector<16xf32>
      %max3A_299 = arith.constant 0.000000e+00 : f32
      %max3A_300 = vector.broadcast %max3A_299 : f32 to vector<16xf32>
      %max3A_301 = arith.maximumf %sub3A_298, %max3A_300 : vector<16xf32>
      %swap3A_302 = arith.index_cast %mul3A_295 : i32 to index
      %swap3A_303 = tpu.vector_load %arg4[%swap3A_302] {strides = array<i32>} : memref<32768xf32, #tpu.memory_space<vmem>>, vector<16xf32>,
      tpu.vector_store %arg4[%swap3A_302], %max3A_301 {strides = array<i32>} : memref<32768xf32, #tpu.memory_space<vmem>>, vector<16xf32>,
      %mul3A_304 = arith.constant 16 : i32
      %mul3A_305 = arith.muli %scan3A_278, %mul3A_304 : i32
      %add3A_306 = arith.constant 2 : i32
      %add3A_307 = arith.addi %mul3A_305, %add3A_306 : i32
      %mul3A_308 = arith.constant 16 : i32
      %mul3A_309 = arith.muli %add3A_307, %mul3A_308 : i32
      %get3A_310 = arith.index_cast %mul3A_309 : i32 to index
      %get3A_311 = tpu.vector_load %arg4[%get3A_310] {strides = array<i32>} : memref<32768xf32, #tpu.memory_space<vmem>>, vector<16xf32>,
      %sub3A_312 = arith.subf %get3A_311, %while3A_52#0 : vector<16xf32>
      %max3A_313 = arith.constant 0.000000e+00 : f32
      %max3A_314 = vector.broadcast %max3A_313 : f32 to vector<16xf32>
      %max3A_315 = arith.maximumf %sub3A_312, %max3A_314 : vector<16xf32>
      %swap3A_316 = arith.index_cast %mul3A_309 : i32 to index
      %swap3A_317 = tpu.vector_load %arg4[%swap3A_316] {strides = array<i32>} : memref<32768xf32, #tpu.memory_space<vmem>>, vector<16xf32>,
      tpu.vector_store %arg4[%swap3A_316], %max3A_315 {strides = array<i32>} : memref<32768xf32, #tpu.memory_space<vmem>>, vector<16xf32>,
      %mul3A_318 = arith.constant 16 : i32
      %mul3A_319 = arith.muli %scan3A_278, %mul3A_318 : i32
      %add3A_320 = arith.constant 3 : i32
      %add3A_321 = arith.addi %mul3A_319, %add3A_320 : i32
      %mul3A_322 = arith.constant 16 : i32
      %mul3A_323 = arith.muli %add3A_321, %mul3A_322 : i32
      %get3A_324 = arith.index_cast %mul3A_323 : i32 to index
      %get3A_325 = tpu.vector_load %arg4[%get3A_324] {strides = array<i32>} : memref<32768xf32, #tpu.memory_space<vmem>>, vector<16xf32>,
      %sub3A_326 = arith.subf %get3A_325, %while3A_52#0 : vector<16xf32>
      %max3A_327 = arith.constant 0.000000e+00 : f32
      %max3A_328 = vector.broadcast %max3A_327 : f32 to vector<16xf32>
      %max3A_329 = arith.maximumf %sub3A_326, %max3A_328 : vector<16xf32>
      %swap3A_330 = arith.index_cast %mul3A_323 : i32 to index
      %swap3A_331 = tpu.vector_load %arg4[%swap3A_330] {strides = array<i32>} : memref<32768xf32, #tpu.memory_space<vmem>>, vector<16xf32>,
      tpu.vector_store %arg4[%swap3A_330], %max3A_329 {strides = array<i32>} : memref<32768xf32, #tpu.memory_space<vmem>>, vector<16xf32>,
      %mul3A_332 = arith.constant 16 : i32
      %mul3A_333 = arith.muli %scan3A_278, %mul3A_332 : i32
      %add3A_334 = arith.constant 4 : i32
      %add3A_335 = arith.addi %mul3A_333, %add3A_334 : i32
      %mul3A_336 = arith.constant 16 : i32
      %mul3A_337 = arith.muli %add3A_335, %mul3A_336 : i32
      %get3A_338 = arith.index_cast %mul3A_337 : i32 to index
      %get3A_339 = tpu.vector_load %arg4[%get3A_338] {strides = array<i32>} : memref<32768xf32, #tpu.memory_space<vmem>>, vector<16xf32>,
      %sub3A_340 = arith.subf %get3A_339, %while3A_52#0 : vector<16xf32>
      %max3A_341 = arith.constant 0.000000e+00 : f32
      %max3A_342 = vector.broadcast %max3A_341 : f32 to vector<16xf32>
      %max3A_343 = arith.maximumf %sub3A_340, %max3A_342 : vector<16xf32>
      %swap3A_344 = arith.index_cast %mul3A_337 : i32 to index
      %swap3A_345 = tpu.vector_load %arg4[%swap3A_344] {strides = array<i32>} : memref<32768xf32, #tpu.memory_space<vmem>>, vector<16xf32>,
      tpu.vector_store %arg4[%swap3A_344], %max3A_343 {strides = array<i32>} : memref<32768xf32, #tpu.memory_space<vmem>>, vector<16xf32>,
      %mul3A_346 = arith.constant 16 : i32
      %mul3A_347 = arith.muli %scan3A_278, %mul3A_346 : i32
      %add3A_348 = arith.constant 5 : i32
      %add3A_349 = arith.addi %mul3A_347, %add3A_348 : i32
      %mul3A_350 = arith.constant 16 : i32
      %mul3A_351 = arith.muli %add3A_349, %mul3A_350 : i32
      %get3A_352 = arith.index_cast %mul3A_351 : i32 to index
      %get3A_353 = tpu.vector_load %arg4[%get3A_352] {strides = array<i32>} : memref<32768xf32, #tpu.memory_space<vmem>>, vector<16xf32>,
      %sub3A_354 = arith.subf %get3A_353, %while3A_52#0 : vector<16xf32>
      %max3A_355 = arith.constant 0.000000e+00 : f32
      %max3A_356 = vector.broadcast %max3A_355 : f32 to vector<16xf32>
      %max3A_357 = arith.maximumf %sub3A_354, %max3A_356 : vector<16xf32>
      %swap3A_358 = arith.index_cast %mul3A_351 : i32 to index
      %swap3A_359 = tpu.vector_load %arg4[%swap3A_358] {strides = array<i32>} : memref<32768xf32, #tpu.memory_space<vmem>>, vector<16xf32>,
      tpu.vector_store %arg4[%swap3A_358], %max3A_357 {strides = array<i32>} : memref<32768xf32, #tpu.memory_space<vmem>>, vector<16xf32>,
      %mul3A_360 = arith.constant 16 : i32
      %mul3A_361 = arith.muli %scan3A_278, %mul3A_360 : i32
      %add3A_362 = arith.constant 6 : i32
      %add3A_363 = arith.addi %mul3A_361, %add3A_362 : i32
      %mul3A_364 = arith.constant 16 : i32
      %mul3A_365 = arith.muli %add3A_363, %mul3A_364 : i32
      %get3A_366 = arith.index_cast %mul3A_365 : i32 to index
      %get3A_367 = tpu.vector_load %arg4[%get3A_366] {strides = array<i32>} : memref<32768xf32, #tpu.memory_space<vmem>>, vector<16xf32>,
      %sub3A_368 = arith.subf %get3A_367, %while3A_52#0 : vector<16xf32>
      %max3A_369 = arith.constant 0.000000e+00 : f32
      %max3A_370 = vector.broadcast %max3A_369 : f32 to vector<16xf32>
      %max3A_371 = arith.maximumf %sub3A_368, %max3A_370 : vector<16xf32>
      %swap3A_372 = arith.index_cast %mul3A_365 : i32 to index
      %swap3A_373 = tpu.vector_load %arg4[%swap3A_372] {strides = array<i32>} : memref<32768xf32, #tpu.memory_space<vmem>>, vector<16xf32>,
      tpu.vector_store %arg4[%swap3A_372], %max3A_371 {strides = array<i32>} : memref<32768xf32, #tpu.memory_space<vmem>>, vector<16xf32>,
      %mul3A_374 = arith.constant 16 : i32
      %mul3A_375 = arith.muli %scan3A_278, %mul3A_374 : i32
      %add3A_376 = arith.constant 7 : i32
      %add3A_377 = arith.addi %mul3A_375, %add3A_376 : i32
      %mul3A_378 = arith.constant 16 : i32
      %mul3A_379 = arith.muli %add3A_377, %mul3A_378 : i32
      %get3A_380 = arith.index_cast %mul3A_379 : i32 to index
      %get3A_381 = tpu.vector_load %arg4[%get3A_380] {strides = array<i32>} : memref<32768xf32, #tpu.memory_space<vmem>>, vector<16xf32>,
      %sub3A_382 = arith.subf %get3A_381, %while3A_52#0 : vector<16xf32>
      %max3A_383 = arith.constant 0.000000e+00 : f32
      %max3A_384 = vector.broadcast %max3A_383 : f32 to vector<16xf32>
      %max3A_385 = arith.maximumf %sub3A_382, %max3A_384 : vector<16xf32>
      %swap3A_386 = arith.index_cast %mul3A_379 : i32 to index
      %swap3A_387 = tpu.vector_load %arg4[%swap3A_386] {strides = array<i32>} : memref<32768xf32, #tpu.memory_space<vmem>>, vector<16xf32>,
      tpu.vector_store %arg4[%swap3A_386], %max3A_385 {strides = array<i32>} : memref<32768xf32, #tpu.memory_space<vmem>>, vector<16xf32>,
      %mul3A_388 = arith.constant 16 : i32
      %mul3A_389 = arith.muli %scan3A_278, %mul3A_388 : i32
      %add3A_390 = arith.constant 8 : i32
      %add3A_391 = arith.addi %mul3A_389, %add3A_390 : i32
      %mul3A_392 = arith.constant 16 : i32
      %mul3A_393 = arith.muli %add3A_391, %mul3A_392 : i32
      %get3A_394 = arith.index_cast %mul3A_393 : i32 to index
      %get3A_395 = tpu.vector_load %arg4[%get3A_394] {strides = array<i32>} : memref<32768xf32, #tpu.memory_space<vmem>>, vector<16xf32>,
      %sub3A_396 = arith.subf %get3A_395, %while3A_52#0 : vector<16xf32>
      %max3A_397 = arith.constant 0.000000e+00 : f32
      %max3A_398 = vector.broadcast %max3A_397 : f32 to vector<16xf32>
      %max3A_399 = arith.maximumf %sub3A_396, %max3A_398 : vector<16xf32>
      %swap3A_400 = arith.index_cast %mul3A_393 : i32 to index
      %swap3A_401 = tpu.vector_load %arg4[%swap3A_400] {strides = array<i32>} : memref<32768xf32, #tpu.memory_space<vmem>>, vector<16xf32>,
      tpu.vector_store %arg4[%swap3A_400], %max3A_399 {strides = array<i32>} : memref<32768xf32, #tpu.memory_space<vmem>>, vector<16xf32>,
      %mul3A_402 = arith.constant 16 : i32
      %mul3A_403 = arith.muli %scan3A_278, %mul3A_402 : i32
      %add3A_404 = arith.constant 9 : i32
      %add3A_405 = arith.addi %mul3A_403, %add3A_404 : i32
      %mul3A_406 = arith.constant 16 : i32
      %mul3A_407 = arith.muli %add3A_405, %mul3A_406 : i32
      %get3A_408 = arith.index_cast %mul3A_407 : i32 to index
      %get3A_409 = tpu.vector_load %arg4[%get3A_408] {strides = array<i32>} : memref<32768xf32, #tpu.memory_space<vmem>>, vector<16xf32>,
      %sub3A_410 = arith.subf %get3A_409, %while3A_52#0 : vector<16xf32>
      %max3A_411 = arith.constant 0.000000e+00 : f32
      %max3A_412 = vector.broadcast %max3A_411 : f32 to vector<16xf32>
      %max3A_413 = arith.maximumf %sub3A_410, %max3A_412 : vector<16xf32>
      %swap3A_414 = arith.index_cast %mul3A_407 : i32 to index
      %swap3A_415 = tpu.vector_load %arg4[%swap3A_414] {strides = array<i32>} : memref<32768xf32, #tpu.memory_space<vmem>>, vector<16xf32>,
      tpu.vector_store %arg4[%swap3A_414], %max3A_413 {strides = array<i32>} : memref<32768xf32, #tpu.memory_space<vmem>>, vector<16xf32>,
      %mul3A_416 = arith.constant 16 : i32
      %mul3A_417 = arith.muli %scan3A_278, %mul3A_416 : i32
      %add3A_418 = arith.constant 10 : i32
      %add3A_419 = arith.addi %mul3A_417, %add3A_418 : i32
      %mul3A_420 = arith.constant 16 : i32
      %mul3A_421 = arith.muli %add3A_419, %mul3A_420 : i32
      %get3A_422 = arith.index_cast %mul3A_421 : i32 to index
      %get3A_423 = tpu.vector_load %arg4[%get3A_422] {strides = array<i32>} : memref<32768xf32, #tpu.memory_space<vmem>>, vector<16xf32>,
      %sub3A_424 = arith.subf %get3A_423, %while3A_52#0 : vector<16xf32>
      %max3A_425 = arith.constant 0.000000e+00 : f32
      %max3A_426 = vector.broadcast %max3A_425 : f32 to vector<16xf32>
      %max3A_427 = arith.maximumf %sub3A_424, %max3A_426 : vector<16xf32>
      %swap3A_428 = arith.index_cast %mul3A_421 : i32 to index
      %swap3A_429 = tpu.vector_load %arg4[%swap3A_428] {strides = array<i32>} : memref<32768xf32, #tpu.memory_space<vmem>>, vector<16xf32>,
      tpu.vector_store %arg4[%swap3A_428], %max3A_427 {strides = array<i32>} : memref<32768xf32, #tpu.memory_space<vmem>>, vector<16xf32>,
      %mul3A_430 = arith.constant 16 : i32
      %mul3A_431 = arith.muli %scan3A_278, %mul3A_430 : i32
      %add3A_432 = arith.constant 11 : i32
      %add3A_433 = arith.addi %mul3A_431, %add3A_432 : i32
      %mul3A_434 = arith.constant 16 : i32
      %mul3A_435 = arith.muli %add3A_433, %mul3A_434 : i32
      %get3A_436 = arith.index_cast %mul3A_435 : i32 to index
      %get3A_437 = tpu.vector_load %arg4[%get3A_436] {strides = array<i32>} : memref<32768xf32, #tpu.memory_space<vmem>>, vector<16xf32>,
      %sub3A_438 = arith.subf %get3A_437, %while3A_52#0 : vector<16xf32>
      %max3A_439 = arith.constant 0.000000e+00 : f32
      %max3A_440 = vector.broadcast %max3A_439 : f32 to vector<16xf32>
      %max3A_441 = arith.maximumf %sub3A_438, %max3A_440 : vector<16xf32>
      %swap3A_442 = arith.index_cast %mul3A_435 : i32 to index
      %swap3A_443 = tpu.vector_load %arg4[%swap3A_442] {strides = array<i32>} : memref<32768xf32, #tpu.memory_space<vmem>>, vector<16xf32>,
      tpu.vector_store %arg4[%swap3A_442], %max3A_441 {strides = array<i32>} : memref<32768xf32, #tpu.memory_space<vmem>>, vector<16xf32>,
      %mul3A_444 = arith.constant 16 : i32
      %mul3A_445 = arith.muli %scan3A_278, %mul3A_444 : i32
      %add3A_446 = arith.constant 12 : i32
      %add3A_447 = arith.addi %mul3A_445, %add3A_446 : i32
      %mul3A_448 = arith.constant 16 : i32
      %mul3A_449 = arith.muli %add3A_447, %mul3A_448 : i32
      %get3A_450 = arith.index_cast %mul3A_449 : i32 to index
      %get3A_451 = tpu.vector_load %arg4[%get3A_450] {strides = array<i32>} : memref<32768xf32, #tpu.memory_space<vmem>>, vector<16xf32>,
      %sub3A_452 = arith.subf %get3A_451, %while3A_52#0 : vector<16xf32>
      %max3A_453 = arith.constant 0.000000e+00 : f32
      %max3A_454 = vector.broadcast %max3A_453 : f32 to vector<16xf32>
      %max3A_455 = arith.maximumf %sub3A_452, %max3A_454 : vector<16xf32>
      %swap3A_456 = arith.index_cast %mul3A_449 : i32 to index
      %swap3A_457 = tpu.vector_load %arg4[%swap3A_456] {strides = array<i32>} : memref<32768xf32, #tpu.memory_space<vmem>>, vector<16xf32>,
      tpu.vector_store %arg4[%swap3A_456], %max3A_455 {strides = array<i32>} : memref<32768xf32, #tpu.memory_space<vmem>>, vector<16xf32>,
      %mul3A_458 = arith.constant 16 : i32
      %mul3A_459 = arith.muli %scan3A_278, %mul3A_458 : i32
      %add3A_460 = arith.constant 13 : i32
      %add3A_461 = arith.addi %mul3A_459, %add3A_460 : i32
      %mul3A_462 = arith.constant 16 : i32
      %mul3A_463 = arith.muli %add3A_461, %mul3A_462 : i32
      %get3A_464 = arith.index_cast %mul3A_463 : i32 to index
      %get3A_465 = tpu.vector_load %arg4[%get3A_464] {strides = array<i32>} : memref<32768xf32, #tpu.memory_space<vmem>>, vector<16xf32>,
      %sub3A_466 = arith.subf %get3A_465, %while3A_52#0 : vector<16xf32>
      %max3A_467 = arith.constant 0.000000e+00 : f32
      %max3A_468 = vector.broadcast %max3A_467 : f32 to vector<16xf32>
      %max3A_469 = arith.maximumf %sub3A_466, %max3A_468 : vector<16xf32>
      %swap3A_470 = arith.index_cast %mul3A_463 : i32 to index
      %swap3A_471 = tpu.vector_load %arg4[%swap3A_470] {strides = array<i32>} : memref<32768xf32, #tpu.memory_space<vmem>>, vector<16xf32>,
      tpu.vector_store %arg4[%swap3A_470], %max3A_469 {strides = array<i32>} : memref<32768xf32, #tpu.memory_space<vmem>>, vector<16xf32>,
      %mul3A_472 = arith.constant 16 : i32
      %mul3A_473 = arith.muli %scan3A_278, %mul3A_472 : i32
      %add3A_474 = arith.constant 14 : i32
      %add3A_475 = arith.addi %mul3A_473, %add3A_474 : i32
      %mul3A_476 = arith.constant 16 : i32
      %mul3A_477 = arith.muli %add3A_475, %mul3A_476 : i32
      %get3A_478 = arith.index_cast %mul3A_477 : i32 to index
      %get3A_479 = tpu.vector_load %arg4[%get3A_478] {strides = array<i32>} : memref<32768xf32, #tpu.memory_space<vmem>>, vector<16xf32>,
      %sub3A_480 = arith.subf %get3A_479, %while3A_52#0 : vector<16xf32>
      %max3A_481 = arith.constant 0.000000e+00 : f32
      %max3A_482 = vector.broadcast %max3A_481 : f32 to vector<16xf32>
      %max3A_483 = arith.maximumf %sub3A_480, %max3A_482 : vector<16xf32>
      %swap3A_484 = arith.index_cast %mul3A_477 : i32 to index
      %swap3A_485 = tpu.vector_load %arg4[%swap3A_484] {strides = array<i32>} : memref<32768xf32, #tpu.memory_space<vmem>>, vector<16xf32>,
      tpu.vector_store %arg4[%swap3A_484], %max3A_483 {strides = array<i32>} : memref<32768xf32, #tpu.memory_space<vmem>>, vector<16xf32>,
      %mul3A_486 = arith.constant 16 : i32
      %mul3A_487 = arith.muli %scan3A_278, %mul3A_486 : i32
      %add3A_488 = arith.constant 15 : i32
      %add3A_489 = arith.addi %mul3A_487, %add3A_488 : i32
      %mul3A_490 = arith.constant 16 : i32
      %mul3A_491 = arith.muli %add3A_489, %mul3A_490 : i32
      %get3A_492 = arith.index_cast %mul3A_491 : i32 to index
      %get3A_493 = tpu.vector_load %arg4[%get3A_492] {strides = array<i32>} : memref<32768xf32, #tpu.memory_space<vmem>>, vector<16xf32>,
      %sub3A_494 = arith.subf %get3A_493, %while3A_52#0 : vector<16xf32>
      %max3A_495 = arith.constant 0.000000e+00 : f32
      %max3A_496 = vector.broadcast %max3A_495 : f32 to vector<16xf32>
      %max3A_497 = arith.maximumf %sub3A_494, %max3A_496 : vector<16xf32>
      %swap3A_498 = arith.index_cast %mul3A_491 : i32 to index
      %swap3A_499 = tpu.vector_load %arg4[%swap3A_498] {strides = array<i32>} : memref<32768xf32, #tpu.memory_space<vmem>>, vector<16xf32>,
      tpu.vector_store %arg4[%swap3A_498], %max3A_497 {strides = array<i32>} : memref<32768xf32, #tpu.memory_space<vmem>>, vector<16xf32>,
    }
    %scan3A_58 = arith.constant 128 : i32
    %add3A_59 = arith.constant 0 : i32
    %add3A_60 = arith.addi %mul3A_2, %add3A_59 : i32
    %dma_start3A_61 = arith.constant 0 : i32
    %dma_start3A_62 = tpu.memref_slice %arg3[%add3A_60, %dma_start3A_61] : memref<128x32768xf32, #tpu.memory_space<hbm>> -> memref<1x32768xf32, #tpu.memory_space<hbm>>
    %dma_start3A_63 = tpu.memref_squeeze %dma_start3A_62 : memref<1x32768xf32, #tpu.memory_space<hbm>> -> memref<32768xf32, #tpu.memory_space<hbm>>
    %dma_start3A_64 = arith.constant 0 : i32
    %dma_start3A_65 = tpu.memref_slice %arg3[%add3A_60, %dma_start3A_64] : memref<128x32768xf32, #tpu.memory_space<hbm>> -> memref<1x32768xf32, #tpu.memory_space<hbm>>
    %dma_start3A_66 = tpu.memref_squeeze %dma_start3A_65 : memref<1x32768xf32, #tpu.memory_space<hbm>> -> memref<32768xf32, #tpu.memory_space<hbm>>
    tpu.enqueue_dma source(%arg4 : memref<32768xf32, #tpu.memory_space<vmem>>) target(%dma_start3A_66 : memref<32768xf32, #tpu.memory_space<hbm>>) target_semaphore(%arg9 : memref<!tpu.dma_semaphore, #tpu.memory_space<semaphore_mem>>)
    %dma_wait3A_67 = arith.constant 0 : i32
    %dma_wait3A_68 = tpu.memref_slice %arg2[%add3A_16, %dma_wait3A_67] : memref<128x32768xf32, #tpu.memory_space<hbm>> -> memref<1x32768xf32, #tpu.memory_space<hbm>>
    %dma_wait3A_69 = tpu.memref_squeeze %dma_wait3A_68 : memref<1x32768xf32, #tpu.memory_space<hbm>> -> memref<32768xf32, #tpu.memory_space<hbm>>
    %dma_wait3A_70 = arith.constant 0 : i32
    %dma_wait3A_71 = tpu.memref_slice %arg2[%add3A_16, %dma_wait3A_70] : memref<128x32768xf32, #tpu.memory_space<hbm>> -> memref<1x32768xf32, #tpu.memory_space<hbm>>
    %dma_wait3A_72 = tpu.memref_squeeze %dma_wait3A_71 : memref<1x32768xf32, #tpu.memory_space<hbm>> -> memref<32768xf32, #tpu.memory_space<hbm>>
    tpu.wait_dma2 semaphore(%arg8 : memref<!tpu.dma_semaphore, #tpu.memory_space<semaphore_mem>>) src(%dma_wait3A_72 : memref<32768xf32, #tpu.memory_space<hbm>>) dst(%arg5 : memref<32768xf32, #tpu.memory_space<vmem>>)
    %broadcast_in_dim3A_73 = arith.constant 0xFF800000 : f32
    %broadcast_in_dim3A_74 = vector.broadcast %broadcast_in_dim3A_73 : f32 to vector<16xf32>
    %scan3A_75 = arith.constant 0 : i32
    %scan3A_76 = arith.constant 128 : i32
    %scan3A_77 = arith.addi %scan3A_75, %scan3A_76 : i32
    %scan3A_78 = arith.constant 1 : i32
    %scan3A_79 = scf.for %scan3A_278 = %scan3A_75 to %scan3A_77 step %scan3A_78 iter_args(%scan3A_279 = %broadcast_in_dim3A_74) -> (vector<16xf32>)  : i32 {
      %mul3A_280 = arith.constant 16 : i32
      %mul3A_281 = arith.muli %scan3A_278, %mul3A_280 : i32
      %add3A_282 = arith.constant 0 : i32
      %add3A_283 = arith.addi %mul3A_281, %add3A_282 : i32
      %mul3A_284 = arith.constant 16 : i32
      %mul3A_285 = arith.muli %add3A_283, %mul3A_284 : i32
      %get3A = arith.index_cast %mul3A_285 : i32 to index
      %get3A_286 = tpu.vector_load %arg5[%get3A] {strides = array<i32>} : memref<32768xf32, #tpu.memory_space<vmem>>, vector<16xf32>,
      %max3A = arith.maximumf %scan3A_279, %get3A_286 : vector<16xf32>
      %mul3A_287 = arith.constant 16 : i32
      %mul3A_288 = arith.muli %scan3A_278, %mul3A_287 : i32
      %add3A_289 = arith.constant 1 : i32
      %add3A_290 = arith.addi %mul3A_288, %add3A_289 : i32
      %mul3A_291 = arith.constant 16 : i32
      %mul3A_292 = arith.muli %add3A_290, %mul3A_291 : i32
      %get3A_293 = arith.index_cast %mul3A_292 : i32 to index
      %get3A_294 = tpu.vector_load %arg5[%get3A_293] {strides = array<i32>} : memref<32768xf32, #tpu.memory_space<vmem>>, vector<16xf32>,
      %max3A_295 = arith.maximumf %max3A, %get3A_294 : vector<16xf32>
      %mul3A_296 = arith.constant 16 : i32
      %mul3A_297 = arith.muli %scan3A_278, %mul3A_296 : i32
      %add3A_298 = arith.constant 2 : i32
      %add3A_299 = arith.addi %mul3A_297, %add3A_298 : i32
      %mul3A_300 = arith.constant 16 : i32
      %mul3A_301 = arith.muli %add3A_299, %mul3A_300 : i32
      %get3A_302 = arith.index_cast %mul3A_301 : i32 to index
      %get3A_303 = tpu.vector_load %arg5[%get3A_302] {strides = array<i32>} : memref<32768xf32, #tpu.memory_space<vmem>>, vector<16xf32>,
      %max3A_304 = arith.maximumf %max3A_295, %get3A_303 : vector<16xf32>
      %mul3A_305 = arith.constant 16 : i32
      %mul3A_306 = arith.muli %scan3A_278, %mul3A_305 : i32
      %add3A_307 = arith.constant 3 : i32
      %add3A_308 = arith.addi %mul3A_306, %add3A_307 : i32
      %mul3A_309 = arith.constant 16 : i32
      %mul3A_310 = arith.muli %add3A_308, %mul3A_309 : i32
      %get3A_311 = arith.index_cast %mul3A_310 : i32 to index
      %get3A_312 = tpu.vector_load %arg5[%get3A_311] {strides = array<i32>} : memref<32768xf32, #tpu.memory_space<vmem>>, vector<16xf32>,
      %max3A_313 = arith.maximumf %max3A_304, %get3A_312 : vector<16xf32>
      %mul3A_314 = arith.constant 16 : i32
      %mul3A_315 = arith.muli %scan3A_278, %mul3A_314 : i32
      %add3A_316 = arith.constant 4 : i32
      %add3A_317 = arith.addi %mul3A_315, %add3A_316 : i32
      %mul3A_318 = arith.constant 16 : i32
      %mul3A_319 = arith.muli %add3A_317, %mul3A_318 : i32
      %get3A_320 = arith.index_cast %mul3A_319 : i32 to index
      %get3A_321 = tpu.vector_load %arg5[%get3A_320] {strides = array<i32>} : memref<32768xf32, #tpu.memory_space<vmem>>, vector<16xf32>,
      %max3A_322 = arith.maximumf %max3A_313, %get3A_321 : vector<16xf32>
      %mul3A_323 = arith.constant 16 : i32
      %mul3A_324 = arith.muli %scan3A_278, %mul3A_323 : i32
      %add3A_325 = arith.constant 5 : i32
      %add3A_326 = arith.addi %mul3A_324, %add3A_325 : i32
      %mul3A_327 = arith.constant 16 : i32
      %mul3A_328 = arith.muli %add3A_326, %mul3A_327 : i32
      %get3A_329 = arith.index_cast %mul3A_328 : i32 to index
      %get3A_330 = tpu.vector_load %arg5[%get3A_329] {strides = array<i32>} : memref<32768xf32, #tpu.memory_space<vmem>>, vector<16xf32>,
      %max3A_331 = arith.maximumf %max3A_322, %get3A_330 : vector<16xf32>
      %mul3A_332 = arith.constant 16 : i32
      %mul3A_333 = arith.muli %scan3A_278, %mul3A_332 : i32
      %add3A_334 = arith.constant 6 : i32
      %add3A_335 = arith.addi %mul3A_333, %add3A_334 : i32
      %mul3A_336 = arith.constant 16 : i32
      %mul3A_337 = arith.muli %add3A_335, %mul3A_336 : i32
      %get3A_338 = arith.index_cast %mul3A_337 : i32 to index
      %get3A_339 = tpu.vector_load %arg5[%get3A_338] {strides = array<i32>} : memref<32768xf32, #tpu.memory_space<vmem>>, vector<16xf32>,
      %max3A_340 = arith.maximumf %max3A_331, %get3A_339 : vector<16xf32>
      %mul3A_341 = arith.constant 16 : i32
      %mul3A_342 = arith.muli %scan3A_278, %mul3A_341 : i32
      %add3A_343 = arith.constant 7 : i32
      %add3A_344 = arith.addi %mul3A_342, %add3A_343 : i32
      %mul3A_345 = arith.constant 16 : i32
      %mul3A_346 = arith.muli %add3A_344, %mul3A_345 : i32
      %get3A_347 = arith.index_cast %mul3A_346 : i32 to index
      %get3A_348 = tpu.vector_load %arg5[%get3A_347] {strides = array<i32>} : memref<32768xf32, #tpu.memory_space<vmem>>, vector<16xf32>,
      %max3A_349 = arith.maximumf %max3A_340, %get3A_348 : vector<16xf32>
      %mul3A_350 = arith.constant 16 : i32
      %mul3A_351 = arith.muli %scan3A_278, %mul3A_350 : i32
      %add3A_352 = arith.constant 8 : i32
      %add3A_353 = arith.addi %mul3A_351, %add3A_352 : i32
      %mul3A_354 = arith.constant 16 : i32
      %mul3A_355 = arith.muli %add3A_353, %mul3A_354 : i32
      %get3A_356 = arith.index_cast %mul3A_355 : i32 to index
      %get3A_357 = tpu.vector_load %arg5[%get3A_356] {strides = array<i32>} : memref<32768xf32, #tpu.memory_space<vmem>>, vector<16xf32>,
      %max3A_358 = arith.maximumf %max3A_349, %get3A_357 : vector<16xf32>
      %mul3A_359 = arith.constant 16 : i32
      %mul3A_360 = arith.muli %scan3A_278, %mul3A_359 : i32
      %add3A_361 = arith.constant 9 : i32
      %add3A_362 = arith.addi %mul3A_360, %add3A_361 : i32
      %mul3A_363 = arith.constant 16 : i32
      %mul3A_364 = arith.muli %add3A_362, %mul3A_363 : i32
      %get3A_365 = arith.index_cast %mul3A_364 : i32 to index
      %get3A_366 = tpu.vector_load %arg5[%get3A_365] {strides = array<i32>} : memref<32768xf32, #tpu.memory_space<vmem>>, vector<16xf32>,
      %max3A_367 = arith.maximumf %max3A_358, %get3A_366 : vector<16xf32>
      %mul3A_368 = arith.constant 16 : i32
      %mul3A_369 = arith.muli %scan3A_278, %mul3A_368 : i32
      %add3A_370 = arith.constant 10 : i32
      %add3A_371 = arith.addi %mul3A_369, %add3A_370 : i32
      %mul3A_372 = arith.constant 16 : i32
      %mul3A_373 = arith.muli %add3A_371, %mul3A_372 : i32
      %get3A_374 = arith.index_cast %mul3A_373 : i32 to index
      %get3A_375 = tpu.vector_load %arg5[%get3A_374] {strides = array<i32>} : memref<32768xf32, #tpu.memory_space<vmem>>, vector<16xf32>,
      %max3A_376 = arith.maximumf %max3A_367, %get3A_375 : vector<16xf32>
      %mul3A_377 = arith.constant 16 : i32
      %mul3A_378 = arith.muli %scan3A_278, %mul3A_377 : i32
      %add3A_379 = arith.constant 11 : i32
      %add3A_380 = arith.addi %mul3A_378, %add3A_379 : i32
      %mul3A_381 = arith.constant 16 : i32
      %mul3A_382 = arith.muli %add3A_380, %mul3A_381 : i32
      %get3A_383 = arith.index_cast %mul3A_382 : i32 to index
      %get3A_384 = tpu.vector_load %arg5[%get3A_383] {strides = array<i32>} : memref<32768xf32, #tpu.memory_space<vmem>>, vector<16xf32>,
      %max3A_385 = arith.maximumf %max3A_376, %get3A_384 : vector<16xf32>
      %mul3A_386 = arith.constant 16 : i32
      %mul3A_387 = arith.muli %scan3A_278, %mul3A_386 : i32
      %add3A_388 = arith.constant 12 : i32
      %add3A_389 = arith.addi %mul3A_387, %add3A_388 : i32
      %mul3A_390 = arith.constant 16 : i32
      %mul3A_391 = arith.muli %add3A_389, %mul3A_390 : i32
      %get3A_392 = arith.index_cast %mul3A_391 : i32 to index
      %get3A_393 = tpu.vector_load %arg5[%get3A_392] {strides = array<i32>} : memref<32768xf32, #tpu.memory_space<vmem>>, vector<16xf32>,
      %max3A_394 = arith.maximumf %max3A_385, %get3A_393 : vector<16xf32>
      %mul3A_395 = arith.constant 16 : i32
      %mul3A_396 = arith.muli %scan3A_278, %mul3A_395 : i32
      %add3A_397 = arith.constant 13 : i32
      %add3A_398 = arith.addi %mul3A_396, %add3A_397 : i32
      %mul3A_399 = arith.constant 16 : i32
      %mul3A_400 = arith.muli %add3A_398, %mul3A_399 : i32
      %get3A_401 = arith.index_cast %mul3A_400 : i32 to index
      %get3A_402 = tpu.vector_load %arg5[%get3A_401] {strides = array<i32>} : memref<32768xf32, #tpu.memory_space<vmem>>, vector<16xf32>,
      %max3A_403 = arith.maximumf %max3A_394, %get3A_402 : vector<16xf32>
      %mul3A_404 = arith.constant 16 : i32
      %mul3A_405 = arith.muli %scan3A_278, %mul3A_404 : i32
      %add3A_406 = arith.constant 14 : i32
      %add3A_407 = arith.addi %mul3A_405, %add3A_406 : i32
      %mul3A_408 = arith.constant 16 : i32
      %mul3A_409 = arith.muli %add3A_407, %mul3A_408 : i32
      %get3A_410 = arith.index_cast %mul3A_409 : i32 to index
      %get3A_411 = tpu.vector_load %arg5[%get3A_410] {strides = array<i32>} : memref<32768xf32, #tpu.memory_space<vmem>>, vector<16xf32>,
      %max3A_412 = arith.maximumf %max3A_403, %get3A_411 : vector<16xf32>
      %mul3A_413 = arith.constant 16 : i32
      %mul3A_414 = arith.muli %scan3A_278, %mul3A_413 : i32
      %add3A_415 = arith.constant 15 : i32
      %add3A_416 = arith.addi %mul3A_414, %add3A_415 : i32
      %mul3A_417 = arith.constant 16 : i32
      %mul3A_418 = arith.muli %add3A_416, %mul3A_417 : i32
      %get3A_419 = arith.index_cast %mul3A_418 : i32 to index
      %get3A_420 = tpu.vector_load %arg5[%get3A_419] {strides = array<i32>} : memref<32768xf32, #tpu.memory_space<vmem>>, vector<16xf32>,
      %max3A_421 = arith.maximumf %max3A_412, %get3A_420 : vector<16xf32>
      scf.yield %max3A_421 : vector<16xf32>
    }
    %scan3A_80 = arith.constant 128 : i32
    %reduce_max3A_81 = arith.constant true
    %reduce_max3A_82 = vector.broadcast %reduce_max3A_81 : i1 to vector<16xi1>
    %reduce_max3A_83 = tpu.scan <max>, %scan3A_79 masked %reduce_max3A_82 : vector<16xf32>, vector<16xi1> -> vector<16xf32>
    %reduce_max3A_84 = vector.extract %reduce_max3A_83[15] : f32 from vector<16xf32>
    %broadcast_in_dim3A_85 = vector.broadcast %reduce_max3A_84 : f32 to vector<16xf32>
    %sub3A_86 = arith.constant 1.000000e+00 : f32
    %sub3A_87 = vector.broadcast %sub3A_86 : f32 to vector<16xf32>
    %sub3A_88 = arith.subf %broadcast_in_dim3A_85, %sub3A_87 : vector<16xf32>
    %iota3A_89 = tpu.iota {dimensions = array<i32: 0>} : vector<16xi32>
    %broadcast_in_dim3A_90 = arith.constant 16 : i32
    %broadcast_in_dim3A_91 = vector.broadcast %broadcast_in_dim3A_90 : i32 to vector<16xi32>
    %broadcast_in_dim3A_92 = arith.constant 0 : i32
    %broadcast_in_dim3A_93 = vector.broadcast %broadcast_in_dim3A_92 : i32 to vector<16xi32>
    %parallel_loop3A_94 = arith.constant 0 : i32
    %parallel_loop3A_95 = arith.constant 2048 : i32
    %parallel_loop3A_96 = arith.constant 1 : i32
    %parallel_loop3A_97 = scf.for %parallel_loop3A_278 = %parallel_loop3A_94 to %parallel_loop3A_95 step %parallel_loop3A_96 iter_args(%parallel_loop3A_279 = %iota3A_89) -> (vector<16xi32>)  : i32 {
      %parallel_loop3A_280 = arith.constant 16 : i32
      %parallel_loop3A_281 = arith.muli %parallel_loop3A_278, %parallel_loop3A_280 : i32
      %parallel_loop3A_282 = arith.index_cast %parallel_loop3A_281 : i32 to index
      %parallel_loop3A_283 = tpu.vector_load %arg5[%parallel_loop3A_282] {strides = array<i32>} : memref<32768xf32, #tpu.memory_space<vmem>>, vector<16xf32>,
      %parallel_loop3A_284 = arith.cmpf ogt, %parallel_loop3A_283, %sub3A_88 : vector<16xf32>
      %parallel_loop3A_285 = tpu.all_reduce %parallel_loop3A_284 {dim = 0 : i64, kind = #tpu.reduction_kind<sum>} : vector<16xi1> -> vector<16xi32>
      %parallel_loop3A_286 = arith.constant 0 : i32
      %parallel_loop3A_287 = vector.broadcast %parallel_loop3A_286 : i32 to vector<16xi32>
      %parallel_loop3A_288 = arith.cmpi sgt, %parallel_loop3A_285, %parallel_loop3A_287 : vector<16xi32>
      tpu.vector_store_idx %arg6[%parallel_loop3A_279], %parallel_loop3A_283 masked %parallel_loop3A_288 : memref<32768xf32, #tpu.memory_space<vmem>>[vector<16xi32>], vector<16xf32>, vector<16xi1>
      %parallel_loop3A_289 = arith.select %parallel_loop3A_288, %broadcast_in_dim3A_91, %broadcast_in_dim3A_93 : vector<16xi1>, vector<16xi32>
      %parallel_loop3A_290 = arith.addi %parallel_loop3A_279, %parallel_loop3A_289 : vector<16xi32>
      scf.yield %parallel_loop3A_290 : vector<16xi32>
    } {sc.loop_unroll_factor = 8 : i64, sc.parallel_access}
    %reduce_max3A_98 = arith.constant true
    %reduce_max3A_99 = vector.broadcast %reduce_max3A_98 : i1 to vector<16xi1>
    %reduce_max3A_100 = arith.constant -2147483648 : i32
    %reduce_max3A_101 = vector.broadcast %reduce_max3A_100 : i32 to vector<16xi32>
    %reduce_max3A_102 = arith.xori %parallel_loop3A_97, %reduce_max3A_101 : vector<16xi32>
    %reduce_max3A_103 = tpu.scan <max>, %reduce_max3A_102 masked %reduce_max3A_99 : vector<16xi32>, vector<16xi1> -> vector<16xi32>
    %reduce_max3A_104 = arith.xori %reduce_max3A_103, %reduce_max3A_101 : vector<16xi32>
    %reduce_max3A_105 = vector.extract %reduce_max3A_104[15] : i32 from vector<16xi32>
    %sub3A_106 = arith.constant 15 : i32
    %sub3A_107 = arith.subi %reduce_max3A_105, %sub3A_106 : i32
    %while3A_108 = arith.constant false
    %while3A_109:2 = scf.while (%while3A_278 = %sub3A_88, %while3A_279 = %while3A_108) : (vector<16xf32>, i1) -> (vector<16xf32>, i1) {
      %not3A = arith.constant true
      %not3A_280 = arith.xori %while3A_279, %not3A : i1
      scf.condition(%not3A_280) %while3A_278, %while3A_279 : vector<16xf32>, i1
    } do {
    ^bb0(%while3A_278: vector<16xf32>, %while3A_279: i1):
      %broadcast_in_dim3A_280 = arith.constant 0.000000e+00 : f32
      %broadcast_in_dim3A_281 = vector.broadcast %broadcast_in_dim3A_280 : f32 to vector<16xf32>
      %div3A = arith.constant 16 : i32
      %div3A_282 = arith.divsi %sub3A_107, %div3A : i32
      %while3A_283 = arith.constant 0 : i32
      %while3A_284 = arith.subi %div3A_282, %while3A_283 : i32
      %while3A_285 = arith.addi %while3A_283, %while3A_284 : i32
      %while3A_286 = arith.constant 1 : i32
      %while3A_287 = arith.divsi %while3A_284, %while3A_286 : i32
      %while3A_288 = arith.muli %while3A_287, %while3A_286 : i32
      %while3A_289 = arith.addi %while3A_283, %while3A_288 : i32
      %while3A_290 = arith.constant 1 : i32
      %while3A_291:2 = scf.for %while3A_317 = %while3A_283 to %while3A_289 step %while3A_290 iter_args(%while3A_318 = %broadcast_in_dim3A_281, %while3A_319 = %broadcast_in_dim3A_281) -> (vector<16xf32>, vector<16xf32>)  : i32 {
        %mul3A_320 = arith.constant 16 : i32
        %mul3A_321 = arith.muli %while3A_317, %mul3A_320 : i32
        %get3A = arith.index_cast %mul3A_321 : i32 to index
        %get3A_322 = tpu.vector_load %arg6[%get3A] {strides = array<i32>} : memref<32768xf32, #tpu.memory_space<vmem>>, vector<16xf32>,
        %gt3A = arith.cmpf ogt, %get3A_322, %while3A_278 : vector<16xf32>
        %jit3A = arith.constant 0.000000e+00 : f32
        %broadcast_in_dim3A_323 = vector.broadcast %jit3A : f32 to vector<16xf32>
        %select_n3A = arith.select %gt3A, %get3A_322, %broadcast_in_dim3A_323 : vector<16xi1>, vector<16xf32>
        %add3A_324 = arith.addf %while3A_318, %select_n3A : vector<16xf32>
        %jit3A_325 = arith.constant 1.000000e+00 : f32
        %jit3A_326 = arith.constant 0.000000e+00 : f32
        %broadcast_in_dim3A_327 = vector.broadcast %jit3A_325 : f32 to vector<16xf32>
        %broadcast_in_dim3A_328 = vector.broadcast %jit3A_326 : f32 to vector<16xf32>
        %select_n3A_329 = arith.select %gt3A, %broadcast_in_dim3A_327, %broadcast_in_dim3A_328 : vector<16xi1>, vector<16xf32>
        %add3A_330 = arith.addf %while3A_319, %select_n3A_329 : vector<16xf32>
        scf.yield %add3A_324, %add3A_330 : vector<16xf32>, vector<16xf32>
      }
      %while3A_292 = arith.constant 1 : i32
      %while3A_293:2 = scf.for %while3A_317 = %while3A_289 to %while3A_285 step %while3A_292 iter_args(%while3A_318 = %while3A_291#0, %while3A_319 = %while3A_291#1) -> (vector<16xf32>, vector<16xf32>)  : i32 {
        %mul3A_320 = arith.constant 16 : i32
        %mul3A_321 = arith.muli %while3A_317, %mul3A_320 : i32
        %get3A = arith.index_cast %mul3A_321 : i32 to index
        %get3A_322 = tpu.vector_load %arg6[%get3A] {strides = array<i32>} : memref<32768xf32, #tpu.memory_space<vmem>>, vector<16xf32>,
        %gt3A = arith.cmpf ogt, %get3A_322, %while3A_278 : vector<16xf32>
        %jit3A = arith.constant 0.000000e+00 : f32
        %broadcast_in_dim3A_323 = vector.broadcast %jit3A : f32 to vector<16xf32>
        %select_n3A = arith.select %gt3A, %get3A_322, %broadcast_in_dim3A_323 : vector<16xi1>, vector<16xf32>
        %add3A_324 = arith.addf %while3A_318, %select_n3A : vector<16xf32>
        %jit3A_325 = arith.constant 1.000000e+00 : f32
        %jit3A_326 = arith.constant 0.000000e+00 : f32
        %broadcast_in_dim3A_327 = vector.broadcast %jit3A_325 : f32 to vector<16xf32>
        %broadcast_in_dim3A_328 = vector.broadcast %jit3A_326 : f32 to vector<16xf32>
        %select_n3A_329 = arith.select %gt3A, %broadcast_in_dim3A_327, %broadcast_in_dim3A_328 : vector<16xi1>, vector<16xf32>
        %add3A_330 = arith.addf %while3A_319, %select_n3A_329 : vector<16xf32>
        scf.yield %add3A_324, %add3A_330 : vector<16xf32>, vector<16xf32>
      }
      %reduce_sum3A = arith.constant true
      %reduce_sum3A_294 = vector.broadcast %reduce_sum3A : i1 to vector<16xi1>
      %reduce_sum3A_295 = tpu.scan <sum>, %while3A_293#0 masked %reduce_sum3A_294 : vector<16xf32>, vector<16xi1> -> vector<16xf32>
      %reduce_sum3A_296 = vector.extract %reduce_sum3A_295[15] : f32 from vector<16xf32>
      %reduce_sum3A_297 = arith.constant true
      %reduce_sum3A_298 = vector.broadcast %reduce_sum3A_297 : i1 to vector<16xi1>
      %reduce_sum3A_299 = tpu.scan <sum>, %while3A_293#1 masked %reduce_sum3A_298 : vector<16xf32>, vector<16xi1> -> vector<16xf32>
      %reduce_sum3A_300 = vector.extract %reduce_sum3A_299[15] : f32 from vector<16xf32>
      %broadcast_in_dim3A_301 = vector.broadcast %reduce_sum3A_296 : f32 to vector<16xf32>
      %sub3A_302 = arith.constant 1.000000e+00 : f32
      %sub3A_303 = vector.broadcast %sub3A_302 : f32 to vector<16xf32>
      %sub3A_304 = arith.subf %broadcast_in_dim3A_301, %sub3A_303 : vector<16xf32>
      %broadcast_in_dim3A_305 = vector.broadcast %reduce_sum3A_300 : f32 to vector<16xf32>
      %div3A_306 = arith.divf %sub3A_304, %broadcast_in_dim3A_305 : vector<16xf32>
      %max3A = arith.maximumf %while3A_278, %div3A_306 : vector<16xf32>
      %eq3A = arith.cmpf oeq, %max3A, %while3A_278 : vector<16xf32>
      %reduce_and3A = arith.constant 1.000000e+00 : f32
      %reduce_and3A_307 = arith.constant 0.000000e+00 : f32
      %reduce_and3A_308 = vector.broadcast %reduce_and3A : f32 to vector<16xf32>
      %reduce_and3A_309 = vector.broadcast %reduce_and3A_307 : f32 to vector<16xf32>
      %reduce_and3A_310 = arith.select %eq3A, %reduce_and3A_308, %reduce_and3A_309 : vector<16xi1>, vector<16xf32>
      %reduce_and3A_311 = arith.constant true
      %reduce_and3A_312 = vector.broadcast %reduce_and3A_311 : i1 to vector<16xi1>
      %reduce_and3A_313 = tpu.scan <min>, %reduce_and3A_310 masked %reduce_and3A_312 : vector<16xf32>, vector<16xi1> -> vector<16xf32>
      %reduce_and3A_314 = vector.extract %reduce_and3A_313[15] : f32 from vector<16xf32>
      %reduce_and3A_315 = arith.constant 0.000000e+00 : f32
      %reduce_and3A_316 = arith.cmpf ogt, %reduce_and3A_314, %reduce_and3A_315 : f32
      scf.yield %max3A, %reduce_and3A_316 : vector<16xf32>, i1
    }
    %dma_wait3A_110 = arith.constant 0 : i32
    %dma_wait3A_111 = tpu.memref_slice %arg3[%add3A_60, %dma_wait3A_110] : memref<128x32768xf32, #tpu.memory_space<hbm>> -> memref<1x32768xf32, #tpu.memory_space<hbm>>
    %dma_wait3A_112 = tpu.memref_squeeze %dma_wait3A_111 : memref<1x32768xf32, #tpu.memory_space<hbm>> -> memref<32768xf32, #tpu.memory_space<hbm>>
    %dma_wait3A_113 = arith.constant 0 : i32
    %dma_wait3A_114 = tpu.memref_slice %arg3[%add3A_60, %dma_wait3A_113] : memref<128x32768xf32, #tpu.memory_space<hbm>> -> memref<1x32768xf32, #tpu.memory_space<hbm>>
    %dma_wait3A_115 = tpu.memref_squeeze %dma_wait3A_114 : memref<1x32768xf32, #tpu.memory_space<hbm>> -> memref<32768xf32, #tpu.memory_space<hbm>>
    tpu.wait_dma2 semaphore(%arg9 : memref<!tpu.dma_semaphore, #tpu.memory_space<semaphore_mem>>) src(%arg4 : memref<32768xf32, #tpu.memory_space<vmem>>) dst(%dma_wait3A_115 : memref<32768xf32, #tpu.memory_space<hbm>>)
    %add3A_116 = arith.constant 2 : i32
    %add3A_117 = arith.addi %mul3A_2, %add3A_116 : i32
    %dma_start3A_118 = arith.constant 0 : i32
    %dma_start3A_119 = tpu.memref_slice %arg2[%add3A_117, %dma_start3A_118] : memref<128x32768xf32, #tpu.memory_space<hbm>> -> memref<1x32768xf32, #tpu.memory_space<hbm>>
    %dma_start3A_120 = tpu.memref_squeeze %dma_start3A_119 : memref<1x32768xf32, #tpu.memory_space<hbm>> -> memref<32768xf32, #tpu.memory_space<hbm>>
    %dma_start3A_121 = arith.constant 0 : i32
    %dma_start3A_122 = tpu.memref_slice %arg2[%add3A_117, %dma_start3A_121] : memref<128x32768xf32, #tpu.memory_space<hbm>> -> memref<1x32768xf32, #tpu.memory_space<hbm>>
    %dma_start3A_123 = tpu.memref_squeeze %dma_start3A_122 : memref<1x32768xf32, #tpu.memory_space<hbm>> -> memref<32768xf32, #tpu.memory_space<hbm>>
    tpu.enqueue_dma source(%dma_start3A_123 : memref<32768xf32, #tpu.memory_space<hbm>>) target(%arg4 : memref<32768xf32, #tpu.memory_space<vmem>>) target_semaphore(%arg7 : memref<!tpu.dma_semaphore, #tpu.memory_space<semaphore_mem>>)
    %scan3A_124 = arith.constant 0 : i32
    %scan3A_125 = arith.constant 0 : i32
    %scan3A_126 = arith.constant 128 : i32
    %scan3A_127 = arith.addi %scan3A_125, %scan3A_126 : i32
    %scan3A_128 = arith.constant 1 : i32
    scf.for %scan3A_278 = %scan3A_125 to %scan3A_127 step %scan3A_128  : i32 {
      %mul3A_279 = arith.constant 16 : i32
      %mul3A_280 = arith.muli %scan3A_278, %mul3A_279 : i32
      %add3A_281 = arith.constant 0 : i32
      %add3A_282 = arith.addi %mul3A_280, %add3A_281 : i32
      %mul3A_283 = arith.constant 16 : i32
      %mul3A_284 = arith.muli %add3A_282, %mul3A_283 : i32
      %get3A = arith.index_cast %mul3A_284 : i32 to index
      %get3A_285 = tpu.vector_load %arg5[%get3A] {strides = array<i32>} : memref<32768xf32, #tpu.memory_space<vmem>>, vector<16xf32>,
      %sub3A_286 = arith.subf %get3A_285, %while3A_109#0 : vector<16xf32>
      %max3A = arith.constant 0.000000e+00 : f32
      %max3A_287 = vector.broadcast %max3A : f32 to vector<16xf32>
      %max3A_288 = arith.maximumf %sub3A_286, %max3A_287 : vector<16xf32>
      %swap3A = arith.index_cast %mul3A_284 : i32 to index
      %swap3A_289 = tpu.vector_load %arg5[%swap3A] {strides = array<i32>} : memref<32768xf32, #tpu.memory_space<vmem>>, vector<16xf32>,
      tpu.vector_store %arg5[%swap3A], %max3A_288 {strides = array<i32>} : memref<32768xf32, #tpu.memory_space<vmem>>, vector<16xf32>,
      %mul3A_290 = arith.constant 16 : i32
      %mul3A_291 = arith.muli %scan3A_278, %mul3A_290 : i32
      %add3A_292 = arith.constant 1 : i32
      %add3A_293 = arith.addi %mul3A_291, %add3A_292 : i32
      %mul3A_294 = arith.constant 16 : i32
      %mul3A_295 = arith.muli %add3A_293, %mul3A_294 : i32
      %get3A_296 = arith.index_cast %mul3A_295 : i32 to index
      %get3A_297 = tpu.vector_load %arg5[%get3A_296] {strides = array<i32>} : memref<32768xf32, #tpu.memory_space<vmem>>, vector<16xf32>,
      %sub3A_298 = arith.subf %get3A_297, %while3A_109#0 : vector<16xf32>
      %max3A_299 = arith.constant 0.000000e+00 : f32
      %max3A_300 = vector.broadcast %max3A_299 : f32 to vector<16xf32>
      %max3A_301 = arith.maximumf %sub3A_298, %max3A_300 : vector<16xf32>
      %swap3A_302 = arith.index_cast %mul3A_295 : i32 to index
      %swap3A_303 = tpu.vector_load %arg5[%swap3A_302] {strides = array<i32>} : memref<32768xf32, #tpu.memory_space<vmem>>, vector<16xf32>,
      tpu.vector_store %arg5[%swap3A_302], %max3A_301 {strides = array<i32>} : memref<32768xf32, #tpu.memory_space<vmem>>, vector<16xf32>,
      %mul3A_304 = arith.constant 16 : i32
      %mul3A_305 = arith.muli %scan3A_278, %mul3A_304 : i32
      %add3A_306 = arith.constant 2 : i32
      %add3A_307 = arith.addi %mul3A_305, %add3A_306 : i32
      %mul3A_308 = arith.constant 16 : i32
      %mul3A_309 = arith.muli %add3A_307, %mul3A_308 : i32
      %get3A_310 = arith.index_cast %mul3A_309 : i32 to index
      %get3A_311 = tpu.vector_load %arg5[%get3A_310] {strides = array<i32>} : memref<32768xf32, #tpu.memory_space<vmem>>, vector<16xf32>,
      %sub3A_312 = arith.subf %get3A_311, %while3A_109#0 : vector<16xf32>
      %max3A_313 = arith.constant 0.000000e+00 : f32
      %max3A_314 = vector.broadcast %max3A_313 : f32 to vector<16xf32>
      %max3A_315 = arith.maximumf %sub3A_312, %max3A_314 : vector<16xf32>
      %swap3A_316 = arith.index_cast %mul3A_309 : i32 to index
      %swap3A_317 = tpu.vector_load %arg5[%swap3A_316] {strides = array<i32>} : memref<32768xf32, #tpu.memory_space<vmem>>, vector<16xf32>,
      tpu.vector_store %arg5[%swap3A_316], %max3A_315 {strides = array<i32>} : memref<32768xf32, #tpu.memory_space<vmem>>, vector<16xf32>,
      %mul3A_318 = arith.constant 16 : i32
      %mul3A_319 = arith.muli %scan3A_278, %mul3A_318 : i32
      %add3A_320 = arith.constant 3 : i32
      %add3A_321 = arith.addi %mul3A_319, %add3A_320 : i32
      %mul3A_322 = arith.constant 16 : i32
      %mul3A_323 = arith.muli %add3A_321, %mul3A_322 : i32
      %get3A_324 = arith.index_cast %mul3A_323 : i32 to index
      %get3A_325 = tpu.vector_load %arg5[%get3A_324] {strides = array<i32>} : memref<32768xf32, #tpu.memory_space<vmem>>, vector<16xf32>,
      %sub3A_326 = arith.subf %get3A_325, %while3A_109#0 : vector<16xf32>
      %max3A_327 = arith.constant 0.000000e+00 : f32
      %max3A_328 = vector.broadcast %max3A_327 : f32 to vector<16xf32>
      %max3A_329 = arith.maximumf %sub3A_326, %max3A_328 : vector<16xf32>
      %swap3A_330 = arith.index_cast %mul3A_323 : i32 to index
      %swap3A_331 = tpu.vector_load %arg5[%swap3A_330] {strides = array<i32>} : memref<32768xf32, #tpu.memory_space<vmem>>, vector<16xf32>,
      tpu.vector_store %arg5[%swap3A_330], %max3A_329 {strides = array<i32>} : memref<32768xf32, #tpu.memory_space<vmem>>, vector<16xf32>,
      %mul3A_332 = arith.constant 16 : i32
      %mul3A_333 = arith.muli %scan3A_278, %mul3A_332 : i32
      %add3A_334 = arith.constant 4 : i32
      %add3A_335 = arith.addi %mul3A_333, %add3A_334 : i32
      %mul3A_336 = arith.constant 16 : i32
      %mul3A_337 = arith.muli %add3A_335, %mul3A_336 : i32
      %get3A_338 = arith.index_cast %mul3A_337 : i32 to index
      %get3A_339 = tpu.vector_load %arg5[%get3A_338] {strides = array<i32>} : memref<32768xf32, #tpu.memory_space<vmem>>, vector<16xf32>,
      %sub3A_340 = arith.subf %get3A_339, %while3A_109#0 : vector<16xf32>
      %max3A_341 = arith.constant 0.000000e+00 : f32
      %max3A_342 = vector.broadcast %max3A_341 : f32 to vector<16xf32>
      %max3A_343 = arith.maximumf %sub3A_340, %max3A_342 : vector<16xf32>
      %swap3A_344 = arith.index_cast %mul3A_337 : i32 to index
      %swap3A_345 = tpu.vector_load %arg5[%swap3A_344] {strides = array<i32>} : memref<32768xf32, #tpu.memory_space<vmem>>, vector<16xf32>,
      tpu.vector_store %arg5[%swap3A_344], %max3A_343 {strides = array<i32>} : memref<32768xf32, #tpu.memory_space<vmem>>, vector<16xf32>,
      %mul3A_346 = arith.constant 16 : i32
      %mul3A_347 = arith.muli %scan3A_278, %mul3A_346 : i32
      %add3A_348 = arith.constant 5 : i32
      %add3A_349 = arith.addi %mul3A_347, %add3A_348 : i32
      %mul3A_350 = arith.constant 16 : i32
      %mul3A_351 = arith.muli %add3A_349, %mul3A_350 : i32
      %get3A_352 = arith.index_cast %mul3A_351 : i32 to index
      %get3A_353 = tpu.vector_load %arg5[%get3A_352] {strides = array<i32>} : memref<32768xf32, #tpu.memory_space<vmem>>, vector<16xf32>,
      %sub3A_354 = arith.subf %get3A_353, %while3A_109#0 : vector<16xf32>
      %max3A_355 = arith.constant 0.000000e+00 : f32
      %max3A_356 = vector.broadcast %max3A_355 : f32 to vector<16xf32>
      %max3A_357 = arith.maximumf %sub3A_354, %max3A_356 : vector<16xf32>
      %swap3A_358 = arith.index_cast %mul3A_351 : i32 to index
      %swap3A_359 = tpu.vector_load %arg5[%swap3A_358] {strides = array<i32>} : memref<32768xf32, #tpu.memory_space<vmem>>, vector<16xf32>,
      tpu.vector_store %arg5[%swap3A_358], %max3A_357 {strides = array<i32>} : memref<32768xf32, #tpu.memory_space<vmem>>, vector<16xf32>,
      %mul3A_360 = arith.constant 16 : i32
      %mul3A_361 = arith.muli %scan3A_278, %mul3A_360 : i32
      %add3A_362 = arith.constant 6 : i32
      %add3A_363 = arith.addi %mul3A_361, %add3A_362 : i32
      %mul3A_364 = arith.constant 16 : i32
      %mul3A_365 = arith.muli %add3A_363, %mul3A_364 : i32
      %get3A_366 = arith.index_cast %mul3A_365 : i32 to index
      %get3A_367 = tpu.vector_load %arg5[%get3A_366] {strides = array<i32>} : memref<32768xf32, #tpu.memory_space<vmem>>, vector<16xf32>,
      %sub3A_368 = arith.subf %get3A_367, %while3A_109#0 : vector<16xf32>
      %max3A_369 = arith.constant 0.000000e+00 : f32
      %max3A_370 = vector.broadcast %max3A_369 : f32 to vector<16xf32>
      %max3A_371 = arith.maximumf %sub3A_368, %max3A_370 : vector<16xf32>
      %swap3A_372 = arith.index_cast %mul3A_365 : i32 to index
      %swap3A_373 = tpu.vector_load %arg5[%swap3A_372] {strides = array<i32>} : memref<32768xf32, #tpu.memory_space<vmem>>, vector<16xf32>,
      tpu.vector_store %arg5[%swap3A_372], %max3A_371 {strides = array<i32>} : memref<32768xf32, #tpu.memory_space<vmem>>, vector<16xf32>,
      %mul3A_374 = arith.constant 16 : i32
      %mul3A_375 = arith.muli %scan3A_278, %mul3A_374 : i32
      %add3A_376 = arith.constant 7 : i32
      %add3A_377 = arith.addi %mul3A_375, %add3A_376 : i32
      %mul3A_378 = arith.constant 16 : i32
      %mul3A_379 = arith.muli %add3A_377, %mul3A_378 : i32
      %get3A_380 = arith.index_cast %mul3A_379 : i32 to index
      %get3A_381 = tpu.vector_load %arg5[%get3A_380] {strides = array<i32>} : memref<32768xf32, #tpu.memory_space<vmem>>, vector<16xf32>,
      %sub3A_382 = arith.subf %get3A_381, %while3A_109#0 : vector<16xf32>
      %max3A_383 = arith.constant 0.000000e+00 : f32
      %max3A_384 = vector.broadcast %max3A_383 : f32 to vector<16xf32>
      %max3A_385 = arith.maximumf %sub3A_382, %max3A_384 : vector<16xf32>
      %swap3A_386 = arith.index_cast %mul3A_379 : i32 to index
      %swap3A_387 = tpu.vector_load %arg5[%swap3A_386] {strides = array<i32>} : memref<32768xf32, #tpu.memory_space<vmem>>, vector<16xf32>,
      tpu.vector_store %arg5[%swap3A_386], %max3A_385 {strides = array<i32>} : memref<32768xf32, #tpu.memory_space<vmem>>, vector<16xf32>,
      %mul3A_388 = arith.constant 16 : i32
      %mul3A_389 = arith.muli %scan3A_278, %mul3A_388 : i32
      %add3A_390 = arith.constant 8 : i32
      %add3A_391 = arith.addi %mul3A_389, %add3A_390 : i32
      %mul3A_392 = arith.constant 16 : i32
      %mul3A_393 = arith.muli %add3A_391, %mul3A_392 : i32
      %get3A_394 = arith.index_cast %mul3A_393 : i32 to index
      %get3A_395 = tpu.vector_load %arg5[%get3A_394] {strides = array<i32>} : memref<32768xf32, #tpu.memory_space<vmem>>, vector<16xf32>,
      %sub3A_396 = arith.subf %get3A_395, %while3A_109#0 : vector<16xf32>
      %max3A_397 = arith.constant 0.000000e+00 : f32
      %max3A_398 = vector.broadcast %max3A_397 : f32 to vector<16xf32>
      %max3A_399 = arith.maximumf %sub3A_396, %max3A_398 : vector<16xf32>
      %swap3A_400 = arith.index_cast %mul3A_393 : i32 to index
      %swap3A_401 = tpu.vector_load %arg5[%swap3A_400] {strides = array<i32>} : memref<32768xf32, #tpu.memory_space<vmem>>, vector<16xf32>,
      tpu.vector_store %arg5[%swap3A_400], %max3A_399 {strides = array<i32>} : memref<32768xf32, #tpu.memory_space<vmem>>, vector<16xf32>,
      %mul3A_402 = arith.constant 16 : i32
      %mul3A_403 = arith.muli %scan3A_278, %mul3A_402 : i32
      %add3A_404 = arith.constant 9 : i32
      %add3A_405 = arith.addi %mul3A_403, %add3A_404 : i32
      %mul3A_406 = arith.constant 16 : i32
      %mul3A_407 = arith.muli %add3A_405, %mul3A_406 : i32
      %get3A_408 = arith.index_cast %mul3A_407 : i32 to index
      %get3A_409 = tpu.vector_load %arg5[%get3A_408] {strides = array<i32>} : memref<32768xf32, #tpu.memory_space<vmem>>, vector<16xf32>,
      %sub3A_410 = arith.subf %get3A_409, %while3A_109#0 : vector<16xf32>
      %max3A_411 = arith.constant 0.000000e+00 : f32
      %max3A_412 = vector.broadcast %max3A_411 : f32 to vector<16xf32>
      %max3A_413 = arith.maximumf %sub3A_410, %max3A_412 : vector<16xf32>
      %swap3A_414 = arith.index_cast %mul3A_407 : i32 to index
      %swap3A_415 = tpu.vector_load %arg5[%swap3A_414] {strides = array<i32>} : memref<32768xf32, #tpu.memory_space<vmem>>, vector<16xf32>,
      tpu.vector_store %arg5[%swap3A_414], %max3A_413 {strides = array<i32>} : memref<32768xf32, #tpu.memory_space<vmem>>, vector<16xf32>,
      %mul3A_416 = arith.constant 16 : i32
      %mul3A_417 = arith.muli %scan3A_278, %mul3A_416 : i32
      %add3A_418 = arith.constant 10 : i32
      %add3A_419 = arith.addi %mul3A_417, %add3A_418 : i32
      %mul3A_420 = arith.constant 16 : i32
      %mul3A_421 = arith.muli %add3A_419, %mul3A_420 : i32
      %get3A_422 = arith.index_cast %mul3A_421 : i32 to index
      %get3A_423 = tpu.vector_load %arg5[%get3A_422] {strides = array<i32>} : memref<32768xf32, #tpu.memory_space<vmem>>, vector<16xf32>,
      %sub3A_424 = arith.subf %get3A_423, %while3A_109#0 : vector<16xf32>
      %max3A_425 = arith.constant 0.000000e+00 : f32
      %max3A_426 = vector.broadcast %max3A_425 : f32 to vector<16xf32>
      %max3A_427 = arith.maximumf %sub3A_424, %max3A_426 : vector<16xf32>
      %swap3A_428 = arith.index_cast %mul3A_421 : i32 to index
      %swap3A_429 = tpu.vector_load %arg5[%swap3A_428] {strides = array<i32>} : memref<32768xf32, #tpu.memory_space<vmem>>, vector<16xf32>,
      tpu.vector_store %arg5[%swap3A_428], %max3A_427 {strides = array<i32>} : memref<32768xf32, #tpu.memory_space<vmem>>, vector<16xf32>,
      %mul3A_430 = arith.constant 16 : i32
      %mul3A_431 = arith.muli %scan3A_278, %mul3A_430 : i32
      %add3A_432 = arith.constant 11 : i32
      %add3A_433 = arith.addi %mul3A_431, %add3A_432 : i32
      %mul3A_434 = arith.constant 16 : i32
      %mul3A_435 = arith.muli %add3A_433, %mul3A_434 : i32
      %get3A_436 = arith.index_cast %mul3A_435 : i32 to index
      %get3A_437 = tpu.vector_load %arg5[%get3A_436] {strides = array<i32>} : memref<32768xf32, #tpu.memory_space<vmem>>, vector<16xf32>,
      %sub3A_438 = arith.subf %get3A_437, %while3A_109#0 : vector<16xf32>
      %max3A_439 = arith.constant 0.000000e+00 : f32
      %max3A_440 = vector.broadcast %max3A_439 : f32 to vector<16xf32>
      %max3A_441 = arith.maximumf %sub3A_438, %max3A_440 : vector<16xf32>
      %swap3A_442 = arith.index_cast %mul3A_435 : i32 to index
      %swap3A_443 = tpu.vector_load %arg5[%swap3A_442] {strides = array<i32>} : memref<32768xf32, #tpu.memory_space<vmem>>, vector<16xf32>,
      tpu.vector_store %arg5[%swap3A_442], %max3A_441 {strides = array<i32>} : memref<32768xf32, #tpu.memory_space<vmem>>, vector<16xf32>,
      %mul3A_444 = arith.constant 16 : i32
      %mul3A_445 = arith.muli %scan3A_278, %mul3A_444 : i32
      %add3A_446 = arith.constant 12 : i32
      %add3A_447 = arith.addi %mul3A_445, %add3A_446 : i32
      %mul3A_448 = arith.constant 16 : i32
      %mul3A_449 = arith.muli %add3A_447, %mul3A_448 : i32
      %get3A_450 = arith.index_cast %mul3A_449 : i32 to index
      %get3A_451 = tpu.vector_load %arg5[%get3A_450] {strides = array<i32>} : memref<32768xf32, #tpu.memory_space<vmem>>, vector<16xf32>,
      %sub3A_452 = arith.subf %get3A_451, %while3A_109#0 : vector<16xf32>
      %max3A_453 = arith.constant 0.000000e+00 : f32
      %max3A_454 = vector.broadcast %max3A_453 : f32 to vector<16xf32>
      %max3A_455 = arith.maximumf %sub3A_452, %max3A_454 : vector<16xf32>
      %swap3A_456 = arith.index_cast %mul3A_449 : i32 to index
      %swap3A_457 = tpu.vector_load %arg5[%swap3A_456] {strides = array<i32>} : memref<32768xf32, #tpu.memory_space<vmem>>, vector<16xf32>,
      tpu.vector_store %arg5[%swap3A_456], %max3A_455 {strides = array<i32>} : memref<32768xf32, #tpu.memory_space<vmem>>, vector<16xf32>,
      %mul3A_458 = arith.constant 16 : i32
      %mul3A_459 = arith.muli %scan3A_278, %mul3A_458 : i32
      %add3A_460 = arith.constant 13 : i32
      %add3A_461 = arith.addi %mul3A_459, %add3A_460 : i32
      %mul3A_462 = arith.constant 16 : i32
      %mul3A_463 = arith.muli %add3A_461, %mul3A_462 : i32
      %get3A_464 = arith.index_cast %mul3A_463 : i32 to index
      %get3A_465 = tpu.vector_load %arg5[%get3A_464] {strides = array<i32>} : memref<32768xf32, #tpu.memory_space<vmem>>, vector<16xf32>,
      %sub3A_466 = arith.subf %get3A_465, %while3A_109#0 : vector<16xf32>
      %max3A_467 = arith.constant 0.000000e+00 : f32
      %max3A_468 = vector.broadcast %max3A_467 : f32 to vector<16xf32>
      %max3A_469 = arith.maximumf %sub3A_466, %max3A_468 : vector<16xf32>
      %swap3A_470 = arith.index_cast %mul3A_463 : i32 to index
      %swap3A_471 = tpu.vector_load %arg5[%swap3A_470] {strides = array<i32>} : memref<32768xf32, #tpu.memory_space<vmem>>, vector<16xf32>,
      tpu.vector_store %arg5[%swap3A_470], %max3A_469 {strides = array<i32>} : memref<32768xf32, #tpu.memory_space<vmem>>, vector<16xf32>,
      %mul3A_472 = arith.constant 16 : i32
      %mul3A_473 = arith.muli %scan3A_278, %mul3A_472 : i32
      %add3A_474 = arith.constant 14 : i32
      %add3A_475 = arith.addi %mul3A_473, %add3A_474 : i32
      %mul3A_476 = arith.constant 16 : i32
      %mul3A_477 = arith.muli %add3A_475, %mul3A_476 : i32
      %get3A_478 = arith.index_cast %mul3A_477 : i32 to index
      %get3A_479 = tpu.vector_load %arg5[%get3A_478] {strides = array<i32>} : memref<32768xf32, #tpu.memory_space<vmem>>, vector<16xf32>,
      %sub3A_480 = arith.subf %get3A_479, %while3A_109#0 : vector<16xf32>
      %max3A_481 = arith.constant 0.000000e+00 : f32
      %max3A_482 = vector.broadcast %max3A_481 : f32 to vector<16xf32>
      %max3A_483 = arith.maximumf %sub3A_480, %max3A_482 : vector<16xf32>
      %swap3A_484 = arith.index_cast %mul3A_477 : i32 to index
      %swap3A_485 = tpu.vector_load %arg5[%swap3A_484] {strides = array<i32>} : memref<32768xf32, #tpu.memory_space<vmem>>, vector<16xf32>,
      tpu.vector_store %arg5[%swap3A_484], %max3A_483 {strides = array<i32>} : memref<32768xf32, #tpu.memory_space<vmem>>, vector<16xf32>,
      %mul3A_486 = arith.constant 16 : i32
      %mul3A_487 = arith.muli %scan3A_278, %mul3A_486 : i32
      %add3A_488 = arith.constant 15 : i32
      %add3A_489 = arith.addi %mul3A_487, %add3A_488 : i32
      %mul3A_490 = arith.constant 16 : i32
      %mul3A_491 = arith.muli %add3A_489, %mul3A_490 : i32
      %get3A_492 = arith.index_cast %mul3A_491 : i32 to index
      %get3A_493 = tpu.vector_load %arg5[%get3A_492] {strides = array<i32>} : memref<32768xf32, #tpu.memory_space<vmem>>, vector<16xf32>,
      %sub3A_494 = arith.subf %get3A_493, %while3A_109#0 : vector<16xf32>
      %max3A_495 = arith.constant 0.000000e+00 : f32
      %max3A_496 = vector.broadcast %max3A_495 : f32 to vector<16xf32>
      %max3A_497 = arith.maximumf %sub3A_494, %max3A_496 : vector<16xf32>
      %swap3A_498 = arith.index_cast %mul3A_491 : i32 to index
      %swap3A_499 = tpu.vector_load %arg5[%swap3A_498] {strides = array<i32>} : memref<32768xf32, #tpu.memory_space<vmem>>, vector<16xf32>,
      tpu.vector_store %arg5[%swap3A_498], %max3A_497 {strides = array<i32>} : memref<32768xf32, #tpu.memory_space<vmem>>, vector<16xf32>,
    }
    %scan3A_129 = arith.constant 128 : i32
    %add3A_130 = arith.constant 1 : i32
    %add3A_131 = arith.addi %mul3A_2, %add3A_130 : i32
    %dma_start3A_132 = arith.constant 0 : i32
    %dma_start3A_133 = tpu.memref_slice %arg3[%add3A_131, %dma_start3A_132] : memref<128x32768xf32, #tpu.memory_space<hbm>> -> memref<1x32768xf32, #tpu.memory_space<hbm>>
    %dma_start3A_134 = tpu.memref_squeeze %dma_start3A_133 : memref<1x32768xf32, #tpu.memory_space<hbm>> -> memref<32768xf32, #tpu.memory_space<hbm>>
    %dma_start3A_135 = arith.constant 0 : i32
    %dma_start3A_136 = tpu.memref_slice %arg3[%add3A_131, %dma_start3A_135] : memref<128x32768xf32, #tpu.memory_space<hbm>> -> memref<1x32768xf32, #tpu.memory_space<hbm>>
    %dma_start3A_137 = tpu.memref_squeeze %dma_start3A_136 : memref<1x32768xf32, #tpu.memory_space<hbm>> -> memref<32768xf32, #tpu.memory_space<hbm>>
    tpu.enqueue_dma source(%arg5 : memref<32768xf32, #tpu.memory_space<vmem>>) target(%dma_start3A_137 : memref<32768xf32, #tpu.memory_space<hbm>>) target_semaphore(%arg9 : memref<!tpu.dma_semaphore, #tpu.memory_space<semaphore_mem>>)
    %dma_wait3A_138 = arith.constant 0 : i32
    %dma_wait3A_139 = tpu.memref_slice %arg2[%add3A_117, %dma_wait3A_138] : memref<128x32768xf32, #tpu.memory_space<hbm>> -> memref<1x32768xf32, #tpu.memory_space<hbm>>
    %dma_wait3A_140 = tpu.memref_squeeze %dma_wait3A_139 : memref<1x32768xf32, #tpu.memory_space<hbm>> -> memref<32768xf32, #tpu.memory_space<hbm>>
    %dma_wait3A_141 = arith.constant 0 : i32
    %dma_wait3A_142 = tpu.memref_slice %arg2[%add3A_117, %dma_wait3A_141] : memref<128x32768xf32, #tpu.memory_space<hbm>> -> memref<1x32768xf32, #tpu.memory_space<hbm>>
    %dma_wait3A_143 = tpu.memref_squeeze %dma_wait3A_142 : memref<1x32768xf32, #tpu.memory_space<hbm>> -> memref<32768xf32, #tpu.memory_space<hbm>>
    tpu.wait_dma2 semaphore(%arg7 : memref<!tpu.dma_semaphore, #tpu.memory_space<semaphore_mem>>) src(%dma_wait3A_143 : memref<32768xf32, #tpu.memory_space<hbm>>) dst(%arg4 : memref<32768xf32, #tpu.memory_space<vmem>>)
    %broadcast_in_dim3A_144 = arith.constant 0xFF800000 : f32
    %broadcast_in_dim3A_145 = vector.broadcast %broadcast_in_dim3A_144 : f32 to vector<16xf32>
    %scan3A_146 = arith.constant 0 : i32
    %scan3A_147 = arith.constant 128 : i32
    %scan3A_148 = arith.addi %scan3A_146, %scan3A_147 : i32
    %scan3A_149 = arith.constant 1 : i32
    %scan3A_150 = scf.for %scan3A_278 = %scan3A_146 to %scan3A_148 step %scan3A_149 iter_args(%scan3A_279 = %broadcast_in_dim3A_145) -> (vector<16xf32>)  : i32 {
      %mul3A_280 = arith.constant 16 : i32
      %mul3A_281 = arith.muli %scan3A_278, %mul3A_280 : i32
      %add3A_282 = arith.constant 0 : i32
      %add3A_283 = arith.addi %mul3A_281, %add3A_282 : i32
      %mul3A_284 = arith.constant 16 : i32
      %mul3A_285 = arith.muli %add3A_283, %mul3A_284 : i32
      %get3A = arith.index_cast %mul3A_285 : i32 to index
      %get3A_286 = tpu.vector_load %arg4[%get3A] {strides = array<i32>} : memref<32768xf32, #tpu.memory_space<vmem>>, vector<16xf32>,
      %max3A = arith.maximumf %scan3A_279, %get3A_286 : vector<16xf32>
      %mul3A_287 = arith.constant 16 : i32
      %mul3A_288 = arith.muli %scan3A_278, %mul3A_287 : i32
      %add3A_289 = arith.constant 1 : i32
      %add3A_290 = arith.addi %mul3A_288, %add3A_289 : i32
      %mul3A_291 = arith.constant 16 : i32
      %mul3A_292 = arith.muli %add3A_290, %mul3A_291 : i32
      %get3A_293 = arith.index_cast %mul3A_292 : i32 to index
      %get3A_294 = tpu.vector_load %arg4[%get3A_293] {strides = array<i32>} : memref<32768xf32, #tpu.memory_space<vmem>>, vector<16xf32>,
      %max3A_295 = arith.maximumf %max3A, %get3A_294 : vector<16xf32>
      %mul3A_296 = arith.constant 16 : i32
      %mul3A_297 = arith.muli %scan3A_278, %mul3A_296 : i32
      %add3A_298 = arith.constant 2 : i32
      %add3A_299 = arith.addi %mul3A_297, %add3A_298 : i32
      %mul3A_300 = arith.constant 16 : i32
      %mul3A_301 = arith.muli %add3A_299, %mul3A_300 : i32
      %get3A_302 = arith.index_cast %mul3A_301 : i32 to index
      %get3A_303 = tpu.vector_load %arg4[%get3A_302] {strides = array<i32>} : memref<32768xf32, #tpu.memory_space<vmem>>, vector<16xf32>,
      %max3A_304 = arith.maximumf %max3A_295, %get3A_303 : vector<16xf32>
      %mul3A_305 = arith.constant 16 : i32
      %mul3A_306 = arith.muli %scan3A_278, %mul3A_305 : i32
      %add3A_307 = arith.constant 3 : i32
      %add3A_308 = arith.addi %mul3A_306, %add3A_307 : i32
      %mul3A_309 = arith.constant 16 : i32
      %mul3A_310 = arith.muli %add3A_308, %mul3A_309 : i32
      %get3A_311 = arith.index_cast %mul3A_310 : i32 to index
      %get3A_312 = tpu.vector_load %arg4[%get3A_311] {strides = array<i32>} : memref<32768xf32, #tpu.memory_space<vmem>>, vector<16xf32>,
      %max3A_313 = arith.maximumf %max3A_304, %get3A_312 : vector<16xf32>
      %mul3A_314 = arith.constant 16 : i32
      %mul3A_315 = arith.muli %scan3A_278, %mul3A_314 : i32
      %add3A_316 = arith.constant 4 : i32
      %add3A_317 = arith.addi %mul3A_315, %add3A_316 : i32
      %mul3A_318 = arith.constant 16 : i32
      %mul3A_319 = arith.muli %add3A_317, %mul3A_318 : i32
      %get3A_320 = arith.index_cast %mul3A_319 : i32 to index
      %get3A_321 = tpu.vector_load %arg4[%get3A_320] {strides = array<i32>} : memref<32768xf32, #tpu.memory_space<vmem>>, vector<16xf32>,
      %max3A_322 = arith.maximumf %max3A_313, %get3A_321 : vector<16xf32>
      %mul3A_323 = arith.constant 16 : i32
      %mul3A_324 = arith.muli %scan3A_278, %mul3A_323 : i32
      %add3A_325 = arith.constant 5 : i32
      %add3A_326 = arith.addi %mul3A_324, %add3A_325 : i32
      %mul3A_327 = arith.constant 16 : i32
      %mul3A_328 = arith.muli %add3A_326, %mul3A_327 : i32
      %get3A_329 = arith.index_cast %mul3A_328 : i32 to index
      %get3A_330 = tpu.vector_load %arg4[%get3A_329] {strides = array<i32>} : memref<32768xf32, #tpu.memory_space<vmem>>, vector<16xf32>,
      %max3A_331 = arith.maximumf %max3A_322, %get3A_330 : vector<16xf32>
      %mul3A_332 = arith.constant 16 : i32
      %mul3A_333 = arith.muli %scan3A_278, %mul3A_332 : i32
      %add3A_334 = arith.constant 6 : i32
      %add3A_335 = arith.addi %mul3A_333, %add3A_334 : i32
      %mul3A_336 = arith.constant 16 : i32
      %mul3A_337 = arith.muli %add3A_335, %mul3A_336 : i32
      %get3A_338 = arith.index_cast %mul3A_337 : i32 to index
      %get3A_339 = tpu.vector_load %arg4[%get3A_338] {strides = array<i32>} : memref<32768xf32, #tpu.memory_space<vmem>>, vector<16xf32>,
      %max3A_340 = arith.maximumf %max3A_331, %get3A_339 : vector<16xf32>
      %mul3A_341 = arith.constant 16 : i32
      %mul3A_342 = arith.muli %scan3A_278, %mul3A_341 : i32
      %add3A_343 = arith.constant 7 : i32
      %add3A_344 = arith.addi %mul3A_342, %add3A_343 : i32
      %mul3A_345 = arith.constant 16 : i32
      %mul3A_346 = arith.muli %add3A_344, %mul3A_345 : i32
      %get3A_347 = arith.index_cast %mul3A_346 : i32 to index
      %get3A_348 = tpu.vector_load %arg4[%get3A_347] {strides = array<i32>} : memref<32768xf32, #tpu.memory_space<vmem>>, vector<16xf32>,
      %max3A_349 = arith.maximumf %max3A_340, %get3A_348 : vector<16xf32>
      %mul3A_350 = arith.constant 16 : i32
      %mul3A_351 = arith.muli %scan3A_278, %mul3A_350 : i32
      %add3A_352 = arith.constant 8 : i32
      %add3A_353 = arith.addi %mul3A_351, %add3A_352 : i32
      %mul3A_354 = arith.constant 16 : i32
      %mul3A_355 = arith.muli %add3A_353, %mul3A_354 : i32
      %get3A_356 = arith.index_cast %mul3A_355 : i32 to index
      %get3A_357 = tpu.vector_load %arg4[%get3A_356] {strides = array<i32>} : memref<32768xf32, #tpu.memory_space<vmem>>, vector<16xf32>,
      %max3A_358 = arith.maximumf %max3A_349, %get3A_357 : vector<16xf32>
      %mul3A_359 = arith.constant 16 : i32
      %mul3A_360 = arith.muli %scan3A_278, %mul3A_359 : i32
      %add3A_361 = arith.constant 9 : i32
      %add3A_362 = arith.addi %mul3A_360, %add3A_361 : i32
      %mul3A_363 = arith.constant 16 : i32
      %mul3A_364 = arith.muli %add3A_362, %mul3A_363 : i32
      %get3A_365 = arith.index_cast %mul3A_364 : i32 to index
      %get3A_366 = tpu.vector_load %arg4[%get3A_365] {strides = array<i32>} : memref<32768xf32, #tpu.memory_space<vmem>>, vector<16xf32>,
      %max3A_367 = arith.maximumf %max3A_358, %get3A_366 : vector<16xf32>
      %mul3A_368 = arith.constant 16 : i32
      %mul3A_369 = arith.muli %scan3A_278, %mul3A_368 : i32
      %add3A_370 = arith.constant 10 : i32
      %add3A_371 = arith.addi %mul3A_369, %add3A_370 : i32
      %mul3A_372 = arith.constant 16 : i32
      %mul3A_373 = arith.muli %add3A_371, %mul3A_372 : i32
      %get3A_374 = arith.index_cast %mul3A_373 : i32 to index
      %get3A_375 = tpu.vector_load %arg4[%get3A_374] {strides = array<i32>} : memref<32768xf32, #tpu.memory_space<vmem>>, vector<16xf32>,
      %max3A_376 = arith.maximumf %max3A_367, %get3A_375 : vector<16xf32>
      %mul3A_377 = arith.constant 16 : i32
      %mul3A_378 = arith.muli %scan3A_278, %mul3A_377 : i32
      %add3A_379 = arith.constant 11 : i32
      %add3A_380 = arith.addi %mul3A_378, %add3A_379 : i32
      %mul3A_381 = arith.constant 16 : i32
      %mul3A_382 = arith.muli %add3A_380, %mul3A_381 : i32
      %get3A_383 = arith.index_cast %mul3A_382 : i32 to index
      %get3A_384 = tpu.vector_load %arg4[%get3A_383] {strides = array<i32>} : memref<32768xf32, #tpu.memory_space<vmem>>, vector<16xf32>,
      %max3A_385 = arith.maximumf %max3A_376, %get3A_384 : vector<16xf32>
      %mul3A_386 = arith.constant 16 : i32
      %mul3A_387 = arith.muli %scan3A_278, %mul3A_386 : i32
      %add3A_388 = arith.constant 12 : i32
      %add3A_389 = arith.addi %mul3A_387, %add3A_388 : i32
      %mul3A_390 = arith.constant 16 : i32
      %mul3A_391 = arith.muli %add3A_389, %mul3A_390 : i32
      %get3A_392 = arith.index_cast %mul3A_391 : i32 to index
      %get3A_393 = tpu.vector_load %arg4[%get3A_392] {strides = array<i32>} : memref<32768xf32, #tpu.memory_space<vmem>>, vector<16xf32>,
      %max3A_394 = arith.maximumf %max3A_385, %get3A_393 : vector<16xf32>
      %mul3A_395 = arith.constant 16 : i32
      %mul3A_396 = arith.muli %scan3A_278, %mul3A_395 : i32
      %add3A_397 = arith.constant 13 : i32
      %add3A_398 = arith.addi %mul3A_396, %add3A_397 : i32
      %mul3A_399 = arith.constant 16 : i32
      %mul3A_400 = arith.muli %add3A_398, %mul3A_399 : i32
      %get3A_401 = arith.index_cast %mul3A_400 : i32 to index
      %get3A_402 = tpu.vector_load %arg4[%get3A_401] {strides = array<i32>} : memref<32768xf32, #tpu.memory_space<vmem>>, vector<16xf32>,
      %max3A_403 = arith.maximumf %max3A_394, %get3A_402 : vector<16xf32>
      %mul3A_404 = arith.constant 16 : i32
      %mul3A_405 = arith.muli %scan3A_278, %mul3A_404 : i32
      %add3A_406 = arith.constant 14 : i32
      %add3A_407 = arith.addi %mul3A_405, %add3A_406 : i32
      %mul3A_408 = arith.constant 16 : i32
      %mul3A_409 = arith.muli %add3A_407, %mul3A_408 : i32
      %get3A_410 = arith.index_cast %mul3A_409 : i32 to index
      %get3A_411 = tpu.vector_load %arg4[%get3A_410] {strides = array<i32>} : memref<32768xf32, #tpu.memory_space<vmem>>, vector<16xf32>,
      %max3A_412 = arith.maximumf %max3A_403, %get3A_411 : vector<16xf32>
      %mul3A_413 = arith.constant 16 : i32
      %mul3A_414 = arith.muli %scan3A_278, %mul3A_413 : i32
      %add3A_415 = arith.constant 15 : i32
      %add3A_416 = arith.addi %mul3A_414, %add3A_415 : i32
      %mul3A_417 = arith.constant 16 : i32
      %mul3A_418 = arith.muli %add3A_416, %mul3A_417 : i32
      %get3A_419 = arith.index_cast %mul3A_418 : i32 to index
      %get3A_420 = tpu.vector_load %arg4[%get3A_419] {strides = array<i32>} : memref<32768xf32, #tpu.memory_space<vmem>>, vector<16xf32>,
      %max3A_421 = arith.maximumf %max3A_412, %get3A_420 : vector<16xf32>
      scf.yield %max3A_421 : vector<16xf32>
    }
    %scan3A_151 = arith.constant 128 : i32
    %reduce_max3A_152 = arith.constant true
    %reduce_max3A_153 = vector.broadcast %reduce_max3A_152 : i1 to vector<16xi1>
    %reduce_max3A_154 = tpu.scan <max>, %scan3A_150 masked %reduce_max3A_153 : vector<16xf32>, vector<16xi1> -> vector<16xf32>
    %reduce_max3A_155 = vector.extract %reduce_max3A_154[15] : f32 from vector<16xf32>
    %broadcast_in_dim3A_156 = vector.broadcast %reduce_max3A_155 : f32 to vector<16xf32>
    %sub3A_157 = arith.constant 1.000000e+00 : f32
    %sub3A_158 = vector.broadcast %sub3A_157 : f32 to vector<16xf32>
    %sub3A_159 = arith.subf %broadcast_in_dim3A_156, %sub3A_158 : vector<16xf32>
    %iota3A_160 = tpu.iota {dimensions = array<i32: 0>} : vector<16xi32>
    %broadcast_in_dim3A_161 = arith.constant 16 : i32
    %broadcast_in_dim3A_162 = vector.broadcast %broadcast_in_dim3A_161 : i32 to vector<16xi32>
    %broadcast_in_dim3A_163 = arith.constant 0 : i32
    %broadcast_in_dim3A_164 = vector.broadcast %broadcast_in_dim3A_163 : i32 to vector<16xi32>
    %parallel_loop3A_165 = arith.constant 0 : i32
    %parallel_loop3A_166 = arith.constant 2048 : i32
    %parallel_loop3A_167 = arith.constant 1 : i32
    %parallel_loop3A_168 = scf.for %parallel_loop3A_278 = %parallel_loop3A_165 to %parallel_loop3A_166 step %parallel_loop3A_167 iter_args(%parallel_loop3A_279 = %iota3A_160) -> (vector<16xi32>)  : i32 {
      %parallel_loop3A_280 = arith.constant 16 : i32
      %parallel_loop3A_281 = arith.muli %parallel_loop3A_278, %parallel_loop3A_280 : i32
      %parallel_loop3A_282 = arith.index_cast %parallel_loop3A_281 : i32 to index
      %parallel_loop3A_283 = tpu.vector_load %arg4[%parallel_loop3A_282] {strides = array<i32>} : memref<32768xf32, #tpu.memory_space<vmem>>, vector<16xf32>,
      %parallel_loop3A_284 = arith.cmpf ogt, %parallel_loop3A_283, %sub3A_159 : vector<16xf32>
      %parallel_loop3A_285 = tpu.all_reduce %parallel_loop3A_284 {dim = 0 : i64, kind = #tpu.reduction_kind<sum>} : vector<16xi1> -> vector<16xi32>
      %parallel_loop3A_286 = arith.constant 0 : i32
      %parallel_loop3A_287 = vector.broadcast %parallel_loop3A_286 : i32 to vector<16xi32>
      %parallel_loop3A_288 = arith.cmpi sgt, %parallel_loop3A_285, %parallel_loop3A_287 : vector<16xi32>
      tpu.vector_store_idx %arg6[%parallel_loop3A_279], %parallel_loop3A_283 masked %parallel_loop3A_288 : memref<32768xf32, #tpu.memory_space<vmem>>[vector<16xi32>], vector<16xf32>, vector<16xi1>
      %parallel_loop3A_289 = arith.select %parallel_loop3A_288, %broadcast_in_dim3A_162, %broadcast_in_dim3A_164 : vector<16xi1>, vector<16xi32>
      %parallel_loop3A_290 = arith.addi %parallel_loop3A_279, %parallel_loop3A_289 : vector<16xi32>
      scf.yield %parallel_loop3A_290 : vector<16xi32>
    } {sc.loop_unroll_factor = 8 : i64, sc.parallel_access}
    %reduce_max3A_169 = arith.constant true
    %reduce_max3A_170 = vector.broadcast %reduce_max3A_169 : i1 to vector<16xi1>
    %reduce_max3A_171 = arith.constant -2147483648 : i32
    %reduce_max3A_172 = vector.broadcast %reduce_max3A_171 : i32 to vector<16xi32>
    %reduce_max3A_173 = arith.xori %parallel_loop3A_168, %reduce_max3A_172 : vector<16xi32>
    %reduce_max3A_174 = tpu.scan <max>, %reduce_max3A_173 masked %reduce_max3A_170 : vector<16xi32>, vector<16xi1> -> vector<16xi32>
    %reduce_max3A_175 = arith.xori %reduce_max3A_174, %reduce_max3A_172 : vector<16xi32>
    %reduce_max3A_176 = vector.extract %reduce_max3A_175[15] : i32 from vector<16xi32>
    %sub3A_177 = arith.constant 15 : i32
    %sub3A_178 = arith.subi %reduce_max3A_176, %sub3A_177 : i32
    %while3A_179 = arith.constant false
    %while3A_180:2 = scf.while (%while3A_278 = %sub3A_159, %while3A_279 = %while3A_179) : (vector<16xf32>, i1) -> (vector<16xf32>, i1) {
      %not3A = arith.constant true
      %not3A_280 = arith.xori %while3A_279, %not3A : i1
      scf.condition(%not3A_280) %while3A_278, %while3A_279 : vector<16xf32>, i1
    } do {
    ^bb0(%while3A_278: vector<16xf32>, %while3A_279: i1):
      %broadcast_in_dim3A_280 = arith.constant 0.000000e+00 : f32
      %broadcast_in_dim3A_281 = vector.broadcast %broadcast_in_dim3A_280 : f32 to vector<16xf32>
      %div3A = arith.constant 16 : i32
      %div3A_282 = arith.divsi %sub3A_178, %div3A : i32
      %while3A_283 = arith.constant 0 : i32
      %while3A_284 = arith.subi %div3A_282, %while3A_283 : i32
      %while3A_285 = arith.addi %while3A_283, %while3A_284 : i32
      %while3A_286 = arith.constant 1 : i32
      %while3A_287 = arith.divsi %while3A_284, %while3A_286 : i32
      %while3A_288 = arith.muli %while3A_287, %while3A_286 : i32
      %while3A_289 = arith.addi %while3A_283, %while3A_288 : i32
      %while3A_290 = arith.constant 1 : i32
      %while3A_291:2 = scf.for %while3A_317 = %while3A_283 to %while3A_289 step %while3A_290 iter_args(%while3A_318 = %broadcast_in_dim3A_281, %while3A_319 = %broadcast_in_dim3A_281) -> (vector<16xf32>, vector<16xf32>)  : i32 {
        %mul3A_320 = arith.constant 16 : i32
        %mul3A_321 = arith.muli %while3A_317, %mul3A_320 : i32
        %get3A = arith.index_cast %mul3A_321 : i32 to index
        %get3A_322 = tpu.vector_load %arg6[%get3A] {strides = array<i32>} : memref<32768xf32, #tpu.memory_space<vmem>>, vector<16xf32>,
        %gt3A = arith.cmpf ogt, %get3A_322, %while3A_278 : vector<16xf32>
        %jit3A = arith.constant 0.000000e+00 : f32
        %broadcast_in_dim3A_323 = vector.broadcast %jit3A : f32 to vector<16xf32>
        %select_n3A = arith.select %gt3A, %get3A_322, %broadcast_in_dim3A_323 : vector<16xi1>, vector<16xf32>
        %add3A_324 = arith.addf %while3A_318, %select_n3A : vector<16xf32>
        %jit3A_325 = arith.constant 1.000000e+00 : f32
        %jit3A_326 = arith.constant 0.000000e+00 : f32
        %broadcast_in_dim3A_327 = vector.broadcast %jit3A_325 : f32 to vector<16xf32>
        %broadcast_in_dim3A_328 = vector.broadcast %jit3A_326 : f32 to vector<16xf32>
        %select_n3A_329 = arith.select %gt3A, %broadcast_in_dim3A_327, %broadcast_in_dim3A_328 : vector<16xi1>, vector<16xf32>
        %add3A_330 = arith.addf %while3A_319, %select_n3A_329 : vector<16xf32>
        scf.yield %add3A_324, %add3A_330 : vector<16xf32>, vector<16xf32>
      }
      %while3A_292 = arith.constant 1 : i32
      %while3A_293:2 = scf.for %while3A_317 = %while3A_289 to %while3A_285 step %while3A_292 iter_args(%while3A_318 = %while3A_291#0, %while3A_319 = %while3A_291#1) -> (vector<16xf32>, vector<16xf32>)  : i32 {
        %mul3A_320 = arith.constant 16 : i32
        %mul3A_321 = arith.muli %while3A_317, %mul3A_320 : i32
        %get3A = arith.index_cast %mul3A_321 : i32 to index
        %get3A_322 = tpu.vector_load %arg6[%get3A] {strides = array<i32>} : memref<32768xf32, #tpu.memory_space<vmem>>, vector<16xf32>,
        %gt3A = arith.cmpf ogt, %get3A_322, %while3A_278 : vector<16xf32>
        %jit3A = arith.constant 0.000000e+00 : f32
        %broadcast_in_dim3A_323 = vector.broadcast %jit3A : f32 to vector<16xf32>
        %select_n3A = arith.select %gt3A, %get3A_322, %broadcast_in_dim3A_323 : vector<16xi1>, vector<16xf32>
        %add3A_324 = arith.addf %while3A_318, %select_n3A : vector<16xf32>
        %jit3A_325 = arith.constant 1.000000e+00 : f32
        %jit3A_326 = arith.constant 0.000000e+00 : f32
        %broadcast_in_dim3A_327 = vector.broadcast %jit3A_325 : f32 to vector<16xf32>
        %broadcast_in_dim3A_328 = vector.broadcast %jit3A_326 : f32 to vector<16xf32>
        %select_n3A_329 = arith.select %gt3A, %broadcast_in_dim3A_327, %broadcast_in_dim3A_328 : vector<16xi1>, vector<16xf32>
        %add3A_330 = arith.addf %while3A_319, %select_n3A_329 : vector<16xf32>
        scf.yield %add3A_324, %add3A_330 : vector<16xf32>, vector<16xf32>
      }
      %reduce_sum3A = arith.constant true
      %reduce_sum3A_294 = vector.broadcast %reduce_sum3A : i1 to vector<16xi1>
      %reduce_sum3A_295 = tpu.scan <sum>, %while3A_293#0 masked %reduce_sum3A_294 : vector<16xf32>, vector<16xi1> -> vector<16xf32>
      %reduce_sum3A_296 = vector.extract %reduce_sum3A_295[15] : f32 from vector<16xf32>
      %reduce_sum3A_297 = arith.constant true
      %reduce_sum3A_298 = vector.broadcast %reduce_sum3A_297 : i1 to vector<16xi1>
      %reduce_sum3A_299 = tpu.scan <sum>, %while3A_293#1 masked %reduce_sum3A_298 : vector<16xf32>, vector<16xi1> -> vector<16xf32>
      %reduce_sum3A_300 = vector.extract %reduce_sum3A_299[15] : f32 from vector<16xf32>
      %broadcast_in_dim3A_301 = vector.broadcast %reduce_sum3A_296 : f32 to vector<16xf32>
      %sub3A_302 = arith.constant 1.000000e+00 : f32
      %sub3A_303 = vector.broadcast %sub3A_302 : f32 to vector<16xf32>
      %sub3A_304 = arith.subf %broadcast_in_dim3A_301, %sub3A_303 : vector<16xf32>
      %broadcast_in_dim3A_305 = vector.broadcast %reduce_sum3A_300 : f32 to vector<16xf32>
      %div3A_306 = arith.divf %sub3A_304, %broadcast_in_dim3A_305 : vector<16xf32>
      %max3A = arith.maximumf %while3A_278, %div3A_306 : vector<16xf32>
      %eq3A = arith.cmpf oeq, %max3A, %while3A_278 : vector<16xf32>
      %reduce_and3A = arith.constant 1.000000e+00 : f32
      %reduce_and3A_307 = arith.constant 0.000000e+00 : f32
      %reduce_and3A_308 = vector.broadcast %reduce_and3A : f32 to vector<16xf32>
      %reduce_and3A_309 = vector.broadcast %reduce_and3A_307 : f32 to vector<16xf32>
      %reduce_and3A_310 = arith.select %eq3A, %reduce_and3A_308, %reduce_and3A_309 : vector<16xi1>, vector<16xf32>
      %reduce_and3A_311 = arith.constant true
      %reduce_and3A_312 = vector.broadcast %reduce_and3A_311 : i1 to vector<16xi1>
      %reduce_and3A_313 = tpu.scan <min>, %reduce_and3A_310 masked %reduce_and3A_312 : vector<16xf32>, vector<16xi1> -> vector<16xf32>
      %reduce_and3A_314 = vector.extract %reduce_and3A_313[15] : f32 from vector<16xf32>
      %reduce_and3A_315 = arith.constant 0.000000e+00 : f32
      %reduce_and3A_316 = arith.cmpf ogt, %reduce_and3A_314, %reduce_and3A_315 : f32
      scf.yield %max3A, %reduce_and3A_316 : vector<16xf32>, i1
    }
    %dma_wait3A_181 = arith.constant 0 : i32
    %dma_wait3A_182 = tpu.memref_slice %arg3[%add3A_131, %dma_wait3A_181] : memref<128x32768xf32, #tpu.memory_space<hbm>> -> memref<1x32768xf32, #tpu.memory_space<hbm>>
    %dma_wait3A_183 = tpu.memref_squeeze %dma_wait3A_182 : memref<1x32768xf32, #tpu.memory_space<hbm>> -> memref<32768xf32, #tpu.memory_space<hbm>>
    %dma_wait3A_184 = arith.constant 0 : i32
    %dma_wait3A_185 = tpu.memref_slice %arg3[%add3A_131, %dma_wait3A_184] : memref<128x32768xf32, #tpu.memory_space<hbm>> -> memref<1x32768xf32, #tpu.memory_space<hbm>>
    %dma_wait3A_186 = tpu.memref_squeeze %dma_wait3A_185 : memref<1x32768xf32, #tpu.memory_space<hbm>> -> memref<32768xf32, #tpu.memory_space<hbm>>
    tpu.wait_dma2 semaphore(%arg9 : memref<!tpu.dma_semaphore, #tpu.memory_space<semaphore_mem>>) src(%arg5 : memref<32768xf32, #tpu.memory_space<vmem>>) dst(%dma_wait3A_186 : memref<32768xf32, #tpu.memory_space<hbm>>)
    %add3A_187 = arith.constant 3 : i32
    %add3A_188 = arith.addi %mul3A_2, %add3A_187 : i32
    %dma_start3A_189 = arith.constant 0 : i32
    %dma_start3A_190 = tpu.memref_slice %arg2[%add3A_188, %dma_start3A_189] : memref<128x32768xf32, #tpu.memory_space<hbm>> -> memref<1x32768xf32, #tpu.memory_space<hbm>>
    %dma_start3A_191 = tpu.memref_squeeze %dma_start3A_190 : memref<1x32768xf32, #tpu.memory_space<hbm>> -> memref<32768xf32, #tpu.memory_space<hbm>>
    %dma_start3A_192 = arith.constant 0 : i32
    %dma_start3A_193 = tpu.memref_slice %arg2[%add3A_188, %dma_start3A_192] : memref<128x32768xf32, #tpu.memory_space<hbm>> -> memref<1x32768xf32, #tpu.memory_space<hbm>>
    %dma_start3A_194 = tpu.memref_squeeze %dma_start3A_193 : memref<1x32768xf32, #tpu.memory_space<hbm>> -> memref<32768xf32, #tpu.memory_space<hbm>>
    tpu.enqueue_dma source(%dma_start3A_194 : memref<32768xf32, #tpu.memory_space<hbm>>) target(%arg5 : memref<32768xf32, #tpu.memory_space<vmem>>) target_semaphore(%arg8 : memref<!tpu.dma_semaphore, #tpu.memory_space<semaphore_mem>>)
    %scan3A_195 = arith.constant 0 : i32
    %scan3A_196 = arith.constant 0 : i32
    %scan3A_197 = arith.constant 128 : i32
    %scan3A_198 = arith.addi %scan3A_196, %scan3A_197 : i32
    %scan3A_199 = arith.constant 1 : i32
    scf.for %scan3A_278 = %scan3A_196 to %scan3A_198 step %scan3A_199  : i32 {
      %mul3A_279 = arith.constant 16 : i32
      %mul3A_280 = arith.muli %scan3A_278, %mul3A_279 : i32
      %add3A_281 = arith.constant 0 : i32
      %add3A_282 = arith.addi %mul3A_280, %add3A_281 : i32
      %mul3A_283 = arith.constant 16 : i32
      %mul3A_284 = arith.muli %add3A_282, %mul3A_283 : i32
      %get3A = arith.index_cast %mul3A_284 : i32 to index
      %get3A_285 = tpu.vector_load %arg4[%get3A] {strides = array<i32>} : memref<32768xf32, #tpu.memory_space<vmem>>, vector<16xf32>,
      %sub3A_286 = arith.subf %get3A_285, %while3A_180#0 : vector<16xf32>
      %max3A = arith.constant 0.000000e+00 : f32
      %max3A_287 = vector.broadcast %max3A : f32 to vector<16xf32>
      %max3A_288 = arith.maximumf %sub3A_286, %max3A_287 : vector<16xf32>
      %swap3A = arith.index_cast %mul3A_284 : i32 to index
      %swap3A_289 = tpu.vector_load %arg4[%swap3A] {strides = array<i32>} : memref<32768xf32, #tpu.memory_space<vmem>>, vector<16xf32>,
      tpu.vector_store %arg4[%swap3A], %max3A_288 {strides = array<i32>} : memref<32768xf32, #tpu.memory_space<vmem>>, vector<16xf32>,
      %mul3A_290 = arith.constant 16 : i32
      %mul3A_291 = arith.muli %scan3A_278, %mul3A_290 : i32
      %add3A_292 = arith.constant 1 : i32
      %add3A_293 = arith.addi %mul3A_291, %add3A_292 : i32
      %mul3A_294 = arith.constant 16 : i32
      %mul3A_295 = arith.muli %add3A_293, %mul3A_294 : i32
      %get3A_296 = arith.index_cast %mul3A_295 : i32 to index
      %get3A_297 = tpu.vector_load %arg4[%get3A_296] {strides = array<i32>} : memref<32768xf32, #tpu.memory_space<vmem>>, vector<16xf32>,
      %sub3A_298 = arith.subf %get3A_297, %while3A_180#0 : vector<16xf32>
      %max3A_299 = arith.constant 0.000000e+00 : f32
      %max3A_300 = vector.broadcast %max3A_299 : f32 to vector<16xf32>
      %max3A_301 = arith.maximumf %sub3A_298, %max3A_300 : vector<16xf32>
      %swap3A_302 = arith.index_cast %mul3A_295 : i32 to index
      %swap3A_303 = tpu.vector_load %arg4[%swap3A_302] {strides = array<i32>} : memref<32768xf32, #tpu.memory_space<vmem>>, vector<16xf32>,
      tpu.vector_store %arg4[%swap3A_302], %max3A_301 {strides = array<i32>} : memref<32768xf32, #tpu.memory_space<vmem>>, vector<16xf32>,
      %mul3A_304 = arith.constant 16 : i32
      %mul3A_305 = arith.muli %scan3A_278, %mul3A_304 : i32
      %add3A_306 = arith.constant 2 : i32
      %add3A_307 = arith.addi %mul3A_305, %add3A_306 : i32
      %mul3A_308 = arith.constant 16 : i32
      %mul3A_309 = arith.muli %add3A_307, %mul3A_308 : i32
      %get3A_310 = arith.index_cast %mul3A_309 : i32 to index
      %get3A_311 = tpu.vector_load %arg4[%get3A_310] {strides = array<i32>} : memref<32768xf32, #tpu.memory_space<vmem>>, vector<16xf32>,
      %sub3A_312 = arith.subf %get3A_311, %while3A_180#0 : vector<16xf32>
      %max3A_313 = arith.constant 0.000000e+00 : f32
      %max3A_314 = vector.broadcast %max3A_313 : f32 to vector<16xf32>
      %max3A_315 = arith.maximumf %sub3A_312, %max3A_314 : vector<16xf32>
      %swap3A_316 = arith.index_cast %mul3A_309 : i32 to index
      %swap3A_317 = tpu.vector_load %arg4[%swap3A_316] {strides = array<i32>} : memref<32768xf32, #tpu.memory_space<vmem>>, vector<16xf32>,
      tpu.vector_store %arg4[%swap3A_316], %max3A_315 {strides = array<i32>} : memref<32768xf32, #tpu.memory_space<vmem>>, vector<16xf32>,
      %mul3A_318 = arith.constant 16 : i32
      %mul3A_319 = arith.muli %scan3A_278, %mul3A_318 : i32
      %add3A_320 = arith.constant 3 : i32
      %add3A_321 = arith.addi %mul3A_319, %add3A_320 : i32
      %mul3A_322 = arith.constant 16 : i32
      %mul3A_323 = arith.muli %add3A_321, %mul3A_322 : i32
      %get3A_324 = arith.index_cast %mul3A_323 : i32 to index
      %get3A_325 = tpu.vector_load %arg4[%get3A_324] {strides = array<i32>} : memref<32768xf32, #tpu.memory_space<vmem>>, vector<16xf32>,
      %sub3A_326 = arith.subf %get3A_325, %while3A_180#0 : vector<16xf32>
      %max3A_327 = arith.constant 0.000000e+00 : f32
      %max3A_328 = vector.broadcast %max3A_327 : f32 to vector<16xf32>
      %max3A_329 = arith.maximumf %sub3A_326, %max3A_328 : vector<16xf32>
      %swap3A_330 = arith.index_cast %mul3A_323 : i32 to index
      %swap3A_331 = tpu.vector_load %arg4[%swap3A_330] {strides = array<i32>} : memref<32768xf32, #tpu.memory_space<vmem>>, vector<16xf32>,
      tpu.vector_store %arg4[%swap3A_330], %max3A_329 {strides = array<i32>} : memref<32768xf32, #tpu.memory_space<vmem>>, vector<16xf32>,
      %mul3A_332 = arith.constant 16 : i32
      %mul3A_333 = arith.muli %scan3A_278, %mul3A_332 : i32
      %add3A_334 = arith.constant 4 : i32
      %add3A_335 = arith.addi %mul3A_333, %add3A_334 : i32
      %mul3A_336 = arith.constant 16 : i32
      %mul3A_337 = arith.muli %add3A_335, %mul3A_336 : i32
      %get3A_338 = arith.index_cast %mul3A_337 : i32 to index
      %get3A_339 = tpu.vector_load %arg4[%get3A_338] {strides = array<i32>} : memref<32768xf32, #tpu.memory_space<vmem>>, vector<16xf32>,
      %sub3A_340 = arith.subf %get3A_339, %while3A_180#0 : vector<16xf32>
      %max3A_341 = arith.constant 0.000000e+00 : f32
      %max3A_342 = vector.broadcast %max3A_341 : f32 to vector<16xf32>
      %max3A_343 = arith.maximumf %sub3A_340, %max3A_342 : vector<16xf32>
      %swap3A_344 = arith.index_cast %mul3A_337 : i32 to index
      %swap3A_345 = tpu.vector_load %arg4[%swap3A_344] {strides = array<i32>} : memref<32768xf32, #tpu.memory_space<vmem>>, vector<16xf32>,
      tpu.vector_store %arg4[%swap3A_344], %max3A_343 {strides = array<i32>} : memref<32768xf32, #tpu.memory_space<vmem>>, vector<16xf32>,
      %mul3A_346 = arith.constant 16 : i32
      %mul3A_347 = arith.muli %scan3A_278, %mul3A_346 : i32
      %add3A_348 = arith.constant 5 : i32
      %add3A_349 = arith.addi %mul3A_347, %add3A_348 : i32
      %mul3A_350 = arith.constant 16 : i32
      %mul3A_351 = arith.muli %add3A_349, %mul3A_350 : i32
      %get3A_352 = arith.index_cast %mul3A_351 : i32 to index
      %get3A_353 = tpu.vector_load %arg4[%get3A_352] {strides = array<i32>} : memref<32768xf32, #tpu.memory_space<vmem>>, vector<16xf32>,
      %sub3A_354 = arith.subf %get3A_353, %while3A_180#0 : vector<16xf32>
      %max3A_355 = arith.constant 0.000000e+00 : f32
      %max3A_356 = vector.broadcast %max3A_355 : f32 to vector<16xf32>
      %max3A_357 = arith.maximumf %sub3A_354, %max3A_356 : vector<16xf32>
      %swap3A_358 = arith.index_cast %mul3A_351 : i32 to index
      %swap3A_359 = tpu.vector_load %arg4[%swap3A_358] {strides = array<i32>} : memref<32768xf32, #tpu.memory_space<vmem>>, vector<16xf32>,
      tpu.vector_store %arg4[%swap3A_358], %max3A_357 {strides = array<i32>} : memref<32768xf32, #tpu.memory_space<vmem>>, vector<16xf32>,
      %mul3A_360 = arith.constant 16 : i32
      %mul3A_361 = arith.muli %scan3A_278, %mul3A_360 : i32
      %add3A_362 = arith.constant 6 : i32
      %add3A_363 = arith.addi %mul3A_361, %add3A_362 : i32
      %mul3A_364 = arith.constant 16 : i32
      %mul3A_365 = arith.muli %add3A_363, %mul3A_364 : i32
      %get3A_366 = arith.index_cast %mul3A_365 : i32 to index
      %get3A_367 = tpu.vector_load %arg4[%get3A_366] {strides = array<i32>} : memref<32768xf32, #tpu.memory_space<vmem>>, vector<16xf32>,
      %sub3A_368 = arith.subf %get3A_367, %while3A_180#0 : vector<16xf32>
      %max3A_369 = arith.constant 0.000000e+00 : f32
      %max3A_370 = vector.broadcast %max3A_369 : f32 to vector<16xf32>
      %max3A_371 = arith.maximumf %sub3A_368, %max3A_370 : vector<16xf32>
      %swap3A_372 = arith.index_cast %mul3A_365 : i32 to index
      %swap3A_373 = tpu.vector_load %arg4[%swap3A_372] {strides = array<i32>} : memref<32768xf32, #tpu.memory_space<vmem>>, vector<16xf32>,
      tpu.vector_store %arg4[%swap3A_372], %max3A_371 {strides = array<i32>} : memref<32768xf32, #tpu.memory_space<vmem>>, vector<16xf32>,
      %mul3A_374 = arith.constant 16 : i32
      %mul3A_375 = arith.muli %scan3A_278, %mul3A_374 : i32
      %add3A_376 = arith.constant 7 : i32
      %add3A_377 = arith.addi %mul3A_375, %add3A_376 : i32
      %mul3A_378 = arith.constant 16 : i32
      %mul3A_379 = arith.muli %add3A_377, %mul3A_378 : i32
      %get3A_380 = arith.index_cast %mul3A_379 : i32 to index
      %get3A_381 = tpu.vector_load %arg4[%get3A_380] {strides = array<i32>} : memref<32768xf32, #tpu.memory_space<vmem>>, vector<16xf32>,
      %sub3A_382 = arith.subf %get3A_381, %while3A_180#0 : vector<16xf32>
      %max3A_383 = arith.constant 0.000000e+00 : f32
      %max3A_384 = vector.broadcast %max3A_383 : f32 to vector<16xf32>
      %max3A_385 = arith.maximumf %sub3A_382, %max3A_384 : vector<16xf32>
      %swap3A_386 = arith.index_cast %mul3A_379 : i32 to index
      %swap3A_387 = tpu.vector_load %arg4[%swap3A_386] {strides = array<i32>} : memref<32768xf32, #tpu.memory_space<vmem>>, vector<16xf32>,
      tpu.vector_store %arg4[%swap3A_386], %max3A_385 {strides = array<i32>} : memref<32768xf32, #tpu.memory_space<vmem>>, vector<16xf32>,
      %mul3A_388 = arith.constant 16 : i32
      %mul3A_389 = arith.muli %scan3A_278, %mul3A_388 : i32
      %add3A_390 = arith.constant 8 : i32
      %add3A_391 = arith.addi %mul3A_389, %add3A_390 : i32
      %mul3A_392 = arith.constant 16 : i32
      %mul3A_393 = arith.muli %add3A_391, %mul3A_392 : i32
      %get3A_394 = arith.index_cast %mul3A_393 : i32 to index
      %get3A_395 = tpu.vector_load %arg4[%get3A_394] {strides = array<i32>} : memref<32768xf32, #tpu.memory_space<vmem>>, vector<16xf32>,
      %sub3A_396 = arith.subf %get3A_395, %while3A_180#0 : vector<16xf32>
      %max3A_397 = arith.constant 0.000000e+00 : f32
      %max3A_398 = vector.broadcast %max3A_397 : f32 to vector<16xf32>
      %max3A_399 = arith.maximumf %sub3A_396, %max3A_398 : vector<16xf32>
      %swap3A_400 = arith.index_cast %mul3A_393 : i32 to index
      %swap3A_401 = tpu.vector_load %arg4[%swap3A_400] {strides = array<i32>} : memref<32768xf32, #tpu.memory_space<vmem>>, vector<16xf32>,
      tpu.vector_store %arg4[%swap3A_400], %max3A_399 {strides = array<i32>} : memref<32768xf32, #tpu.memory_space<vmem>>, vector<16xf32>,
      %mul3A_402 = arith.constant 16 : i32
      %mul3A_403 = arith.muli %scan3A_278, %mul3A_402 : i32
      %add3A_404 = arith.constant 9 : i32
      %add3A_405 = arith.addi %mul3A_403, %add3A_404 : i32
      %mul3A_406 = arith.constant 16 : i32
      %mul3A_407 = arith.muli %add3A_405, %mul3A_406 : i32
      %get3A_408 = arith.index_cast %mul3A_407 : i32 to index
      %get3A_409 = tpu.vector_load %arg4[%get3A_408] {strides = array<i32>} : memref<32768xf32, #tpu.memory_space<vmem>>, vector<16xf32>,
      %sub3A_410 = arith.subf %get3A_409, %while3A_180#0 : vector<16xf32>
      %max3A_411 = arith.constant 0.000000e+00 : f32
      %max3A_412 = vector.broadcast %max3A_411 : f32 to vector<16xf32>
      %max3A_413 = arith.maximumf %sub3A_410, %max3A_412 : vector<16xf32>
      %swap3A_414 = arith.index_cast %mul3A_407 : i32 to index
      %swap3A_415 = tpu.vector_load %arg4[%swap3A_414] {strides = array<i32>} : memref<32768xf32, #tpu.memory_space<vmem>>, vector<16xf32>,
      tpu.vector_store %arg4[%swap3A_414], %max3A_413 {strides = array<i32>} : memref<32768xf32, #tpu.memory_space<vmem>>, vector<16xf32>,
      %mul3A_416 = arith.constant 16 : i32
      %mul3A_417 = arith.muli %scan3A_278, %mul3A_416 : i32
      %add3A_418 = arith.constant 10 : i32
      %add3A_419 = arith.addi %mul3A_417, %add3A_418 : i32
      %mul3A_420 = arith.constant 16 : i32
      %mul3A_421 = arith.muli %add3A_419, %mul3A_420 : i32
      %get3A_422 = arith.index_cast %mul3A_421 : i32 to index
      %get3A_423 = tpu.vector_load %arg4[%get3A_422] {strides = array<i32>} : memref<32768xf32, #tpu.memory_space<vmem>>, vector<16xf32>,
      %sub3A_424 = arith.subf %get3A_423, %while3A_180#0 : vector<16xf32>
      %max3A_425 = arith.constant 0.000000e+00 : f32
      %max3A_426 = vector.broadcast %max3A_425 : f32 to vector<16xf32>
      %max3A_427 = arith.maximumf %sub3A_424, %max3A_426 : vector<16xf32>
      %swap3A_428 = arith.index_cast %mul3A_421 : i32 to index
      %swap3A_429 = tpu.vector_load %arg4[%swap3A_428] {strides = array<i32>} : memref<32768xf32, #tpu.memory_space<vmem>>, vector<16xf32>,
      tpu.vector_store %arg4[%swap3A_428], %max3A_427 {strides = array<i32>} : memref<32768xf32, #tpu.memory_space<vmem>>, vector<16xf32>,
      %mul3A_430 = arith.constant 16 : i32
      %mul3A_431 = arith.muli %scan3A_278, %mul3A_430 : i32
      %add3A_432 = arith.constant 11 : i32
      %add3A_433 = arith.addi %mul3A_431, %add3A_432 : i32
      %mul3A_434 = arith.constant 16 : i32
      %mul3A_435 = arith.muli %add3A_433, %mul3A_434 : i32
      %get3A_436 = arith.index_cast %mul3A_435 : i32 to index
      %get3A_437 = tpu.vector_load %arg4[%get3A_436] {strides = array<i32>} : memref<32768xf32, #tpu.memory_space<vmem>>, vector<16xf32>,
      %sub3A_438 = arith.subf %get3A_437, %while3A_180#0 : vector<16xf32>
      %max3A_439 = arith.constant 0.000000e+00 : f32
      %max3A_440 = vector.broadcast %max3A_439 : f32 to vector<16xf32>
      %max3A_441 = arith.maximumf %sub3A_438, %max3A_440 : vector<16xf32>
      %swap3A_442 = arith.index_cast %mul3A_435 : i32 to index
      %swap3A_443 = tpu.vector_load %arg4[%swap3A_442] {strides = array<i32>} : memref<32768xf32, #tpu.memory_space<vmem>>, vector<16xf32>,
      tpu.vector_store %arg4[%swap3A_442], %max3A_441 {strides = array<i32>} : memref<32768xf32, #tpu.memory_space<vmem>>, vector<16xf32>,
      %mul3A_444 = arith.constant 16 : i32
      %mul3A_445 = arith.muli %scan3A_278, %mul3A_444 : i32
      %add3A_446 = arith.constant 12 : i32
      %add3A_447 = arith.addi %mul3A_445, %add3A_446 : i32
      %mul3A_448 = arith.constant 16 : i32
      %mul3A_449 = arith.muli %add3A_447, %mul3A_448 : i32
      %get3A_450 = arith.index_cast %mul3A_449 : i32 to index
      %get3A_451 = tpu.vector_load %arg4[%get3A_450] {strides = array<i32>} : memref<32768xf32, #tpu.memory_space<vmem>>, vector<16xf32>,
      %sub3A_452 = arith.subf %get3A_451, %while3A_180#0 : vector<16xf32>
      %max3A_453 = arith.constant 0.000000e+00 : f32
      %max3A_454 = vector.broadcast %max3A_453 : f32 to vector<16xf32>
      %max3A_455 = arith.maximumf %sub3A_452, %max3A_454 : vector<16xf32>
      %swap3A_456 = arith.index_cast %mul3A_449 : i32 to index
      %swap3A_457 = tpu.vector_load %arg4[%swap3A_456] {strides = array<i32>} : memref<32768xf32, #tpu.memory_space<vmem>>, vector<16xf32>,
      tpu.vector_store %arg4[%swap3A_456], %max3A_455 {strides = array<i32>} : memref<32768xf32, #tpu.memory_space<vmem>>, vector<16xf32>,
      %mul3A_458 = arith.constant 16 : i32
      %mul3A_459 = arith.muli %scan3A_278, %mul3A_458 : i32
      %add3A_460 = arith.constant 13 : i32
      %add3A_461 = arith.addi %mul3A_459, %add3A_460 : i32
      %mul3A_462 = arith.constant 16 : i32
      %mul3A_463 = arith.muli %add3A_461, %mul3A_462 : i32
      %get3A_464 = arith.index_cast %mul3A_463 : i32 to index
      %get3A_465 = tpu.vector_load %arg4[%get3A_464] {strides = array<i32>} : memref<32768xf32, #tpu.memory_space<vmem>>, vector<16xf32>,
      %sub3A_466 = arith.subf %get3A_465, %while3A_180#0 : vector<16xf32>
      %max3A_467 = arith.constant 0.000000e+00 : f32
      %max3A_468 = vector.broadcast %max3A_467 : f32 to vector<16xf32>
      %max3A_469 = arith.maximumf %sub3A_466, %max3A_468 : vector<16xf32>
      %swap3A_470 = arith.index_cast %mul3A_463 : i32 to index
      %swap3A_471 = tpu.vector_load %arg4[%swap3A_470] {strides = array<i32>} : memref<32768xf32, #tpu.memory_space<vmem>>, vector<16xf32>,
      tpu.vector_store %arg4[%swap3A_470], %max3A_469 {strides = array<i32>} : memref<32768xf32, #tpu.memory_space<vmem>>, vector<16xf32>,
      %mul3A_472 = arith.constant 16 : i32
      %mul3A_473 = arith.muli %scan3A_278, %mul3A_472 : i32
      %add3A_474 = arith.constant 14 : i32
      %add3A_475 = arith.addi %mul3A_473, %add3A_474 : i32
      %mul3A_476 = arith.constant 16 : i32
      %mul3A_477 = arith.muli %add3A_475, %mul3A_476 : i32
      %get3A_478 = arith.index_cast %mul3A_477 : i32 to index
      %get3A_479 = tpu.vector_load %arg4[%get3A_478] {strides = array<i32>} : memref<32768xf32, #tpu.memory_space<vmem>>, vector<16xf32>,
      %sub3A_480 = arith.subf %get3A_479, %while3A_180#0 : vector<16xf32>
      %max3A_481 = arith.constant 0.000000e+00 : f32
      %max3A_482 = vector.broadcast %max3A_481 : f32 to vector<16xf32>
      %max3A_483 = arith.maximumf %sub3A_480, %max3A_482 : vector<16xf32>
      %swap3A_484 = arith.index_cast %mul3A_477 : i32 to index
      %swap3A_485 = tpu.vector_load %arg4[%swap3A_484] {strides = array<i32>} : memref<32768xf32, #tpu.memory_space<vmem>>, vector<16xf32>,
      tpu.vector_store %arg4[%swap3A_484], %max3A_483 {strides = array<i32>} : memref<32768xf32, #tpu.memory_space<vmem>>, vector<16xf32>,
      %mul3A_486 = arith.constant 16 : i32
      %mul3A_487 = arith.muli %scan3A_278, %mul3A_486 : i32
      %add3A_488 = arith.constant 15 : i32
      %add3A_489 = arith.addi %mul3A_487, %add3A_488 : i32
      %mul3A_490 = arith.constant 16 : i32
      %mul3A_491 = arith.muli %add3A_489, %mul3A_490 : i32
      %get3A_492 = arith.index_cast %mul3A_491 : i32 to index
      %get3A_493 = tpu.vector_load %arg4[%get3A_492] {strides = array<i32>} : memref<32768xf32, #tpu.memory_space<vmem>>, vector<16xf32>,
      %sub3A_494 = arith.subf %get3A_493, %while3A_180#0 : vector<16xf32>
      %max3A_495 = arith.constant 0.000000e+00 : f32
      %max3A_496 = vector.broadcast %max3A_495 : f32 to vector<16xf32>
      %max3A_497 = arith.maximumf %sub3A_494, %max3A_496 : vector<16xf32>
      %swap3A_498 = arith.index_cast %mul3A_491 : i32 to index
      %swap3A_499 = tpu.vector_load %arg4[%swap3A_498] {strides = array<i32>} : memref<32768xf32, #tpu.memory_space<vmem>>, vector<16xf32>,
      tpu.vector_store %arg4[%swap3A_498], %max3A_497 {strides = array<i32>} : memref<32768xf32, #tpu.memory_space<vmem>>, vector<16xf32>,
    }
    %scan3A_200 = arith.constant 128 : i32
    %add3A_201 = arith.constant 2 : i32
    %add3A_202 = arith.addi %mul3A_2, %add3A_201 : i32
    %dma_start3A_203 = arith.constant 0 : i32
    %dma_start3A_204 = tpu.memref_slice %arg3[%add3A_202, %dma_start3A_203] : memref<128x32768xf32, #tpu.memory_space<hbm>> -> memref<1x32768xf32, #tpu.memory_space<hbm>>
    %dma_start3A_205 = tpu.memref_squeeze %dma_start3A_204 : memref<1x32768xf32, #tpu.memory_space<hbm>> -> memref<32768xf32, #tpu.memory_space<hbm>>
    %dma_start3A_206 = arith.constant 0 : i32
    %dma_start3A_207 = tpu.memref_slice %arg3[%add3A_202, %dma_start3A_206] : memref<128x32768xf32, #tpu.memory_space<hbm>> -> memref<1x32768xf32, #tpu.memory_space<hbm>>
    %dma_start3A_208 = tpu.memref_squeeze %dma_start3A_207 : memref<1x32768xf32, #tpu.memory_space<hbm>> -> memref<32768xf32, #tpu.memory_space<hbm>>
    tpu.enqueue_dma source(%arg4 : memref<32768xf32, #tpu.memory_space<vmem>>) target(%dma_start3A_208 : memref<32768xf32, #tpu.memory_space<hbm>>) target_semaphore(%arg9 : memref<!tpu.dma_semaphore, #tpu.memory_space<semaphore_mem>>)
    %dma_wait3A_209 = arith.constant 0 : i32
    %dma_wait3A_210 = tpu.memref_slice %arg2[%add3A_188, %dma_wait3A_209] : memref<128x32768xf32, #tpu.memory_space<hbm>> -> memref<1x32768xf32, #tpu.memory_space<hbm>>
    %dma_wait3A_211 = tpu.memref_squeeze %dma_wait3A_210 : memref<1x32768xf32, #tpu.memory_space<hbm>> -> memref<32768xf32, #tpu.memory_space<hbm>>
    %dma_wait3A_212 = arith.constant 0 : i32
    %dma_wait3A_213 = tpu.memref_slice %arg2[%add3A_188, %dma_wait3A_212] : memref<128x32768xf32, #tpu.memory_space<hbm>> -> memref<1x32768xf32, #tpu.memory_space<hbm>>
    %dma_wait3A_214 = tpu.memref_squeeze %dma_wait3A_213 : memref<1x32768xf32, #tpu.memory_space<hbm>> -> memref<32768xf32, #tpu.memory_space<hbm>>
    tpu.wait_dma2 semaphore(%arg8 : memref<!tpu.dma_semaphore, #tpu.memory_space<semaphore_mem>>) src(%dma_wait3A_214 : memref<32768xf32, #tpu.memory_space<hbm>>) dst(%arg5 : memref<32768xf32, #tpu.memory_space<vmem>>)
    %broadcast_in_dim3A_215 = arith.constant 0xFF800000 : f32
    %broadcast_in_dim3A_216 = vector.broadcast %broadcast_in_dim3A_215 : f32 to vector<16xf32>
    %scan3A_217 = arith.constant 0 : i32
    %scan3A_218 = arith.constant 128 : i32
    %scan3A_219 = arith.addi %scan3A_217, %scan3A_218 : i32
    %scan3A_220 = arith.constant 1 : i32
    %scan3A_221 = scf.for %scan3A_278 = %scan3A_217 to %scan3A_219 step %scan3A_220 iter_args(%scan3A_279 = %broadcast_in_dim3A_216) -> (vector<16xf32>)  : i32 {
      %mul3A_280 = arith.constant 16 : i32
      %mul3A_281 = arith.muli %scan3A_278, %mul3A_280 : i32
      %add3A_282 = arith.constant 0 : i32
      %add3A_283 = arith.addi %mul3A_281, %add3A_282 : i32
      %mul3A_284 = arith.constant 16 : i32
      %mul3A_285 = arith.muli %add3A_283, %mul3A_284 : i32
      %get3A = arith.index_cast %mul3A_285 : i32 to index
      %get3A_286 = tpu.vector_load %arg5[%get3A] {strides = array<i32>} : memref<32768xf32, #tpu.memory_space<vmem>>, vector<16xf32>,
      %max3A = arith.maximumf %scan3A_279, %get3A_286 : vector<16xf32>
      %mul3A_287 = arith.constant 16 : i32
      %mul3A_288 = arith.muli %scan3A_278, %mul3A_287 : i32
      %add3A_289 = arith.constant 1 : i32
      %add3A_290 = arith.addi %mul3A_288, %add3A_289 : i32
      %mul3A_291 = arith.constant 16 : i32
      %mul3A_292 = arith.muli %add3A_290, %mul3A_291 : i32
      %get3A_293 = arith.index_cast %mul3A_292 : i32 to index
      %get3A_294 = tpu.vector_load %arg5[%get3A_293] {strides = array<i32>} : memref<32768xf32, #tpu.memory_space<vmem>>, vector<16xf32>,
      %max3A_295 = arith.maximumf %max3A, %get3A_294 : vector<16xf32>
      %mul3A_296 = arith.constant 16 : i32
      %mul3A_297 = arith.muli %scan3A_278, %mul3A_296 : i32
      %add3A_298 = arith.constant 2 : i32
      %add3A_299 = arith.addi %mul3A_297, %add3A_298 : i32
      %mul3A_300 = arith.constant 16 : i32
      %mul3A_301 = arith.muli %add3A_299, %mul3A_300 : i32
      %get3A_302 = arith.index_cast %mul3A_301 : i32 to index
      %get3A_303 = tpu.vector_load %arg5[%get3A_302] {strides = array<i32>} : memref<32768xf32, #tpu.memory_space<vmem>>, vector<16xf32>,
      %max3A_304 = arith.maximumf %max3A_295, %get3A_303 : vector<16xf32>
      %mul3A_305 = arith.constant 16 : i32
      %mul3A_306 = arith.muli %scan3A_278, %mul3A_305 : i32
      %add3A_307 = arith.constant 3 : i32
      %add3A_308 = arith.addi %mul3A_306, %add3A_307 : i32
      %mul3A_309 = arith.constant 16 : i32
      %mul3A_310 = arith.muli %add3A_308, %mul3A_309 : i32
      %get3A_311 = arith.index_cast %mul3A_310 : i32 to index
      %get3A_312 = tpu.vector_load %arg5[%get3A_311] {strides = array<i32>} : memref<32768xf32, #tpu.memory_space<vmem>>, vector<16xf32>,
      %max3A_313 = arith.maximumf %max3A_304, %get3A_312 : vector<16xf32>
      %mul3A_314 = arith.constant 16 : i32
      %mul3A_315 = arith.muli %scan3A_278, %mul3A_314 : i32
      %add3A_316 = arith.constant 4 : i32
      %add3A_317 = arith.addi %mul3A_315, %add3A_316 : i32
      %mul3A_318 = arith.constant 16 : i32
      %mul3A_319 = arith.muli %add3A_317, %mul3A_318 : i32
      %get3A_320 = arith.index_cast %mul3A_319 : i32 to index
      %get3A_321 = tpu.vector_load %arg5[%get3A_320] {strides = array<i32>} : memref<32768xf32, #tpu.memory_space<vmem>>, vector<16xf32>,
      %max3A_322 = arith.maximumf %max3A_313, %get3A_321 : vector<16xf32>
      %mul3A_323 = arith.constant 16 : i32
      %mul3A_324 = arith.muli %scan3A_278, %mul3A_323 : i32
      %add3A_325 = arith.constant 5 : i32
      %add3A_326 = arith.addi %mul3A_324, %add3A_325 : i32
      %mul3A_327 = arith.constant 16 : i32
      %mul3A_328 = arith.muli %add3A_326, %mul3A_327 : i32
      %get3A_329 = arith.index_cast %mul3A_328 : i32 to index
      %get3A_330 = tpu.vector_load %arg5[%get3A_329] {strides = array<i32>} : memref<32768xf32, #tpu.memory_space<vmem>>, vector<16xf32>,
      %max3A_331 = arith.maximumf %max3A_322, %get3A_330 : vector<16xf32>
      %mul3A_332 = arith.constant 16 : i32
      %mul3A_333 = arith.muli %scan3A_278, %mul3A_332 : i32
      %add3A_334 = arith.constant 6 : i32
      %add3A_335 = arith.addi %mul3A_333, %add3A_334 : i32
      %mul3A_336 = arith.constant 16 : i32
      %mul3A_337 = arith.muli %add3A_335, %mul3A_336 : i32
      %get3A_338 = arith.index_cast %mul3A_337 : i32 to index
      %get3A_339 = tpu.vector_load %arg5[%get3A_338] {strides = array<i32>} : memref<32768xf32, #tpu.memory_space<vmem>>, vector<16xf32>,
      %max3A_340 = arith.maximumf %max3A_331, %get3A_339 : vector<16xf32>
      %mul3A_341 = arith.constant 16 : i32
      %mul3A_342 = arith.muli %scan3A_278, %mul3A_341 : i32
      %add3A_343 = arith.constant 7 : i32
      %add3A_344 = arith.addi %mul3A_342, %add3A_343 : i32
      %mul3A_345 = arith.constant 16 : i32
      %mul3A_346 = arith.muli %add3A_344, %mul3A_345 : i32
      %get3A_347 = arith.index_cast %mul3A_346 : i32 to index
      %get3A_348 = tpu.vector_load %arg5[%get3A_347] {strides = array<i32>} : memref<32768xf32, #tpu.memory_space<vmem>>, vector<16xf32>,
      %max3A_349 = arith.maximumf %max3A_340, %get3A_348 : vector<16xf32>
      %mul3A_350 = arith.constant 16 : i32
      %mul3A_351 = arith.muli %scan3A_278, %mul3A_350 : i32
      %add3A_352 = arith.constant 8 : i32
      %add3A_353 = arith.addi %mul3A_351, %add3A_352 : i32
      %mul3A_354 = arith.constant 16 : i32
      %mul3A_355 = arith.muli %add3A_353, %mul3A_354 : i32
      %get3A_356 = arith.index_cast %mul3A_355 : i32 to index
      %get3A_357 = tpu.vector_load %arg5[%get3A_356] {strides = array<i32>} : memref<32768xf32, #tpu.memory_space<vmem>>, vector<16xf32>,
      %max3A_358 = arith.maximumf %max3A_349, %get3A_357 : vector<16xf32>
      %mul3A_359 = arith.constant 16 : i32
      %mul3A_360 = arith.muli %scan3A_278, %mul3A_359 : i32
      %add3A_361 = arith.constant 9 : i32
      %add3A_362 = arith.addi %mul3A_360, %add3A_361 : i32
      %mul3A_363 = arith.constant 16 : i32
      %mul3A_364 = arith.muli %add3A_362, %mul3A_363 : i32
      %get3A_365 = arith.index_cast %mul3A_364 : i32 to index
      %get3A_366 = tpu.vector_load %arg5[%get3A_365] {strides = array<i32>} : memref<32768xf32, #tpu.memory_space<vmem>>, vector<16xf32>,
      %max3A_367 = arith.maximumf %max3A_358, %get3A_366 : vector<16xf32>
      %mul3A_368 = arith.constant 16 : i32
      %mul3A_369 = arith.muli %scan3A_278, %mul3A_368 : i32
      %add3A_370 = arith.constant 10 : i32
      %add3A_371 = arith.addi %mul3A_369, %add3A_370 : i32
      %mul3A_372 = arith.constant 16 : i32
      %mul3A_373 = arith.muli %add3A_371, %mul3A_372 : i32
      %get3A_374 = arith.index_cast %mul3A_373 : i32 to index
      %get3A_375 = tpu.vector_load %arg5[%get3A_374] {strides = array<i32>} : memref<32768xf32, #tpu.memory_space<vmem>>, vector<16xf32>,
      %max3A_376 = arith.maximumf %max3A_367, %get3A_375 : vector<16xf32>
      %mul3A_377 = arith.constant 16 : i32
      %mul3A_378 = arith.muli %scan3A_278, %mul3A_377 : i32
      %add3A_379 = arith.constant 11 : i32
      %add3A_380 = arith.addi %mul3A_378, %add3A_379 : i32
      %mul3A_381 = arith.constant 16 : i32
      %mul3A_382 = arith.muli %add3A_380, %mul3A_381 : i32
      %get3A_383 = arith.index_cast %mul3A_382 : i32 to index
      %get3A_384 = tpu.vector_load %arg5[%get3A_383] {strides = array<i32>} : memref<32768xf32, #tpu.memory_space<vmem>>, vector<16xf32>,
      %max3A_385 = arith.maximumf %max3A_376, %get3A_384 : vector<16xf32>
      %mul3A_386 = arith.constant 16 : i32
      %mul3A_387 = arith.muli %scan3A_278, %mul3A_386 : i32
      %add3A_388 = arith.constant 12 : i32
      %add3A_389 = arith.addi %mul3A_387, %add3A_388 : i32
      %mul3A_390 = arith.constant 16 : i32
      %mul3A_391 = arith.muli %add3A_389, %mul3A_390 : i32
      %get3A_392 = arith.index_cast %mul3A_391 : i32 to index
      %get3A_393 = tpu.vector_load %arg5[%get3A_392] {strides = array<i32>} : memref<32768xf32, #tpu.memory_space<vmem>>, vector<16xf32>,
      %max3A_394 = arith.maximumf %max3A_385, %get3A_393 : vector<16xf32>
      %mul3A_395 = arith.constant 16 : i32
      %mul3A_396 = arith.muli %scan3A_278, %mul3A_395 : i32
      %add3A_397 = arith.constant 13 : i32
      %add3A_398 = arith.addi %mul3A_396, %add3A_397 : i32
      %mul3A_399 = arith.constant 16 : i32
      %mul3A_400 = arith.muli %add3A_398, %mul3A_399 : i32
      %get3A_401 = arith.index_cast %mul3A_400 : i32 to index
      %get3A_402 = tpu.vector_load %arg5[%get3A_401] {strides = array<i32>} : memref<32768xf32, #tpu.memory_space<vmem>>, vector<16xf32>,
      %max3A_403 = arith.maximumf %max3A_394, %get3A_402 : vector<16xf32>
      %mul3A_404 = arith.constant 16 : i32
      %mul3A_405 = arith.muli %scan3A_278, %mul3A_404 : i32
      %add3A_406 = arith.constant 14 : i32
      %add3A_407 = arith.addi %mul3A_405, %add3A_406 : i32
      %mul3A_408 = arith.constant 16 : i32
      %mul3A_409 = arith.muli %add3A_407, %mul3A_408 : i32
      %get3A_410 = arith.index_cast %mul3A_409 : i32 to index
      %get3A_411 = tpu.vector_load %arg5[%get3A_410] {strides = array<i32>} : memref<32768xf32, #tpu.memory_space<vmem>>, vector<16xf32>,
      %max3A_412 = arith.maximumf %max3A_403, %get3A_411 : vector<16xf32>
      %mul3A_413 = arith.constant 16 : i32
      %mul3A_414 = arith.muli %scan3A_278, %mul3A_413 : i32
      %add3A_415 = arith.constant 15 : i32
      %add3A_416 = arith.addi %mul3A_414, %add3A_415 : i32
      %mul3A_417 = arith.constant 16 : i32
      %mul3A_418 = arith.muli %add3A_416, %mul3A_417 : i32
      %get3A_419 = arith.index_cast %mul3A_418 : i32 to index
      %get3A_420 = tpu.vector_load %arg5[%get3A_419] {strides = array<i32>} : memref<32768xf32, #tpu.memory_space<vmem>>, vector<16xf32>,
      %max3A_421 = arith.maximumf %max3A_412, %get3A_420 : vector<16xf32>
      scf.yield %max3A_421 : vector<16xf32>
    }
    %scan3A_222 = arith.constant 128 : i32
    %reduce_max3A_223 = arith.constant true
    %reduce_max3A_224 = vector.broadcast %reduce_max3A_223 : i1 to vector<16xi1>
    %reduce_max3A_225 = tpu.scan <max>, %scan3A_221 masked %reduce_max3A_224 : vector<16xf32>, vector<16xi1> -> vector<16xf32>
    %reduce_max3A_226 = vector.extract %reduce_max3A_225[15] : f32 from vector<16xf32>
    %broadcast_in_dim3A_227 = vector.broadcast %reduce_max3A_226 : f32 to vector<16xf32>
    %sub3A_228 = arith.constant 1.000000e+00 : f32
    %sub3A_229 = vector.broadcast %sub3A_228 : f32 to vector<16xf32>
    %sub3A_230 = arith.subf %broadcast_in_dim3A_227, %sub3A_229 : vector<16xf32>
    %iota3A_231 = tpu.iota {dimensions = array<i32: 0>} : vector<16xi32>
    %broadcast_in_dim3A_232 = arith.constant 16 : i32
    %broadcast_in_dim3A_233 = vector.broadcast %broadcast_in_dim3A_232 : i32 to vector<16xi32>
    %broadcast_in_dim3A_234 = arith.constant 0 : i32
    %broadcast_in_dim3A_235 = vector.broadcast %broadcast_in_dim3A_234 : i32 to vector<16xi32>
    %parallel_loop3A_236 = arith.constant 0 : i32
    %parallel_loop3A_237 = arith.constant 2048 : i32
    %parallel_loop3A_238 = arith.constant 1 : i32
    %parallel_loop3A_239 = scf.for %parallel_loop3A_278 = %parallel_loop3A_236 to %parallel_loop3A_237 step %parallel_loop3A_238 iter_args(%parallel_loop3A_279 = %iota3A_231) -> (vector<16xi32>)  : i32 {
      %parallel_loop3A_280 = arith.constant 16 : i32
      %parallel_loop3A_281 = arith.muli %parallel_loop3A_278, %parallel_loop3A_280 : i32
      %parallel_loop3A_282 = arith.index_cast %parallel_loop3A_281 : i32 to index
      %parallel_loop3A_283 = tpu.vector_load %arg5[%parallel_loop3A_282] {strides = array<i32>} : memref<32768xf32, #tpu.memory_space<vmem>>, vector<16xf32>,
      %parallel_loop3A_284 = arith.cmpf ogt, %parallel_loop3A_283, %sub3A_230 : vector<16xf32>
      %parallel_loop3A_285 = tpu.all_reduce %parallel_loop3A_284 {dim = 0 : i64, kind = #tpu.reduction_kind<sum>} : vector<16xi1> -> vector<16xi32>
      %parallel_loop3A_286 = arith.constant 0 : i32
      %parallel_loop3A_287 = vector.broadcast %parallel_loop3A_286 : i32 to vector<16xi32>
      %parallel_loop3A_288 = arith.cmpi sgt, %parallel_loop3A_285, %parallel_loop3A_287 : vector<16xi32>
      tpu.vector_store_idx %arg6[%parallel_loop3A_279], %parallel_loop3A_283 masked %parallel_loop3A_288 : memref<32768xf32, #tpu.memory_space<vmem>>[vector<16xi32>], vector<16xf32>, vector<16xi1>
      %parallel_loop3A_289 = arith.select %parallel_loop3A_288, %broadcast_in_dim3A_233, %broadcast_in_dim3A_235 : vector<16xi1>, vector<16xi32>
      %parallel_loop3A_290 = arith.addi %parallel_loop3A_279, %parallel_loop3A_289 : vector<16xi32>
      scf.yield %parallel_loop3A_290 : vector<16xi32>
    } {sc.loop_unroll_factor = 8 : i64, sc.parallel_access}
    %reduce_max3A_240 = arith.constant true
    %reduce_max3A_241 = vector.broadcast %reduce_max3A_240 : i1 to vector<16xi1>
    %reduce_max3A_242 = arith.constant -2147483648 : i32
    %reduce_max3A_243 = vector.broadcast %reduce_max3A_242 : i32 to vector<16xi32>
    %reduce_max3A_244 = arith.xori %parallel_loop3A_239, %reduce_max3A_243 : vector<16xi32>
    %reduce_max3A_245 = tpu.scan <max>, %reduce_max3A_244 masked %reduce_max3A_241 : vector<16xi32>, vector<16xi1> -> vector<16xi32>
    %reduce_max3A_246 = arith.xori %reduce_max3A_245, %reduce_max3A_243 : vector<16xi32>
    %reduce_max3A_247 = vector.extract %reduce_max3A_246[15] : i32 from vector<16xi32>
    %sub3A_248 = arith.constant 15 : i32
    %sub3A_249 = arith.subi %reduce_max3A_247, %sub3A_248 : i32
    %while3A_250 = arith.constant false
    %while3A_251:2 = scf.while (%while3A_278 = %sub3A_230, %while3A_279 = %while3A_250) : (vector<16xf32>, i1) -> (vector<16xf32>, i1) {
      %not3A = arith.constant true
      %not3A_280 = arith.xori %while3A_279, %not3A : i1
      scf.condition(%not3A_280) %while3A_278, %while3A_279 : vector<16xf32>, i1
    } do {
    ^bb0(%while3A_278: vector<16xf32>, %while3A_279: i1):
      %broadcast_in_dim3A_280 = arith.constant 0.000000e+00 : f32
      %broadcast_in_dim3A_281 = vector.broadcast %broadcast_in_dim3A_280 : f32 to vector<16xf32>
      %div3A = arith.constant 16 : i32
      %div3A_282 = arith.divsi %sub3A_249, %div3A : i32
      %while3A_283 = arith.constant 0 : i32
      %while3A_284 = arith.subi %div3A_282, %while3A_283 : i32
      %while3A_285 = arith.addi %while3A_283, %while3A_284 : i32
      %while3A_286 = arith.constant 1 : i32
      %while3A_287 = arith.divsi %while3A_284, %while3A_286 : i32
      %while3A_288 = arith.muli %while3A_287, %while3A_286 : i32
      %while3A_289 = arith.addi %while3A_283, %while3A_288 : i32
      %while3A_290 = arith.constant 1 : i32
      %while3A_291:2 = scf.for %while3A_317 = %while3A_283 to %while3A_289 step %while3A_290 iter_args(%while3A_318 = %broadcast_in_dim3A_281, %while3A_319 = %broadcast_in_dim3A_281) -> (vector<16xf32>, vector<16xf32>)  : i32 {
        %mul3A_320 = arith.constant 16 : i32
        %mul3A_321 = arith.muli %while3A_317, %mul3A_320 : i32
        %get3A = arith.index_cast %mul3A_321 : i32 to index
        %get3A_322 = tpu.vector_load %arg6[%get3A] {strides = array<i32>} : memref<32768xf32, #tpu.memory_space<vmem>>, vector<16xf32>,
        %gt3A = arith.cmpf ogt, %get3A_322, %while3A_278 : vector<16xf32>
        %jit3A = arith.constant 0.000000e+00 : f32
        %broadcast_in_dim3A_323 = vector.broadcast %jit3A : f32 to vector<16xf32>
        %select_n3A = arith.select %gt3A, %get3A_322, %broadcast_in_dim3A_323 : vector<16xi1>, vector<16xf32>
        %add3A_324 = arith.addf %while3A_318, %select_n3A : vector<16xf32>
        %jit3A_325 = arith.constant 1.000000e+00 : f32
        %jit3A_326 = arith.constant 0.000000e+00 : f32
        %broadcast_in_dim3A_327 = vector.broadcast %jit3A_325 : f32 to vector<16xf32>
        %broadcast_in_dim3A_328 = vector.broadcast %jit3A_326 : f32 to vector<16xf32>
        %select_n3A_329 = arith.select %gt3A, %broadcast_in_dim3A_327, %broadcast_in_dim3A_328 : vector<16xi1>, vector<16xf32>
        %add3A_330 = arith.addf %while3A_319, %select_n3A_329 : vector<16xf32>
        scf.yield %add3A_324, %add3A_330 : vector<16xf32>, vector<16xf32>
      }
      %while3A_292 = arith.constant 1 : i32
      %while3A_293:2 = scf.for %while3A_317 = %while3A_289 to %while3A_285 step %while3A_292 iter_args(%while3A_318 = %while3A_291#0, %while3A_319 = %while3A_291#1) -> (vector<16xf32>, vector<16xf32>)  : i32 {
        %mul3A_320 = arith.constant 16 : i32
        %mul3A_321 = arith.muli %while3A_317, %mul3A_320 : i32
        %get3A = arith.index_cast %mul3A_321 : i32 to index
        %get3A_322 = tpu.vector_load %arg6[%get3A] {strides = array<i32>} : memref<32768xf32, #tpu.memory_space<vmem>>, vector<16xf32>,
        %gt3A = arith.cmpf ogt, %get3A_322, %while3A_278 : vector<16xf32>
        %jit3A = arith.constant 0.000000e+00 : f32
        %broadcast_in_dim3A_323 = vector.broadcast %jit3A : f32 to vector<16xf32>
        %select_n3A = arith.select %gt3A, %get3A_322, %broadcast_in_dim3A_323 : vector<16xi1>, vector<16xf32>
        %add3A_324 = arith.addf %while3A_318, %select_n3A : vector<16xf32>
        %jit3A_325 = arith.constant 1.000000e+00 : f32
        %jit3A_326 = arith.constant 0.000000e+00 : f32
        %broadcast_in_dim3A_327 = vector.broadcast %jit3A_325 : f32 to vector<16xf32>
        %broadcast_in_dim3A_328 = vector.broadcast %jit3A_326 : f32 to vector<16xf32>
        %select_n3A_329 = arith.select %gt3A, %broadcast_in_dim3A_327, %broadcast_in_dim3A_328 : vector<16xi1>, vector<16xf32>
        %add3A_330 = arith.addf %while3A_319, %select_n3A_329 : vector<16xf32>
        scf.yield %add3A_324, %add3A_330 : vector<16xf32>, vector<16xf32>
      }
      %reduce_sum3A = arith.constant true
      %reduce_sum3A_294 = vector.broadcast %reduce_sum3A : i1 to vector<16xi1>
      %reduce_sum3A_295 = tpu.scan <sum>, %while3A_293#0 masked %reduce_sum3A_294 : vector<16xf32>, vector<16xi1> -> vector<16xf32>
      %reduce_sum3A_296 = vector.extract %reduce_sum3A_295[15] : f32 from vector<16xf32>
      %reduce_sum3A_297 = arith.constant true
      %reduce_sum3A_298 = vector.broadcast %reduce_sum3A_297 : i1 to vector<16xi1>
      %reduce_sum3A_299 = tpu.scan <sum>, %while3A_293#1 masked %reduce_sum3A_298 : vector<16xf32>, vector<16xi1> -> vector<16xf32>
      %reduce_sum3A_300 = vector.extract %reduce_sum3A_299[15] : f32 from vector<16xf32>
      %broadcast_in_dim3A_301 = vector.broadcast %reduce_sum3A_296 : f32 to vector<16xf32>
      %sub3A_302 = arith.constant 1.000000e+00 : f32
      %sub3A_303 = vector.broadcast %sub3A_302 : f32 to vector<16xf32>
      %sub3A_304 = arith.subf %broadcast_in_dim3A_301, %sub3A_303 : vector<16xf32>
      %broadcast_in_dim3A_305 = vector.broadcast %reduce_sum3A_300 : f32 to vector<16xf32>
      %div3A_306 = arith.divf %sub3A_304, %broadcast_in_dim3A_305 : vector<16xf32>
      %max3A = arith.maximumf %while3A_278, %div3A_306 : vector<16xf32>
      %eq3A = arith.cmpf oeq, %max3A, %while3A_278 : vector<16xf32>
      %reduce_and3A = arith.constant 1.000000e+00 : f32
      %reduce_and3A_307 = arith.constant 0.000000e+00 : f32
      %reduce_and3A_308 = vector.broadcast %reduce_and3A : f32 to vector<16xf32>
      %reduce_and3A_309 = vector.broadcast %reduce_and3A_307 : f32 to vector<16xf32>
      %reduce_and3A_310 = arith.select %eq3A, %reduce_and3A_308, %reduce_and3A_309 : vector<16xi1>, vector<16xf32>
      %reduce_and3A_311 = arith.constant true
      %reduce_and3A_312 = vector.broadcast %reduce_and3A_311 : i1 to vector<16xi1>
      %reduce_and3A_313 = tpu.scan <min>, %reduce_and3A_310 masked %reduce_and3A_312 : vector<16xf32>, vector<16xi1> -> vector<16xf32>
      %reduce_and3A_314 = vector.extract %reduce_and3A_313[15] : f32 from vector<16xf32>
      %reduce_and3A_315 = arith.constant 0.000000e+00 : f32
      %reduce_and3A_316 = arith.cmpf ogt, %reduce_and3A_314, %reduce_and3A_315 : f32
      scf.yield %max3A, %reduce_and3A_316 : vector<16xf32>, i1
    }
    %dma_wait3A_252 = arith.constant 0 : i32
    %dma_wait3A_253 = tpu.memref_slice %arg3[%add3A_202, %dma_wait3A_252] : memref<128x32768xf32, #tpu.memory_space<hbm>> -> memref<1x32768xf32, #tpu.memory_space<hbm>>
    %dma_wait3A_254 = tpu.memref_squeeze %dma_wait3A_253 : memref<1x32768xf32, #tpu.memory_space<hbm>> -> memref<32768xf32, #tpu.memory_space<hbm>>
    %dma_wait3A_255 = arith.constant 0 : i32
    %dma_wait3A_256 = tpu.memref_slice %arg3[%add3A_202, %dma_wait3A_255] : memref<128x32768xf32, #tpu.memory_space<hbm>> -> memref<1x32768xf32, #tpu.memory_space<hbm>>
    %dma_wait3A_257 = tpu.memref_squeeze %dma_wait3A_256 : memref<1x32768xf32, #tpu.memory_space<hbm>> -> memref<32768xf32, #tpu.memory_space<hbm>>
    tpu.wait_dma2 semaphore(%arg9 : memref<!tpu.dma_semaphore, #tpu.memory_space<semaphore_mem>>) src(%arg4 : memref<32768xf32, #tpu.memory_space<vmem>>) dst(%dma_wait3A_257 : memref<32768xf32, #tpu.memory_space<hbm>>)
    %scan3A_258 = arith.constant 0 : i32
    %scan3A_259 = arith.constant 0 : i32
    %scan3A_260 = arith.constant 128 : i32
    %scan3A_261 = arith.addi %scan3A_259, %scan3A_260 : i32
    %scan3A_262 = arith.constant 1 : i32
    scf.for %scan3A_278 = %scan3A_259 to %scan3A_261 step %scan3A_262  : i32 {
      %mul3A_279 = arith.constant 16 : i32
      %mul3A_280 = arith.muli %scan3A_278, %mul3A_279 : i32
      %add3A_281 = arith.constant 0 : i32
      %add3A_282 = arith.addi %mul3A_280, %add3A_281 : i32
      %mul3A_283 = arith.constant 16 : i32
      %mul3A_284 = arith.muli %add3A_282, %mul3A_283 : i32
      %get3A = arith.index_cast %mul3A_284 : i32 to index
      %get3A_285 = tpu.vector_load %arg5[%get3A] {strides = array<i32>} : memref<32768xf32, #tpu.memory_space<vmem>>, vector<16xf32>,
      %sub3A_286 = arith.subf %get3A_285, %while3A_251#0 : vector<16xf32>
      %max3A = arith.constant 0.000000e+00 : f32
      %max3A_287 = vector.broadcast %max3A : f32 to vector<16xf32>
      %max3A_288 = arith.maximumf %sub3A_286, %max3A_287 : vector<16xf32>
      %swap3A = arith.index_cast %mul3A_284 : i32 to index
      %swap3A_289 = tpu.vector_load %arg5[%swap3A] {strides = array<i32>} : memref<32768xf32, #tpu.memory_space<vmem>>, vector<16xf32>,
      tpu.vector_store %arg5[%swap3A], %max3A_288 {strides = array<i32>} : memref<32768xf32, #tpu.memory_space<vmem>>, vector<16xf32>,
      %mul3A_290 = arith.constant 16 : i32
      %mul3A_291 = arith.muli %scan3A_278, %mul3A_290 : i32
      %add3A_292 = arith.constant 1 : i32
      %add3A_293 = arith.addi %mul3A_291, %add3A_292 : i32
      %mul3A_294 = arith.constant 16 : i32
      %mul3A_295 = arith.muli %add3A_293, %mul3A_294 : i32
      %get3A_296 = arith.index_cast %mul3A_295 : i32 to index
      %get3A_297 = tpu.vector_load %arg5[%get3A_296] {strides = array<i32>} : memref<32768xf32, #tpu.memory_space<vmem>>, vector<16xf32>,
      %sub3A_298 = arith.subf %get3A_297, %while3A_251#0 : vector<16xf32>
      %max3A_299 = arith.constant 0.000000e+00 : f32
      %max3A_300 = vector.broadcast %max3A_299 : f32 to vector<16xf32>
      %max3A_301 = arith.maximumf %sub3A_298, %max3A_300 : vector<16xf32>
      %swap3A_302 = arith.index_cast %mul3A_295 : i32 to index
      %swap3A_303 = tpu.vector_load %arg5[%swap3A_302] {strides = array<i32>} : memref<32768xf32, #tpu.memory_space<vmem>>, vector<16xf32>,
      tpu.vector_store %arg5[%swap3A_302], %max3A_301 {strides = array<i32>} : memref<32768xf32, #tpu.memory_space<vmem>>, vector<16xf32>,
      %mul3A_304 = arith.constant 16 : i32
      %mul3A_305 = arith.muli %scan3A_278, %mul3A_304 : i32
      %add3A_306 = arith.constant 2 : i32
      %add3A_307 = arith.addi %mul3A_305, %add3A_306 : i32
      %mul3A_308 = arith.constant 16 : i32
      %mul3A_309 = arith.muli %add3A_307, %mul3A_308 : i32
      %get3A_310 = arith.index_cast %mul3A_309 : i32 to index
      %get3A_311 = tpu.vector_load %arg5[%get3A_310] {strides = array<i32>} : memref<32768xf32, #tpu.memory_space<vmem>>, vector<16xf32>,
      %sub3A_312 = arith.subf %get3A_311, %while3A_251#0 : vector<16xf32>
      %max3A_313 = arith.constant 0.000000e+00 : f32
      %max3A_314 = vector.broadcast %max3A_313 : f32 to vector<16xf32>
      %max3A_315 = arith.maximumf %sub3A_312, %max3A_314 : vector<16xf32>
      %swap3A_316 = arith.index_cast %mul3A_309 : i32 to index
      %swap3A_317 = tpu.vector_load %arg5[%swap3A_316] {strides = array<i32>} : memref<32768xf32, #tpu.memory_space<vmem>>, vector<16xf32>,
      tpu.vector_store %arg5[%swap3A_316], %max3A_315 {strides = array<i32>} : memref<32768xf32, #tpu.memory_space<vmem>>, vector<16xf32>,
      %mul3A_318 = arith.constant 16 : i32
      %mul3A_319 = arith.muli %scan3A_278, %mul3A_318 : i32
      %add3A_320 = arith.constant 3 : i32
      %add3A_321 = arith.addi %mul3A_319, %add3A_320 : i32
      %mul3A_322 = arith.constant 16 : i32
      %mul3A_323 = arith.muli %add3A_321, %mul3A_322 : i32
      %get3A_324 = arith.index_cast %mul3A_323 : i32 to index
      %get3A_325 = tpu.vector_load %arg5[%get3A_324] {strides = array<i32>} : memref<32768xf32, #tpu.memory_space<vmem>>, vector<16xf32>,
      %sub3A_326 = arith.subf %get3A_325, %while3A_251#0 : vector<16xf32>
      %max3A_327 = arith.constant 0.000000e+00 : f32
      %max3A_328 = vector.broadcast %max3A_327 : f32 to vector<16xf32>
      %max3A_329 = arith.maximumf %sub3A_326, %max3A_328 : vector<16xf32>
      %swap3A_330 = arith.index_cast %mul3A_323 : i32 to index
      %swap3A_331 = tpu.vector_load %arg5[%swap3A_330] {strides = array<i32>} : memref<32768xf32, #tpu.memory_space<vmem>>, vector<16xf32>,
      tpu.vector_store %arg5[%swap3A_330], %max3A_329 {strides = array<i32>} : memref<32768xf32, #tpu.memory_space<vmem>>, vector<16xf32>,
      %mul3A_332 = arith.constant 16 : i32
      %mul3A_333 = arith.muli %scan3A_278, %mul3A_332 : i32
      %add3A_334 = arith.constant 4 : i32
      %add3A_335 = arith.addi %mul3A_333, %add3A_334 : i32
      %mul3A_336 = arith.constant 16 : i32
      %mul3A_337 = arith.muli %add3A_335, %mul3A_336 : i32
      %get3A_338 = arith.index_cast %mul3A_337 : i32 to index
      %get3A_339 = tpu.vector_load %arg5[%get3A_338] {strides = array<i32>} : memref<32768xf32, #tpu.memory_space<vmem>>, vector<16xf32>,
      %sub3A_340 = arith.subf %get3A_339, %while3A_251#0 : vector<16xf32>
      %max3A_341 = arith.constant 0.000000e+00 : f32
      %max3A_342 = vector.broadcast %max3A_341 : f32 to vector<16xf32>
      %max3A_343 = arith.maximumf %sub3A_340, %max3A_342 : vector<16xf32>
      %swap3A_344 = arith.index_cast %mul3A_337 : i32 to index
      %swap3A_345 = tpu.vector_load %arg5[%swap3A_344] {strides = array<i32>} : memref<32768xf32, #tpu.memory_space<vmem>>, vector<16xf32>,
      tpu.vector_store %arg5[%swap3A_344], %max3A_343 {strides = array<i32>} : memref<32768xf32, #tpu.memory_space<vmem>>, vector<16xf32>,
      %mul3A_346 = arith.constant 16 : i32
      %mul3A_347 = arith.muli %scan3A_278, %mul3A_346 : i32
      %add3A_348 = arith.constant 5 : i32
      %add3A_349 = arith.addi %mul3A_347, %add3A_348 : i32
      %mul3A_350 = arith.constant 16 : i32
      %mul3A_351 = arith.muli %add3A_349, %mul3A_350 : i32
      %get3A_352 = arith.index_cast %mul3A_351 : i32 to index
      %get3A_353 = tpu.vector_load %arg5[%get3A_352] {strides = array<i32>} : memref<32768xf32, #tpu.memory_space<vmem>>, vector<16xf32>,
      %sub3A_354 = arith.subf %get3A_353, %while3A_251#0 : vector<16xf32>
      %max3A_355 = arith.constant 0.000000e+00 : f32
      %max3A_356 = vector.broadcast %max3A_355 : f32 to vector<16xf32>
      %max3A_357 = arith.maximumf %sub3A_354, %max3A_356 : vector<16xf32>
      %swap3A_358 = arith.index_cast %mul3A_351 : i32 to index
      %swap3A_359 = tpu.vector_load %arg5[%swap3A_358] {strides = array<i32>} : memref<32768xf32, #tpu.memory_space<vmem>>, vector<16xf32>,
      tpu.vector_store %arg5[%swap3A_358], %max3A_357 {strides = array<i32>} : memref<32768xf32, #tpu.memory_space<vmem>>, vector<16xf32>,
      %mul3A_360 = arith.constant 16 : i32
      %mul3A_361 = arith.muli %scan3A_278, %mul3A_360 : i32
      %add3A_362 = arith.constant 6 : i32
      %add3A_363 = arith.addi %mul3A_361, %add3A_362 : i32
      %mul3A_364 = arith.constant 16 : i32
      %mul3A_365 = arith.muli %add3A_363, %mul3A_364 : i32
      %get3A_366 = arith.index_cast %mul3A_365 : i32 to index
      %get3A_367 = tpu.vector_load %arg5[%get3A_366] {strides = array<i32>} : memref<32768xf32, #tpu.memory_space<vmem>>, vector<16xf32>,
      %sub3A_368 = arith.subf %get3A_367, %while3A_251#0 : vector<16xf32>
      %max3A_369 = arith.constant 0.000000e+00 : f32
      %max3A_370 = vector.broadcast %max3A_369 : f32 to vector<16xf32>
      %max3A_371 = arith.maximumf %sub3A_368, %max3A_370 : vector<16xf32>
      %swap3A_372 = arith.index_cast %mul3A_365 : i32 to index
      %swap3A_373 = tpu.vector_load %arg5[%swap3A_372] {strides = array<i32>} : memref<32768xf32, #tpu.memory_space<vmem>>, vector<16xf32>,
      tpu.vector_store %arg5[%swap3A_372], %max3A_371 {strides = array<i32>} : memref<32768xf32, #tpu.memory_space<vmem>>, vector<16xf32>,
      %mul3A_374 = arith.constant 16 : i32
      %mul3A_375 = arith.muli %scan3A_278, %mul3A_374 : i32
      %add3A_376 = arith.constant 7 : i32
      %add3A_377 = arith.addi %mul3A_375, %add3A_376 : i32
      %mul3A_378 = arith.constant 16 : i32
      %mul3A_379 = arith.muli %add3A_377, %mul3A_378 : i32
      %get3A_380 = arith.index_cast %mul3A_379 : i32 to index
      %get3A_381 = tpu.vector_load %arg5[%get3A_380] {strides = array<i32>} : memref<32768xf32, #tpu.memory_space<vmem>>, vector<16xf32>,
      %sub3A_382 = arith.subf %get3A_381, %while3A_251#0 : vector<16xf32>
      %max3A_383 = arith.constant 0.000000e+00 : f32
      %max3A_384 = vector.broadcast %max3A_383 : f32 to vector<16xf32>
      %max3A_385 = arith.maximumf %sub3A_382, %max3A_384 : vector<16xf32>
      %swap3A_386 = arith.index_cast %mul3A_379 : i32 to index
      %swap3A_387 = tpu.vector_load %arg5[%swap3A_386] {strides = array<i32>} : memref<32768xf32, #tpu.memory_space<vmem>>, vector<16xf32>,
      tpu.vector_store %arg5[%swap3A_386], %max3A_385 {strides = array<i32>} : memref<32768xf32, #tpu.memory_space<vmem>>, vector<16xf32>,
      %mul3A_388 = arith.constant 16 : i32
      %mul3A_389 = arith.muli %scan3A_278, %mul3A_388 : i32
      %add3A_390 = arith.constant 8 : i32
      %add3A_391 = arith.addi %mul3A_389, %add3A_390 : i32
      %mul3A_392 = arith.constant 16 : i32
      %mul3A_393 = arith.muli %add3A_391, %mul3A_392 : i32
      %get3A_394 = arith.index_cast %mul3A_393 : i32 to index
      %get3A_395 = tpu.vector_load %arg5[%get3A_394] {strides = array<i32>} : memref<32768xf32, #tpu.memory_space<vmem>>, vector<16xf32>,
      %sub3A_396 = arith.subf %get3A_395, %while3A_251#0 : vector<16xf32>
      %max3A_397 = arith.constant 0.000000e+00 : f32
      %max3A_398 = vector.broadcast %max3A_397 : f32 to vector<16xf32>
      %max3A_399 = arith.maximumf %sub3A_396, %max3A_398 : vector<16xf32>
      %swap3A_400 = arith.index_cast %mul3A_393 : i32 to index
      %swap3A_401 = tpu.vector_load %arg5[%swap3A_400] {strides = array<i32>} : memref<32768xf32, #tpu.memory_space<vmem>>, vector<16xf32>,
      tpu.vector_store %arg5[%swap3A_400], %max3A_399 {strides = array<i32>} : memref<32768xf32, #tpu.memory_space<vmem>>, vector<16xf32>,
      %mul3A_402 = arith.constant 16 : i32
      %mul3A_403 = arith.muli %scan3A_278, %mul3A_402 : i32
      %add3A_404 = arith.constant 9 : i32
      %add3A_405 = arith.addi %mul3A_403, %add3A_404 : i32
      %mul3A_406 = arith.constant 16 : i32
      %mul3A_407 = arith.muli %add3A_405, %mul3A_406 : i32
      %get3A_408 = arith.index_cast %mul3A_407 : i32 to index
      %get3A_409 = tpu.vector_load %arg5[%get3A_408] {strides = array<i32>} : memref<32768xf32, #tpu.memory_space<vmem>>, vector<16xf32>,
      %sub3A_410 = arith.subf %get3A_409, %while3A_251#0 : vector<16xf32>
      %max3A_411 = arith.constant 0.000000e+00 : f32
      %max3A_412 = vector.broadcast %max3A_411 : f32 to vector<16xf32>
      %max3A_413 = arith.maximumf %sub3A_410, %max3A_412 : vector<16xf32>
      %swap3A_414 = arith.index_cast %mul3A_407 : i32 to index
      %swap3A_415 = tpu.vector_load %arg5[%swap3A_414] {strides = array<i32>} : memref<32768xf32, #tpu.memory_space<vmem>>, vector<16xf32>,
      tpu.vector_store %arg5[%swap3A_414], %max3A_413 {strides = array<i32>} : memref<32768xf32, #tpu.memory_space<vmem>>, vector<16xf32>,
      %mul3A_416 = arith.constant 16 : i32
      %mul3A_417 = arith.muli %scan3A_278, %mul3A_416 : i32
      %add3A_418 = arith.constant 10 : i32
      %add3A_419 = arith.addi %mul3A_417, %add3A_418 : i32
      %mul3A_420 = arith.constant 16 : i32
      %mul3A_421 = arith.muli %add3A_419, %mul3A_420 : i32
      %get3A_422 = arith.index_cast %mul3A_421 : i32 to index
      %get3A_423 = tpu.vector_load %arg5[%get3A_422] {strides = array<i32>} : memref<32768xf32, #tpu.memory_space<vmem>>, vector<16xf32>,
      %sub3A_424 = arith.subf %get3A_423, %while3A_251#0 : vector<16xf32>
      %max3A_425 = arith.constant 0.000000e+00 : f32
      %max3A_426 = vector.broadcast %max3A_425 : f32 to vector<16xf32>
      %max3A_427 = arith.maximumf %sub3A_424, %max3A_426 : vector<16xf32>
      %swap3A_428 = arith.index_cast %mul3A_421 : i32 to index
      %swap3A_429 = tpu.vector_load %arg5[%swap3A_428] {strides = array<i32>} : memref<32768xf32, #tpu.memory_space<vmem>>, vector<16xf32>,
      tpu.vector_store %arg5[%swap3A_428], %max3A_427 {strides = array<i32>} : memref<32768xf32, #tpu.memory_space<vmem>>, vector<16xf32>,
      %mul3A_430 = arith.constant 16 : i32
      %mul3A_431 = arith.muli %scan3A_278, %mul3A_430 : i32
      %add3A_432 = arith.constant 11 : i32
      %add3A_433 = arith.addi %mul3A_431, %add3A_432 : i32
      %mul3A_434 = arith.constant 16 : i32
      %mul3A_435 = arith.muli %add3A_433, %mul3A_434 : i32
      %get3A_436 = arith.index_cast %mul3A_435 : i32 to index
      %get3A_437 = tpu.vector_load %arg5[%get3A_436] {strides = array<i32>} : memref<32768xf32, #tpu.memory_space<vmem>>, vector<16xf32>,
      %sub3A_438 = arith.subf %get3A_437, %while3A_251#0 : vector<16xf32>
      %max3A_439 = arith.constant 0.000000e+00 : f32
      %max3A_440 = vector.broadcast %max3A_439 : f32 to vector<16xf32>
      %max3A_441 = arith.maximumf %sub3A_438, %max3A_440 : vector<16xf32>
      %swap3A_442 = arith.index_cast %mul3A_435 : i32 to index
      %swap3A_443 = tpu.vector_load %arg5[%swap3A_442] {strides = array<i32>} : memref<32768xf32, #tpu.memory_space<vmem>>, vector<16xf32>,
      tpu.vector_store %arg5[%swap3A_442], %max3A_441 {strides = array<i32>} : memref<32768xf32, #tpu.memory_space<vmem>>, vector<16xf32>,
      %mul3A_444 = arith.constant 16 : i32
      %mul3A_445 = arith.muli %scan3A_278, %mul3A_444 : i32
      %add3A_446 = arith.constant 12 : i32
      %add3A_447 = arith.addi %mul3A_445, %add3A_446 : i32
      %mul3A_448 = arith.constant 16 : i32
      %mul3A_449 = arith.muli %add3A_447, %mul3A_448 : i32
      %get3A_450 = arith.index_cast %mul3A_449 : i32 to index
      %get3A_451 = tpu.vector_load %arg5[%get3A_450] {strides = array<i32>} : memref<32768xf32, #tpu.memory_space<vmem>>, vector<16xf32>,
      %sub3A_452 = arith.subf %get3A_451, %while3A_251#0 : vector<16xf32>
      %max3A_453 = arith.constant 0.000000e+00 : f32
      %max3A_454 = vector.broadcast %max3A_453 : f32 to vector<16xf32>
      %max3A_455 = arith.maximumf %sub3A_452, %max3A_454 : vector<16xf32>
      %swap3A_456 = arith.index_cast %mul3A_449 : i32 to index
      %swap3A_457 = tpu.vector_load %arg5[%swap3A_456] {strides = array<i32>} : memref<32768xf32, #tpu.memory_space<vmem>>, vector<16xf32>,
      tpu.vector_store %arg5[%swap3A_456], %max3A_455 {strides = array<i32>} : memref<32768xf32, #tpu.memory_space<vmem>>, vector<16xf32>,
      %mul3A_458 = arith.constant 16 : i32
      %mul3A_459 = arith.muli %scan3A_278, %mul3A_458 : i32
      %add3A_460 = arith.constant 13 : i32
      %add3A_461 = arith.addi %mul3A_459, %add3A_460 : i32
      %mul3A_462 = arith.constant 16 : i32
      %mul3A_463 = arith.muli %add3A_461, %mul3A_462 : i32
      %get3A_464 = arith.index_cast %mul3A_463 : i32 to index
      %get3A_465 = tpu.vector_load %arg5[%get3A_464] {strides = array<i32>} : memref<32768xf32, #tpu.memory_space<vmem>>, vector<16xf32>,
      %sub3A_466 = arith.subf %get3A_465, %while3A_251#0 : vector<16xf32>
      %max3A_467 = arith.constant 0.000000e+00 : f32
      %max3A_468 = vector.broadcast %max3A_467 : f32 to vector<16xf32>
      %max3A_469 = arith.maximumf %sub3A_466, %max3A_468 : vector<16xf32>
      %swap3A_470 = arith.index_cast %mul3A_463 : i32 to index
      %swap3A_471 = tpu.vector_load %arg5[%swap3A_470] {strides = array<i32>} : memref<32768xf32, #tpu.memory_space<vmem>>, vector<16xf32>,
      tpu.vector_store %arg5[%swap3A_470], %max3A_469 {strides = array<i32>} : memref<32768xf32, #tpu.memory_space<vmem>>, vector<16xf32>,
      %mul3A_472 = arith.constant 16 : i32
      %mul3A_473 = arith.muli %scan3A_278, %mul3A_472 : i32
      %add3A_474 = arith.constant 14 : i32
      %add3A_475 = arith.addi %mul3A_473, %add3A_474 : i32
      %mul3A_476 = arith.constant 16 : i32
      %mul3A_477 = arith.muli %add3A_475, %mul3A_476 : i32
      %get3A_478 = arith.index_cast %mul3A_477 : i32 to index
      %get3A_479 = tpu.vector_load %arg5[%get3A_478] {strides = array<i32>} : memref<32768xf32, #tpu.memory_space<vmem>>, vector<16xf32>,
      %sub3A_480 = arith.subf %get3A_479, %while3A_251#0 : vector<16xf32>
      %max3A_481 = arith.constant 0.000000e+00 : f32
      %max3A_482 = vector.broadcast %max3A_481 : f32 to vector<16xf32>
      %max3A_483 = arith.maximumf %sub3A_480, %max3A_482 : vector<16xf32>
      %swap3A_484 = arith.index_cast %mul3A_477 : i32 to index
      %swap3A_485 = tpu.vector_load %arg5[%swap3A_484] {strides = array<i32>} : memref<32768xf32, #tpu.memory_space<vmem>>, vector<16xf32>,
      tpu.vector_store %arg5[%swap3A_484], %max3A_483 {strides = array<i32>} : memref<32768xf32, #tpu.memory_space<vmem>>, vector<16xf32>,
      %mul3A_486 = arith.constant 16 : i32
      %mul3A_487 = arith.muli %scan3A_278, %mul3A_486 : i32
      %add3A_488 = arith.constant 15 : i32
      %add3A_489 = arith.addi %mul3A_487, %add3A_488 : i32
      %mul3A_490 = arith.constant 16 : i32
      %mul3A_491 = arith.muli %add3A_489, %mul3A_490 : i32
      %get3A_492 = arith.index_cast %mul3A_491 : i32 to index
      %get3A_493 = tpu.vector_load %arg5[%get3A_492] {strides = array<i32>} : memref<32768xf32, #tpu.memory_space<vmem>>, vector<16xf32>,
      %sub3A_494 = arith.subf %get3A_493, %while3A_251#0 : vector<16xf32>
      %max3A_495 = arith.constant 0.000000e+00 : f32
      %max3A_496 = vector.broadcast %max3A_495 : f32 to vector<16xf32>
      %max3A_497 = arith.maximumf %sub3A_494, %max3A_496 : vector<16xf32>
      %swap3A_498 = arith.index_cast %mul3A_491 : i32 to index
      %swap3A_499 = tpu.vector_load %arg5[%swap3A_498] {strides = array<i32>} : memref<32768xf32, #tpu.memory_space<vmem>>, vector<16xf32>,
      tpu.vector_store %arg5[%swap3A_498], %max3A_497 {strides = array<i32>} : memref<32768xf32, #tpu.memory_space<vmem>>, vector<16xf32>,
    }
    %scan3A_263 = arith.constant 128 : i32
    %add3A_264 = arith.constant 3 : i32
    %add3A_265 = arith.addi %mul3A_2, %add3A_264 : i32
    %dma_start3A_266 = arith.constant 0 : i32
    %dma_start3A_267 = tpu.memref_slice %arg3[%add3A_265, %dma_start3A_266] : memref<128x32768xf32, #tpu.memory_space<hbm>> -> memref<1x32768xf32, #tpu.memory_space<hbm>>
    %dma_start3A_268 = tpu.memref_squeeze %dma_start3A_267 : memref<1x32768xf32, #tpu.memory_space<hbm>> -> memref<32768xf32, #tpu.memory_space<hbm>>
    %dma_start3A_269 = arith.constant 0 : i32
    %dma_start3A_270 = tpu.memref_slice %arg3[%add3A_265, %dma_start3A_269] : memref<128x32768xf32, #tpu.memory_space<hbm>> -> memref<1x32768xf32, #tpu.memory_space<hbm>>
    %dma_start3A_271 = tpu.memref_squeeze %dma_start3A_270 : memref<1x32768xf32, #tpu.memory_space<hbm>> -> memref<32768xf32, #tpu.memory_space<hbm>>
    tpu.enqueue_dma source(%arg5 : memref<32768xf32, #tpu.memory_space<vmem>>) target(%dma_start3A_271 : memref<32768xf32, #tpu.memory_space<hbm>>) target_semaphore(%arg9 : memref<!tpu.dma_semaphore, #tpu.memory_space<semaphore_mem>>)
    %dma_wait3A_272 = arith.constant 0 : i32
    %dma_wait3A_273 = tpu.memref_slice %arg3[%add3A_265, %dma_wait3A_272] : memref<128x32768xf32, #tpu.memory_space<hbm>> -> memref<1x32768xf32, #tpu.memory_space<hbm>>
    %dma_wait3A_274 = tpu.memref_squeeze %dma_wait3A_273 : memref<1x32768xf32, #tpu.memory_space<hbm>> -> memref<32768xf32, #tpu.memory_space<hbm>>
    %dma_wait3A_275 = arith.constant 0 : i32
    %dma_wait3A_276 = tpu.memref_slice %arg3[%add3A_265, %dma_wait3A_275] : memref<128x32768xf32, #tpu.memory_space<hbm>> -> memref<1x32768xf32, #tpu.memory_space<hbm>>
    %dma_wait3A_277 = tpu.memref_squeeze %dma_wait3A_276 : memref<1x32768xf32, #tpu.memory_space<hbm>> -> memref<32768xf32, #tpu.memory_space<hbm>>
    tpu.wait_dma2 semaphore(%arg9 : memref<!tpu.dma_semaphore, #tpu.memory_space<semaphore_mem>>) src(%arg5 : memref<32768xf32, #tpu.memory_space<vmem>>) dst(%dma_wait3A_277 : memref<32768xf32, #tpu.memory_space<hbm>>)
    return
  }
}

</mosaic_0001>

<sc_bundles>
// kernel: _sparsemax_sc.3.cloned.1.call-start
scs
__scs_entry_jumppad:
0x0: {  	(pc) =	sbr.rel $0x88, $3  }
0x1: {  	(tag) =	ssettag $0x0;
	lr =	simm.s32 $0x1  }
0x2: {  	[smem:$0x3FA0] =	sst lr;
	_ =	strace $0xD0000000  }
0x3: {  	_ = 	snop  }
0x4: {  	_ = 	snop  }
0x5: {  	_ = 	snop  }
0x6: {  	_ = 	snop  }
0x7: {  	_ = 	snop  }
__scs_overlays_trampoline_lowered:
0x8: {  	[smem:$0x3FAF] =	sst s0  }
0x9: {  	[smem:$0x3FB0] =	sst s1  }
0xa: {  	[smem:$0x3FB1] =	sst s2  }
0xb: {  	[smem:$0x3FB2] =	sst s3  }
0xc: {  	[smem:$0x3FB3] =	sst s4  }
0xd: {  	[smem:$0x3FB4] =	sst s5  }
0xe: {  	[smem:$0x3FB5] =	sst s6  }
0xf: {  	[smem:$0x3FB6] =	sst s7  }
0x10: {  	[smem:$0x3FB7] =	sst s8  }
0x11: {  	[smem:$0x3FB8] =	sst s9;
	s0 =	simm.s32 @!p0 $0x0  }
0x12: {  	s1 =	sld [smem:$0x3F9E];
	s0 =	simm.s32 @p0 $0x1  }
0x13: {  	[smem:$0x3FB9] =	sst s0;
	s0 =	simm.s32 @!p1 $0x0  }
0x14: {  	s2 =	sld [smem:$0x3F9D];
	s0 =	simm.s32 @p1 $0x1  }
0x15: {  	[smem:$0x3FBA] =	sst s0;
	s0 =	simm.s32 @!p2 $0x0  }
0x16: {  	s3 =	sld [smem:$0x3FDB];
	s0 =	simm.s32 @p2 $0x1  }
0x17: {  	s4 =	simm.s32 $0x1BF5;
	[smem:$0x3FBC] =	sst s0  }
0x18: {  	s0 =	sld [smem:$0x3F9F];
	_ =	swait.ge [sflag:s4], $0x0  }
0x19: {  	s7 =	sld [smem:$0x3FA0]  }
0x1a: {  	s8 =	sadd.s32 $0xFFFFE003, lr  }
0x1b: {  	s9 =	sadd.s32 $0xFFFFFEF7, lr;
	s5 =	simm.s32 $0xFFFFFFFF;
	p2 =	slt.u32 s8, $0xFFFFF086  }
0x1c: {  	p1 =	slt.u32 s9, $0xF7A;
	s5 =	simm.s32 @!p2 $0x0  }
0x1d: {  	s5 =	simm.s32 @p1 $0x1;
	p0 =	seq.s32 s7, s2  }
0x1e: {  	s7 =	smul.u32 @!p0 $0xF7A, s2;
	p2 =	seq.s32 @!p0 s5, $0x0  }
0x1f: {  	s9 =	smul.u32 $0xF7A, s1;
	s8 =	simm.s32 @!p0 $0x1BF5;
	p2 =	por !p2, p0  }
0x20: {  	[sflag:s8] =	ssyncset.s32 @!p0 $0xFFFFF086;
	s6 =	sadd.s32 @!p0 s3, s7;
	s7 =	simm.s32 @!p0 $0x108  }
0x21: {  	s3 =	sadd.s32 s3, s9;
	s6 =	sadd.s32 @!p0 $0x88, s6;
	s7 =	simm.s32 @p2 $0x1082  }
0x22: {  	[simem:s7], [sflag:s8] =	dma.local @!p0 [hbm:s6], $0xF7A  }
0x23: {  	s9 =	sor.u32 $0xD0000000, s2;
	s6 =	simm.s32 $0x108;
	_ =	swait.ge @!p0 [sflag:s8], $0x0  }
0x24: {  	s3 =	sadd.s32 $0x88, s3;
	s6 =	simm.s32 @!p1 $0x1082;
	[sflag:s4] =	ssyncset.s32 $0xFFFFF086  }
0x25: {  	[simem:s6], [sflag:s4] =	dma.local [hbm:s3], $0xF7A  }
0x26: {  	[smem:$0x3FA0] =	sst s1;
	(tag) =	ssettag s2;
	_ =	strace s9  }
0x27: {  	s1 =	sld [smem:$0x3FB0]  }
0x28: {  	s2 =	sld [smem:$0x3FB1]  }
0x29: {  	s4 =	sld [smem:$0x3FB3]  }
0x2a: {  	p0 =	seq.s32 s5, $0x0;
	s5 =	sld [smem:$0x3FB4]  }
0x2b: {  	s6 =	sld [smem:$0x3FB5]  }
0x2c: {  	s7 =	sld [smem:$0x3FB6]  }
0x2d: {  	s3 =	simm.s32 $0x108;
	s8 =	sld [smem:$0x3FB7]  }
0x2e: {  	s3 =	simm.s32 @!p0 $0x1082;
	s9 =	sld [smem:$0x3FB8]  }
0x2f: {  	lr =	sadd.s32 s0, s3;
	s0 =	sld [smem:$0x3FAF]  }
0x30: {  	s3 =	sld [smem:$0x3FB2]  }
0x31: {  	[smem:$0x3FBB] =	sst s10  }
0x32: {  	s10 =	sld [smem:$0x3FB9];
	_ =	sdelay $0x3  }
0x33: {  	p0 =	seq.s32 s10, $0x1;
	s10 =	sld [smem:$0x3FBB];
	_ =	sdelay $0x3  }
0x34: {  	[smem:$0x3FBB] =	sst s10  }
0x35: {  	s10 =	sld [smem:$0x3FBA];
	_ =	sdelay $0x3  }
0x36: {  	p1 =	seq.s32 s10, $0x1;
	s10 =	sld [smem:$0x3FBB];
	_ =	sdelay $0x3  }
0x37: {  	[smem:$0x3FBB] =	sst s10  }
0x38: {  	s10 =	sld [smem:$0x3FBC]  }
0x39: {  	_ = 	snop;
	(pc) =	sbr.ind lr, $3  }
0x3a: {  	_ = 	snop  }
0x3b: {  	_ = 	snop  }
0x3c: {  	p2 =	seq.s32 s10, $0x1;
	s10 =	sld [smem:$0x3FBB]  }
0x3d: {  	_ =	shalt  }
0x3e: {  	_ =	shalt  }
0x3f: {  	_ =	shalt  }
0x40: {  	_ =	shalt  }
0x41: {  	_ =	shalt  }
0x42: {  	_ =	shalt  }
0x43: {  	_ =	shalt  }
0x44: {  	_ =	shalt  }
0x45: {  	_ =	shalt  }
0x46: {  	_ =	shalt  }
0x47: {  	_ =	shalt  }
0x48: {  	_ =	shalt  }
0x49: {  	_ =	shalt  }
0x4a: {  	_ =	shalt  }
0x4b: {  	_ =	shalt  }
0x4c: {  	_ =	shalt  }
0x4d: {  	_ =	shalt  }
0x4e: {  	_ =	shalt  }
0x4f: {  	_ =	shalt  }
0x50: {  	_ =	shalt  }
0x51: {  	_ =	shalt  }
0x52: {  	_ =	shalt  }
0x53: {  	_ =	shalt  }
0x54: {  	_ =	shalt  }
0x55: {  	_ =	shalt  }
0x56: {  	_ =	shalt  }
0x57: {  	_ =	shalt  }
0x58: {  	_ =	shalt  }
0x59: {  	_ =	shalt  }
0x5a: {  	_ =	shalt  }
0x5b: {  	_ =	shalt  }
0x5c: {  	_ =	shalt  }
0x5d: {  	_ =	shalt  }
0x5e: {  	_ =	shalt  }
0x5f: {  	_ =	shalt  }
0x60: {  	_ =	shalt  }
0x61: {  	_ =	shalt  }
0x62: {  	_ =	shalt  }
0x63: {  	_ =	shalt  }
0x64: {  	_ =	shalt  }
0x65: {  	_ =	shalt  }
0x66: {  	_ =	shalt  }
0x67: {  	_ =	shalt  }
0x68: {  	_ =	shalt  }
0x69: {  	_ =	shalt  }
0x6a: {  	_ =	shalt  }
0x6b: {  	_ =	shalt  }
0x6c: {  	_ =	shalt  }
0x6d: {  	_ =	shalt  }
0x6e: {  	_ =	shalt  }
0x6f: {  	_ =	shalt  }
0x70: {  	_ =	shalt  }
0x71: {  	_ =	shalt  }
0x72: {  	_ =	shalt  }
0x73: {  	_ =	shalt  }
0x74: {  	_ =	shalt  }
0x75: {  	_ =	shalt  }
0x76: {  	_ =	shalt  }
0x77: {  	_ =	shalt  }
0x78: {  	_ =	shalt  }
0x79: {  	_ =	shalt  }
0x7a: {  	_ =	shalt  }
0x7b: {  	_ =	shalt  }
0x7c: {  	_ =	shalt  }
0x7d: {  	_ =	shalt  }
0x7e: {  	_ =	shalt  }
0x7f: {  	_ =	shalt  }
0x80: {  	_ =	shalt  }
0x81: {  	_ =	shalt  }
0x82: {  	_ =	shalt  }
0x83: {  	_ =	shalt  }
0x84: {  	_ =	shalt  }
0x85: {  	_ =	shalt  }
0x86: {  	_ =	shalt  }
0x87: {  	_ =	shalt  }
.Lfunc_end0:
.L_simem_size_0:
called_computation_lowered:
.L_overlay_start_0:
0x88: {  	s2 =	sld [smem:$0x3FD9]  }
0x89: {  	s3 =	sld [smem:$0x3FFE];
	_ =	sdelay $0x1  }
0x8a: {  	s1 =	srdreg.scid  }
0x8b: {  	s0 =	sand.u32 $0x1, s1  }
0x8c: {  	s18 =	sshll.u32 s0, $0xA;
	s2 =	sadd.s32 s3, s2  }
0x8d: {  	s2 =	sadd.s32 s2, s18  }
0x8e: {  	[smem:$0x3FC7] =	sst s2  }
0x8f: {  	_ = 	snop  }
0x90: {  	s2 =	sld [smem:$0x3FC9]  }
0x91: {  	s19 =	sld [smem:$0x3FD0];
	(tm) =	ssettm $0x1  }
0x92: {  	s4 =	sld [smem:$0x3FFB];
	_ =	sdelay $0x3  }
0x93: {  	_ =	strace s4  }
0x94: {  	s4 =	sld [smem:$0x3FFC];
	_ =	sdelay $0x3  }
0x95: {  	_ =	strace s4  }
0x96: {  	s4 =	sld [smem:$0x3FFD];
	_ =	sdelay $0x3  }
0x97: {  	_ =	strace s4  }
0x98: {  	_ =	strace $0x8FFFFFFF  }
0x99: {  	s20 =	sld [smem:$0x3FDB];
	_ =	sdelay $0x1  }
0x9a: {  	s5 =	simm.s32 $_scs_section_size  }
0x9b: {  	s6 =	simm.s32 $_size__tile_overlayer_lowered;
	s7 =	simm.s32 $_tile_overlayer_lowered  }
0x9c: {  	s23 =	simm.s32 $0x1BFF;
	s22 =	sshll.u32 s7, $0x1;
	s4 =	sadd.s32 s5, s20  }
0x9d: {  	s8 =	simm.s32 $0x0;
	s21 =	sshll.u32 s6, $0x1;
	s6 =	sadd.s32 s22, s4  }
0x9e: {  	[timem:s8], [sflag:s23] =	dma.local [hbm:s6], s21  }
0x9f: {  	_ =	swait.ge [sflag:s23], s21  }
0xa0: {  	s5 =	ssub.s32 $0x0, s21;
	[sflag:s23] =	ssyncset.done $0x0  }
0xa1: {  	[sflag:s23] =	ssyncadd.s32 s5;
	_ =	sdelay $0x1  }
0xa2: {  	s24 =	simm.s32 $0x1B8B  }
0xa3: {  	_ =	swait.ge [sflag:s24], $0x1  }
0xa4: {  	[sflag:s24] =	ssyncset.done $0x0  }
0xa5: {  	s25 =	simm.s32 $0x1B8E;
	[sflag:s24] =	ssyncadd.s32 $0xFFFFFFFF  }
0xa6: {  	s26 =	simm.s32 $execute0_lowered;
	[smem:$0x3FD2] =	sst s25  }
0xa7: {  	s5 =	sshll.u32 s26, $0x1;
	_ =	strace $0x80000046;
	[dreg:$0x1] =	wrdreg $0xFFFFFFFF  }
0xa8: {  	s28 =	simm.s32 $_size_execute0_lowered;
	s4 =	sadd.s32 s4, s5;
	[dreg:$0x0] =	wrdreg $0x0  }
0xa9: {  	s5 =	sshll.u32 s28, $0x1;
	[dreg:$0x2] =	wrdreg s4  }
0xaa: {  	[dreg:$0x3] =	wrdreg s5  }
0xab: {  	[dreg:$0x4] =	wrdreg $0xC0  }
0xac: {  	_ =	task [dreg:s8], $0x5FFFF  }
0xad: {  	[dreg:$0x1] =	wrdreg $0xFFFFFFFF  }
0xae: {  	[dreg:$0x0] =	wrdreg $0x60  }
0xaf: {  	[dreg:$0x2] =	wrdreg s2  }
0xb0: {  	[dreg:$0x3] =	wrdreg s19  }
0xb1: {  	[dreg:$0x4] =	wrdreg $0x9  }
0xb2: {  	_ =	task.clear_ibuf [dreg:s8], $0x5FFFF;
	_ =	strace $0x90000046  }
0xb3: {  	s29 =	simm.s32 $0x9;
	_ =	strace $0x80000048  }
0xb4: {  	_ =	swait.ge [sflag:s29], $0x1  }
0xb5: {  	[sflag:s29] =	ssyncadd.s32 $0xFFFFFFFF  }
0xb6: {  	_ =	strace $0x90000048  }
0xb7: {  	_ =	sfence  }
0xb8: {  	s30 =	sld [smem:$0x0];
	_ =	sdelay $0x2  }
0xb9: {  	s31 =	sshll.u32 s1, $0xD;
	s1 =	sshrl.u32 s1, $0x2  }
0xba: {  	s3 =	sand.u32 $0x4000, s31;
	s1 =	sadd.s32 s1, s30  }
0xbb: {  	s0 =	sor.u32 s3, s0;
	s1 =	sshll.u32 s1, $0x11  }
0xbc: {  	s0 =	sor.u32 s1, s0  }
0xbd: {  	s0 =	sadd.s32 $0x8F2B, s0  }
0xbe: {  	[sflag:s0] =	ssyncadd.remote.s32 $0x1  }
0xbf: {  	_ =	sfence.sel $0xFFFF  }
0xc0: {  	[dreg:$0x0] =	wrdreg $0xFFFFFFFF;
	(pc) =	sbr.abs _section_cstart, $3  }
0xc1: {  	[dreg:$0x1] =	wrdreg $0xFFFFFFFF  }
0xc2: {  	_ =	task.clear_ibuf [dreg:s8], $0x2FFFF;
	_ =	strace $0x9FFFFFFF  }
0xc3: {  	(tm) =	ssettm $0x7FFFFFFF  }
tec
execute0_lowered:
.L_overlay_start_1:
0x0: {  	(tag) =	ssettag $0x1  }
0x1: {  	s8 =	rddreg [dreg:$0x0]  }
0x2: {  	s10 =	rddreg [dreg:$0x1]  }
0x3: {  	s0 =	rddreg [dreg:$0x2];
	s2 =	simm.s32 $0x0;
	s3 =	srdreg.scid  }
0x4: {  	s1 =	stileid.u32;
	s14 =	simm.s32 $0x1;
	s15 =	simm.s32 $0x8000  }
0x5: {  	s16 =	simm.s32 $0x10000;
	s17 =	simm.s32 $0x2;
	s18 =	simm.s32 $0x3  }
0x6: {  	s19 =	simm.s32 $0x0;
	[smem:$0x7FF] =	sst s2;
	s3 =	sand.u32 $0x1, s3  }
0x7: {  	s5 =	sshll.u32 s1, $0xF;
	s4 =	ssub.s32 $0x2, s3;
	s3 =	sshll.u32 s3, $0x6  }
0x8: {  	_ =	strace $0x80000047;
	s6 =	sshrl.u32 s4, $0x1;
	s9 =	sor.u32 s3, s5  }
0x9: {  	s11 =	ssub.s32 s4, s6;
	s3 =	sadd.s32 s8, s9;
	s7 =	sor.u32 $0x10, s9  }
0xa: {  	s5 =	sadd.s32 s10, s9;
	s12 =	sor.u32 $0x20, s9;
	s13 =	sor.u32 $0x30, s9  }
0xb: {  	s4 =	sadd.s32 s8, s7;
	s6 =	sadd.s32 s8, s12;
	s7 =	sadd.s32 s10, s7  }
0xc: {  	s8 =	sadd.s32 s8, s13;
	s9 =	sadd.s32 s10, s12;
	s10 =	sadd.s32 s10, s13  }
0xd: {  	v0 =	vimm.s32 $0x0;
	v1 =	vimm.f32 $0.0e+00;
	s11 =	smax.u32 s11, $0x1;
	s12 =	simm.s32 $0x80;
	s13 =	simm.s32 $0x400  }
.LBB2_1:
0xe: {  	[tilespmem:s2], [sflag:$0x1] =	stream.strided.gather [hbm4b:s3+s12], $0x8000, s13, s12, $0x38;
	[tilespmem:$0x18000] =	vst v63  }
0xf: {  	_ =	swait.ge [sflag:s14], $0x8000  }
0x10: {  	[sflag:s14] =	ssyncset.done $0x0  }
0x11: {  	s22 =	simm.s32 $0x0;
	[sflag:s14] =	ssyncadd.s32 $0xFFFF8000  }
0x12: {  	[tilespmem:s15], [sflag:$0x2] =	stream.strided.gather [hbm4b:s4+s12], $0x8000, s13, s12, $0x38;
	[tilespmem:$0x18000] =	vst v63  }
0x13: {  	v2 =	vld [tilespmem:s22+$0x0]  }
0x14: {  	v3 =	vld [tilespmem:s22+$0x10]  }
0x15: {  	v4 =	vld [tilespmem:s22+$0x20]  }
0x16: {  	v5 =	vld [tilespmem:s22+$0x30]  }
0x17: {  	v6 =	vimm.f32 $-Inf;
	v7 =	vld [tilespmem:s22+$0x40]  }
0x18: {  	v2 =	vmax.f32 v6, v2;
	v6 =	vld [tilespmem:s22+$0x50]  }
0x19: {  	v2 =	vmax.f32 v2, v3;
	v3 =	vld [tilespmem:s22+$0x60]  }
0x1a: {  	v2 =	vmax.f32 v2, v4;
	v4 =	vld [tilespmem:s22+$0x70]  }
0x1b: {  	v2 =	vmax.f32 v2, v5;
	v5 =	vld [tilespmem:s22+$0x80]  }
0x1c: {  	v2 =	vmax.f32 v2, v7;
	v7 =	vld [tilespmem:s22+$0x90]  }
0x1d: {  	v2 =	vmax.f32 v2, v6;
	v6 =	vld [tilespmem:s22+$0xA0]  }
0x1e: {  	v3 =	vmax.f32 v2, v3;
	v2 =	vld [tilespmem:s22+$0xB0]  }
0x1f: {  	v4 =	vmax.f32 v3, v4;
	v3 =	vld [tilespmem:s22+$0xC0]  }
0x20: {  	v5 =	vmax.f32 v4, v5;
	v4 =	vld [tilespmem:s22+$0xD0]  }
0x21: {  	v7 =	vmax.f32 v5, v7;
	v5 =	vld [tilespmem:s22+$0xE0]  }
0x22: {  	s20 =	simm.s32 $0x100;
	s21 =	simm.s32 $0x800;
	v7 =	vmax.f32 v7, v6;
	v6 =	vld [tilespmem:s22+$0xF0]  }
.LBB2_2:
0x23: {  	p0 =	sne.s32 s21, $0x1FC00;
	v8 =	vld [tilespmem:s20+$0x0];
	v2 =	vmax.f32 v7, v2  }
0x24: {  	v7 =	vld [tilespmem:s20+$0x10];
	v2 =	vmax.f32 v2, v3  }
0x25: {  	v3 =	vld [tilespmem:s20+$0x20];
	v2 =	vmax.f32 v2, v4  }
0x26: {  	v4 =	vld [tilespmem:s20+$0x30];
	v2 =	vmax.f32 v2, v5  }
0x27: {  	v5 =	vld [tilespmem:s20+$0x40];
	v2 =	vmax.f32 v2, v6  }
0x28: {  	v2 =	vmax.f32 v2, v8;
	v6 =	vld [tilespmem:s20+$0x50]  }
0x29: {  	v2 =	vmax.f32 v2, v7;
	v7 =	vld [tilespmem:s20+$0x60]  }
0x2a: {  	v2 =	vmax.f32 v2, v3;
	v3 =	vld [tilespmem:s20+$0x70]  }
0x2b: {  	v2 =	vmax.f32 v2, v4;
	v4 =	vld [tilespmem:s20+$0x80]  }
0x2c: {  	v2 =	vmax.f32 v2, v5;
	v5 =	vld [tilespmem:s20+$0x90]  }
0x2d: {  	v2 =	vmax.f32 v2, v6;
	v6 =	vld [tilespmem:s20+$0xA0]  }
.Ltmp0:
0x2e: {  	v7 =	vmax.f32 v2, v7;
	v2 =	vld [tilespmem:s20+$0xB0];
	(pc) =	sbr.rel @p0 .LBB2_2-.Ltmp0, $4  }
0x2f: {  	v7 =	vmax.f32 v7, v3;
	v3 =	vld [tilespmem:s20+$0xC0]  }
0x30: {  	v7 =	vmax.f32 v7, v4;
	v4 =	vld [tilespmem:s20+$0xD0]  }
0x31: {  	v7 =	vmax.f32 v7, v5;
	v5 =	vld [tilespmem:s20+$0xE0]  }
0x32: {  	v7 =	vmax.f32 v7, v6;
	v6 =	vld [tilespmem:s20+$0xF0];
	s20 =	sshra.s32 s21, $0x2;
	s21 =	sadd.s32 $0x400, s21  }
0x33: {  	v8 =	vld [tilespmem:s20+$0x0];
	v2 =	vmax.f32 v7, v2  }
0x34: {  	v7 =	vld [tilespmem:s20+$0x10];
	v2 =	vmax.f32 v2, v3  }
0x35: {  	v3 =	vld [tilespmem:s20+$0x20];
	v2 =	vmax.f32 v2, v4  }
0x36: {  	v4 =	vld [tilespmem:s20+$0x30];
	v2 =	vmax.f32 v2, v5  }
0x37: {  	v5 =	vld [tilespmem:s20+$0x40];
	v2 =	vmax.f32 v2, v6  }
0x38: {  	v6 =	vld [tilespmem:s20+$0x50];
	v2 =	vmax.f32 v2, v8  }
0x39: {  	v2 =	vmax.f32 v2, v7;
	v7 =	vld [tilespmem:s20+$0x60]  }
0x3a: {  	v2 =	vmax.f32 v2, v3;
	v3 =	vld [tilespmem:s20+$0x70]  }
0x3b: {  	v2 =	vmax.f32 v2, v4;
	v4 =	vld [tilespmem:s20+$0x80]  }
0x3c: {  	v2 =	vmax.f32 v2, v5;
	v5 =	vld [tilespmem:s20+$0x90]  }
0x3d: {  	v2 =	vmax.f32 v2, v6;
	v6 =	vld [tilespmem:s20+$0xA0]  }
0x3e: {  	v2 =	vmax.f32 v2, v7;
	v7 =	vld [tilespmem:s20+$0xB0]  }
0x3f: {  	v2 =	vmax.f32 v2, v3;
	v3 =	vld [tilespmem:s20+$0xC0]  }
0x40: {  	v2 =	vmax.f32 v2, v4;
	v4 =	vld [tilespmem:s20+$0xD0]  }
0x41: {  	v2 =	vmax.f32 v2, v5;
	v5 =	vld [tilespmem:s20+$0xE0]  }
0x42: {  	v2 =	vmax.f32 v2, v6;
	v6 =	vld [tilespmem:s20+$0xF0]  }
0x43: {  	v2 =	vmax.f32 v2, v7  }
0x44: {  	v2 =	vmax.f32 v2, v3  }
0x45: {  	v2 =	vmax.f32 v2, v4  }
0x46: {  	v2 =	vmax.f32 v2, v5  }
0x47: {  	v2 =	vmax.f32 v2, v6  }
0x48: {  	(xrf0) =	vmax.scan.msk.f32 $0xffff, v2;
	_ =	sdelay $0x1  }
0x49: {  	s31 =	simm.s32 $0x40  }
0x4a: {  	v10 =	vld [tilespmem:s31+$0x10]  }
0x4b: {  	v7 =	vld [tilespmem:s31+$0xFFFFFFC0]  }
0x4c: {  	v3 =	vld [tilespmem:s31+$0x30]  }
0x4d: {  	v4 =	vld [tilespmem:s31+$0x20];
	v2, _, _ =	vpop (xrf0)  }
0x4e: {  	v5 =	vld [tilespmem:s31+$0x0];
	v2 =	vadd.f32 $-1.000000000e+00, v2  }
0x4f: {  	v6 =	vld [tilespmem:s31+$0xFFFFFFF0]  }
0x50: {  	v8 =	vld [tilespmem:s31+$0xFFFFFFD0];
	v2 =	vbroadcast v2, $0xF  }
0x51: {  	v9 =	vld [tilespmem:s31+$0xFFFFFFE0]  }
0x52: {  	v11 =	vlaneseq.u32;
	vm0 =	vgt.f32 v3, v2  }
0x53: {  	vm1 =	vgt.f32 v5, v2;
	vm3 =	vgt.f32 v10, v2;
	vm4 =	vgt.f32 v4, v2  }
0x54: {  	vm5 =	vgt.f32 v7, v2;
	vm2 =	vgt.f32 v6, v2;
	v12 =	vmpcnt.ones.xlane vm0  }
0x55: {  	v15 =	vmpcnt.ones.xlane vm5;
	vm0 =	vgt.f32 v8, v2;
	v13 =	vmpcnt.ones.xlane vm4  }
0x56: {  	vm15 =	vgt.f32 v9, v2;
	v14 =	vmpcnt.ones.xlane vm3;
	v16 =	vmpcnt.ones.xlane vm0  }
0x57: {  	s21 =	simm.s32 $0xC0;
	s20 =	simm.s32 $0x0;
	v17 =	vmpcnt.ones.xlane vm15;
	vm0 =	vgt.s32 v15, $0x0;
	v15 =	vmpcnt.ones.xlane vm1  }
.LBB2_4:
0x58: {  	v18 =	vld [tilespmem:s21+$0x30];
	v19 =	vsel vm0, $0x10, v0;
	vm3 =	vgt.s32 v16, $0x0;
	v16 =	vmpcnt.ones.xlane vm2  }
0x59: {  	s20 =	sadd.s32 $0x8, s20;
	v20 =	vld [tilespmem:s21+$0x20];
	v19 =	vadd.s32 v11, v19;
	v21 =	vsel vm3, $0x10, v0;
	vm2 =	vgt.s32 v17, $0x0  }
0x5a: {  	p0 =	slt.u32 s20, $0x7F8;
	v22 =	vld [tilespmem:s21+$0x10];
	v17 =	vadd.s32 v19, v21;
	v21 =	vsel vm2, $0x10, v0;
	vm4 =	vgt.s32 v16, $0x0  }
0x5b: {  	vm1 =	vgt.s32 v15, $0x0;
	v23 =	vld [tilespmem:s21+$0x0];
	v16 =	vadd.s32 v17, v21;
	v21 =	vsel vm4, $0x10, v0  }
0x5c: {  	vm5 =	vgt.s32 v14, $0x0;
	v24 =	vsel vm1, $0x10, v0;
	v15 =	vld [tilespmem:s21+$0xFFFFFFF0];
	v21 =	vadd.s32 v16, v21  }
0x5d: {  	[tilespmem:v11+s16+$0x0] =	vst.idx.msk vm0, v7;
	v7 =	vld [tilespmem:s21+$0xFFFFFFC0];
	v14 =	vadd.s32 v21, v24;
	v11 =	vsel vm5, $0x10, v0;
	vm0 =	vgt.s32 v13, $0x0  }
0x5e: {  	[tilespmem:v19+s16+$0x0] =	vst.idx.msk vm3, v8;
	v8 =	vld [tilespmem:s21+$0xFFFFFFD0];
	v19 =	vadd.s32 v14, v11;
	v11 =	vsel vm0, $0x10, v0;
	vm3 =	vgt.s32 v12, $0x0  }
0x5f: {  	[tilespmem:v17+s16+$0x0] =	vst.idx.msk vm2, v9;
	v9 =	vld [tilespmem:s21+$0xFFFFFFE0];
	v17 =	vadd.s32 v19, v11;
	v11 =	vsel vm3, $0x10, v0  }
0x60: {  	vm6 =	vgt.f32 v18, v2;
	[tilespmem:v16+s16+$0x0] =	vst.idx.msk vm4, v6;
	v11 =	vadd.s32 v17, v11  }
.Ltmp1:
0x61: {  	vm8 =	vgt.f32 v20, v2;
	vm7 =	vgt.f32 v22, v2;
	vm4 =	vgt.f32 v23, v2;
	v6 =	vmovc v15;
	(pc) =	sbr.rel @p0 .LBB2_4-.Ltmp1, $4  }
0x62: {  	v12 =	vmpcnt.ones.xlane vm6;
	vm9 =	vgt.f32 v7, v2;
	vm2 =	vgt.f32 v6, v2;
	[tilespmem:v14+s16+$0x0] =	vst.idx.msk vm5, v10  }
0x63: {  	v13 =	vmpcnt.ones.xlane vm8;
	v24 =	vmpcnt.ones.xlane vm9;
	vm5 =	vgt.f32 v8, v2;
	[tilespmem:v19+s16+$0x0] =	vst.idx.msk vm0, v4;
	v4 =	vmovc v20  }
0x64: {  	v14 =	vmpcnt.ones.xlane vm7;
	v16 =	vmpcnt.ones.xlane vm5;
	vm5 =	vgt.f32 v9, v2;
	[tilespmem:v17+s16+$0x0] =	vst.idx.msk vm3, v3;
	v3 =	vmovc v18  }
0x65: {  	s21 =	sadd.s32 $0x80, s21;
	v15 =	vmpcnt.ones.xlane vm4;
	v10 =	vmovc v22;
	vm0 =	vgt.s32 v24, $0x0;
	v17 =	vmpcnt.ones.xlane vm5;
	[tilespmem:v21+s16+$0x0] =	vst.idx.msk vm1, v5;
	v5 =	vmovc v23  }
0x66: {  	v18 =	vsel vm0, $0x10, v0;
	vm1 =	vgt.s32 v16, $0x0;
	v51 =	vmpcnt.ones.xlane vm2  }
0x67: {  	v18 =	vadd.s32 v11, v18;
	v19 =	vsel vm1, $0x10, v0;
	vm15 =	vgt.s32 v17, $0x0  }
0x68: {  	v52 =	vadd.s32 v18, v19;
	v53 =	vsel vm15, $0x10, v0;
	vm3 =	vgt.s32 v51, $0x0  }
0x69: {  	vm4 =	vgt.s32 v15, $0x0;
	v54 =	vadd.s32 v52, v53;
	v55 =	vsel vm3, $0x10, v0  }
0x6a: {  	vm5 =	vgt.s32 v14, $0x0;
	v57 =	vsel vm4, $0x10, v0;
	v56 =	vadd.s32 v54, v55  }
0x6b: {  	vm6 =	vgt.s32 v13, $0x0;
	v59 =	vsel vm5, $0x10, v0;
	v58 =	vadd.s32 v56, v57  }
0x6c: {  	vm7 =	vgt.s32 v12, $0x0;
	v61 =	vsel vm6, $0x10, v0;
	v60 =	vadd.s32 v58, v59  }
0x6d: {  	v63 =	vsel vm7, $0x10, v0;
	v62 =	vadd.s32 v60, v61  }
0x6e: {  	v19 =	vadd.s32 v62, v63  }
0x6f: {  	v19 =	vxor.u32 $0x80000000, v19  }
0x70: {  	(xrf0) =	vmax.scan.msk.u32 $0xffff, v19;
	_ =	sdelay $0x5  }
0x71: {  	v19, _, _ =	vpop (xrf0)  }
0x72: {  	(v2sf) =	vpush v19, $0xF;
	_ =	sdelay $0xc  }
0x73: {  	[tilespmem:v11+s16+$0x0] =	vst.idx.msk vm0, v7  }
0x74: {  	[tilespmem:v18+s16+$0x0] =	vst.idx.msk vm1, v8  }
0x75: {  	[tilespmem:v52+s16+$0x0] =	vst.idx.msk vm15, v9;
	s20 =	spop (v2sf)  }
.Ltmp2:
0x76: {  	[tilespmem:v54+s16+$0x0] =	vst.idx.msk vm3, v6;
	s21 =	sadd.s32 $0x7FFFFFF1, s20;
	(pc) =	sbr.rel .LBB2_6-.Ltmp2, $4  }
0x77: {  	[tilespmem:v56+s16+$0x0] =	vst.idx.msk vm4, v5;
	s20 =	sshra.s32 s21, $0x1F  }
0x78: {  	[tilespmem:v58+s16+$0x0] =	vst.idx.msk vm5, v10;
	s20 =	sshrl.u32 s20, $0x1C  }
0x79: {  	[tilespmem:v60+s16+$0x0] =	vst.idx.msk vm6, v4;
	s20 =	sadd.s32 s20, s21  }
0x7a: {  	[tilespmem:v62+s16+$0x0] =	vst.idx.msk vm7, v3;
	p0 =	slt.s32 s21, $0x10;
	s20 =	sshra.s32 s20, $0x4  }
.LBB2_7:
0x7b: {  	v4 =	vimm.f32 $0.0e+00  }
.LBB2_11:
0x7c: {  	(xrf2) =	vadd.scan.msk.f32 $0xffff, v3  }
0x7d: {  	(xrf2) =	vadd.scan.msk.f32 $0xffff, v4;
	_ =	sdelay $0x8  }
0x7e: {  	v3, _, _ =	vpop (xrf2)  }
0x7f: {  	v4, _, _ =	vpop (xrf2)  }
0x80: {  	v4 =	vbroadcast v4, $0xF;
	_ =	sdelay $0x1  }
0x81: {  	(erf) = vrcp.f32 v4;
	_ =	sdelay $0x5  }
0x82: {  	v3 =	vadd.f32 $-1.000000000e+00, v3;
	_ =	sdelay $0x1  }
0x83: {  	v3 =	vbroadcast v3, $0xF  }
0x84: {  	v4 =	vpop (erf)  }
0x85: {  	v3 =	vmul.f32 v4, v3;
	_ =	sdelay $0x1  }
0x86: {  	v3 =	vmax.f32 v2, v3  }
0x87: {  	vm0 =	veq.f32 v3, v2  }
0x88: {  	v2 =	vsel vm0, $0x3F800000, v1  }
0x89: {  	(xrf0) =	vmin.scan.msk.f32 $0xffff, v2;
	_ =	sdelay $0x5  }
0x8a: {  	v2, _, _ =	vpop (xrf0)  }
0x8b: {  	(v2sf) =	vpush v2, $0xF;
	_ =	sdelay $0xe  }
0x8c: {  	s21 =	spop (v2sf)  }
0x8d: {  	p1 =	sgt.f32 s21, $0.0e+00  }
.Ltmp3:
0x8e: {  	_ = 	snop;
	(pc) =	sbr.rel @p1 .LBB2_12-.Ltmp3, $2  }
0x8f: {  	_ =	sdelay $0x2  }
0x90: {  	v2 =	vmov v3  }
.LBB2_6:
.Ltmp4:
0x91: {  	(pc) =	sbr.rel @p0 .LBB2_7-.Ltmp4, $2  }
0x92: {  	_ =	sdelay $0x2  }
0x93: {  	v3 =	vimm.f32 $0.0e+00;
	s22 =	simm.s32 $0x10000  }
0x94: {  	v4 =	vld [tilespmem:s22+$0x0];
	p1 =	sne.s32 s20, $0x1  }
.Ltmp5:
0x95: {  	_ = 	snop;
	(pc) =	sbr.rel @!p1 .LBB2_10-.Ltmp5, $2  }
0x96: {  	_ =	sdelay $0x2  }
0x97: {  	s21 =	sadd.s32 $0xFFFFFFFF, s20;
	s22 =	sadd.s32 $0x10, s22;
	v5 =	vimm.f32 $0.0e+00;
	vm0 =	vgt.f32 v4, v2  }
.LBB2_9:
0x98: {  	p1 =	sne.s32 s21, $0x1;
	s21 =	sadd.s32 $0xFFFFFFFF, s21;
	v6 =	vnsel vm0, $0x0, v4;
	v4 =	vld [tilespmem:s22+$0x0];
	v7 =	vsel vm0, $0x3F800000, v1  }
.Ltmp6:
0x99: {  	v3 =	vadd.f32 v6, v3;
	v5 =	vadd.f32 v7, v5;
	(pc) =	sbr.rel @p1 .LBB2_9-.Ltmp6, $2  }
0x9a: {  	_ =	sdelay $0x2  }
0x9b: {  	s22 =	sadd.s32 $0x10, s22;
	vm0 =	vgt.f32 v4, v2  }
.LBB2_10:
.Ltmp7:
0x9c: {  	(pc) =	sbr.rel .LBB2_11-.Ltmp7, $4  }
0x9d: {  	_ = 	snop  }
0x9e: {  	v4 =	vnsel vm0, $0x0, v4  }
0x9f: {  	v6 =	vsel vm0, $0x3F800000, v1;
	v3 =	vadd.f32 v4, v3  }
0xa0: {  	v4 =	vadd.f32 v6, v5  }
.LBB2_12:
0xa1: {  	s20 =	simm.s32 $0x0  }
0xa2: {  	v2 =	vld [tilespmem:s20+$0x0]  }
0xa3: {  	v4 =	vld [tilespmem:s20+$0x10];
	_ =	sdelay $0x1  }
0xa4: {  	v5 =	vld [tilespmem:s20+$0x20]  }
0xa5: {  	v6 =	vld [tilespmem:s20+$0x30]  }
0xa6: {  	v2 =	vsub.f32 v2, v3  }
0xa7: {  	v7 =	vld [tilespmem:s20+$0x40];
	v4 =	vsub.f32 v4, v3  }
0xa8: {  	v8 =	vld [tilespmem:s20+$0x50];
	v2 =	vmax.f32 v2, $0.0e+00  }
0xa9: {  	v4 =	vmax.f32 v4, $0.0e+00;
	[tilespmem:s20+$0x0] =	vst v2;
	v2 =	vsub.f32 v5, v3  }
0xaa: {  	v9 =	vld [tilespmem:s20+$0x60];
	[tilespmem:s20+$0x10] =	vst v4;
	v4 =	vsub.f32 v6, v3  }
0xab: {  	v10 =	vld [tilespmem:s20+$0x70];
	v2 =	vmax.f32 v2, $0.0e+00  }
0xac: {  	v11 =	vld [tilespmem:s20+$0x80];
	v5 =	vmax.f32 v4, $0.0e+00;
	[tilespmem:s20+$0x20] =	vst v2;
	v2 =	vsub.f32 v7, v3  }
0xad: {  	v12 =	vld [tilespmem:s20+$0x90];
	[tilespmem:s20+$0x30] =	vst v5;
	v5 =	vsub.f32 v8, v3  }
0xae: {  	v4 =	vld [tilespmem:s20+$0xA0];
	v6 =	vmax.f32 v2, $0.0e+00  }
0xaf: {  	v2 =	vld [tilespmem:s20+$0xB0];
	v7 =	vmax.f32 v5, $0.0e+00;
	[tilespmem:s20+$0x40] =	vst v6;
	v6 =	vsub.f32 v9, v3  }
0xb0: {  	v5 =	vld [tilespmem:s20+$0xC0];
	[tilespmem:s20+$0x50] =	vst v7;
	v7 =	vsub.f32 v10, v3  }
0xb1: {  	v9 =	vsub.f32 v11, v3;
	v8 =	vmax.f32 v6, $0.0e+00;
	v6 =	vld [tilespmem:s20+$0xD0]  }
0xb2: {  	s21 =	simm.s32 $0x400;
	v10 =	vmax.f32 v7, $0.0e+00;
	v7 =	vld [tilespmem:s20+$0xE0];
	[tilespmem:s20+$0x60] =	vst v8;
	v8 =	vsub.f32 v12, v3  }
.LBB2_13:
0xb3: {  	s22 =	sshra.s32 s21, $0x2;
	p0 =	sne.s32 s21, $0x1FC00;
	[tilespmem:s20+$0x70] =	vst v10;
	v9 =	vmax.f32 v9, $0.0e+00;
	v4 =	vsub.f32 v4, v3;
	v10 =	vld [tilespmem:s20+$0xF0]  }
0xb4: {  	v11 =	vld [tilespmem:s22+$0x0];
	[tilespmem:s20+$0x80] =	vst v9;
	v8 =	vmax.f32 v8, $0.0e+00;
	v2 =	vsub.f32 v2, v3  }
0xb5: {  	v9 =	vld [tilespmem:s22+$0x10];
	[tilespmem:s20+$0x90] =	vst v8;
	v4 =	vmax.f32 v4, $0.0e+00;
	v5 =	vsub.f32 v5, v3  }
0xb6: {  	v8 =	vld [tilespmem:s22+$0x20];
	[tilespmem:s20+$0xA0] =	vst v4;
	v2 =	vmax.f32 v2, $0.0e+00;
	v4 =	vsub.f32 v6, v3  }
0xb7: {  	v6 =	vld [tilespmem:s22+$0x30];
	[tilespmem:s20+$0xB0] =	vst v2;
	v2 =	vmax.f32 v5, $0.0e+00;
	v5 =	vsub.f32 v7, v3  }
0xb8: {  	v7 =	vld [tilespmem:s22+$0x40];
	[tilespmem:s20+$0xC0] =	vst v2;
	v2 =	vmax.f32 v4, $0.0e+00;
	v4 =	vsub.f32 v10, v3  }
0xb9: {  	v10 =	vsub.f32 v11, v3;
	v11 =	vld [tilespmem:s22+$0x50];
	[tilespmem:s20+$0xD0] =	vst v2;
	v2 =	vmax.f32 v5, $0.0e+00  }
0xba: {  	v5 =	vsub.f32 v9, v3;
	v9 =	vld [tilespmem:s22+$0x60];
	[tilespmem:s20+$0xE0] =	vst v2;
	v2 =	vmax.f32 v4, $0.0e+00  }
0xbb: {  	v4 =	vmax.f32 v10, $0.0e+00;
	v8 =	vsub.f32 v8, v3;
	v10 =	vld [tilespmem:s22+$0x70];
	[tilespmem:s20+$0xF0] =	vst v2;
	s20 =	smov.u32 s22  }
0xbc: {  	[tilespmem:s20+$0x0] =	vst v4;
	v2 =	vmax.f32 v5, $0.0e+00;
	v4 =	vsub.f32 v6, v3;
	v6 =	vld [tilespmem:s20+$0x80]  }
0xbd: {  	[tilespmem:s20+$0x10] =	vst v2;
	v2 =	vmax.f32 v8, $0.0e+00;
	v5 =	vsub.f32 v7, v3;
	v7 =	vld [tilespmem:s20+$0x90]  }
.Ltmp8:
0xbe: {  	[tilespmem:s20+$0x20] =	vst v2;
	v2 =	vmax.f32 v4, $0.0e+00;
	v8 =	vsub.f32 v11, v3;
	v4 =	vld [tilespmem:s20+$0xA0];
	(pc) =	sbr.rel @p0 .LBB2_13-.Ltmp8, $4  }
0xbf: {  	[tilespmem:s20+$0x30] =	vst v2;
	v5 =	vmax.f32 v5, $0.0e+00;
	v9 =	vsub.f32 v9, v3;
	v2 =	vld [tilespmem:s20+$0xB0]  }
0xc0: {  	[tilespmem:s20+$0x40] =	vst v5;
	v8 =	vmax.f32 v8, $0.0e+00;
	v10 =	vsub.f32 v10, v3;
	v5 =	vld [tilespmem:s20+$0xC0]  }
0xc1: {  	[tilespmem:s20+$0x50] =	vst v8;
	v8 =	vmax.f32 v9, $0.0e+00;
	v9 =	vsub.f32 v6, v3;
	v6 =	vld [tilespmem:s20+$0xD0]  }
0xc2: {  	s21 =	sadd.s32 $0x400, s21;
	[tilespmem:s20+$0x60] =	vst v8;
	v10 =	vmax.f32 v10, $0.0e+00;
	v8 =	vsub.f32 v7, v3;
	v7 =	vld [tilespmem:s20+$0xE0]  }
0xc3: {  	[tilespmem:s20+$0x70] =	vst v10;
	v9 =	vmax.f32 v9, $0.0e+00;
	v4 =	vsub.f32 v4, v3;
	v63 =	vld [tilespmem:s20+$0xF0]  }
0xc4: {  	[tilespmem:s20+$0x80] =	vst v9;
	v8 =	vmax.f32 v8, $0.0e+00;
	v2 =	vsub.f32 v2, v3  }
0xc5: {  	[tilespmem:s20+$0x90] =	vst v8;
	v4 =	vmax.f32 v4, $0.0e+00;
	v5 =	vsub.f32 v5, v3  }
0xc6: {  	[tilespmem:s20+$0xA0] =	vst v4;
	v2 =	vmax.f32 v2, $0.0e+00;
	v4 =	vsub.f32 v6, v3  }
0xc7: {  	[tilespmem:s20+$0xB0] =	vst v2;
	v2 =	vmax.f32 v5, $0.0e+00;
	v5 =	vsub.f32 v7, v3  }
0xc8: {  	[tilespmem:s20+$0xC0] =	vst v2;
	v2 =	vmax.f32 v4, $0.0e+00;
	v3 =	vsub.f32 v63, v3  }
0xc9: {  	[tilespmem:s20+$0xD0] =	vst v2;
	v2 =	vmax.f32 v5, $0.0e+00  }
0xca: {  	[tilespmem:s20+$0xE0] =	vst v2;
	v2 =	vmax.f32 v3, $0.0e+00  }
0xcb: {  	s31 =	simm.s32 $0x0;
	[tilespmem:s20+$0xF0] =	vst v2  }
0xcc: {  	[hbm4b:s5+s12] =	stream.strided.scatter [tilespmem:s31], [sflag:$0x3], $0x8000, s13, s12, $0x38;
	[tilespmem:$0x18000] =	vst v63  }
0xcd: {  	_ =	swait.ge [sflag:s17], $0x8000  }
0xce: {  	[sflag:s17] =	ssyncset.done $0x0  }
0xcf: {  	s22 =	simm.s32 $0x0;
	[sflag:s17] =	ssyncadd.s32 $0xFFFF8000  }
0xd0: {  	v2 =	vld [tilespmem:s22+$0x8000]  }
0xd1: {  	v3 =	vld [tilespmem:s22+$0x8010]  }
0xd2: {  	v4 =	vld [tilespmem:s22+$0x8020]  }
0xd3: {  	v5 =	vld [tilespmem:s22+$0x8030]  }
0xd4: {  	v6 =	vimm.f32 $-Inf;
	v7 =	vld [tilespmem:s22+$0x8040]  }
0xd5: {  	v2 =	vmax.f32 v6, v2;
	v6 =	vld [tilespmem:s22+$0x8050]  }
0xd6: {  	v2 =	vmax.f32 v2, v3;
	v3 =	vld [tilespmem:s22+$0x8060]  }
0xd7: {  	v2 =	vmax.f32 v2, v4;
	v4 =	vld [tilespmem:s22+$0x8070]  }
0xd8: {  	v2 =	vmax.f32 v2, v5;
	v5 =	vld [tilespmem:s22+$0x8080]  }
0xd9: {  	v2 =	vmax.f32 v2, v7;
	v7 =	vld [tilespmem:s22+$0x8090]  }
0xda: {  	v2 =	vmax.f32 v2, v6;
	v6 =	vld [tilespmem:s22+$0x80A0]  }
0xdb: {  	v3 =	vmax.f32 v2, v3;
	v2 =	vld [tilespmem:s22+$0x80B0]  }
0xdc: {  	v4 =	vmax.f32 v3, v4;
	v3 =	vld [tilespmem:s22+$0x80C0]  }
0xdd: {  	v5 =	vmax.f32 v4, v5;
	v4 =	vld [tilespmem:s22+$0x80D0]  }
0xde: {  	v7 =	vmax.f32 v5, v7;
	v5 =	vld [tilespmem:s22+$0x80E0]  }
0xdf: {  	s21 =	simm.s32 $0x800;
	s20 =	simm.s32 $0x100;
	v7 =	vmax.f32 v7, v6;
	v6 =	vld [tilespmem:s22+$0x80F0]  }
.LBB2_15:
0xe0: {  	p0 =	sne.s32 s21, $0x1FC00;
	v8 =	vld [tilespmem:s20+$0x8000];
	v2 =	vmax.f32 v7, v2  }
0xe1: {  	v7 =	vld [tilespmem:s20+$0x8010];
	v2 =	vmax.f32 v2, v3  }
0xe2: {  	v3 =	vld [tilespmem:s20+$0x8020];
	v2 =	vmax.f32 v2, v4  }
0xe3: {  	v4 =	vld [tilespmem:s20+$0x8030];
	v2 =	vmax.f32 v2, v5  }
0xe4: {  	v5 =	vld [tilespmem:s20+$0x8040];
	v2 =	vmax.f32 v2, v6  }
0xe5: {  	v2 =	vmax.f32 v2, v8;
	v6 =	vld [tilespmem:s20+$0x8050]  }
0xe6: {  	v2 =	vmax.f32 v2, v7;
	v7 =	vld [tilespmem:s20+$0x8060]  }
0xe7: {  	v2 =	vmax.f32 v2, v3;
	v3 =	vld [tilespmem:s20+$0x8070]  }
0xe8: {  	v2 =	vmax.f32 v2, v4;
	v4 =	vld [tilespmem:s20+$0x8080]  }
0xe9: {  	v2 =	vmax.f32 v2, v5;
	v5 =	vld [tilespmem:s20+$0x8090]  }
0xea: {  	v2 =	vmax.f32 v2, v6;
	v6 =	vld [tilespmem:s20+$0x80A0]  }
.Ltmp9:
0xeb: {  	v7 =	vmax.f32 v2, v7;
	v2 =	vld [tilespmem:s20+$0x80B0];
	(pc) =	sbr.rel @p0 .LBB2_15-.Ltmp9, $4  }
0xec: {  	v7 =	vmax.f32 v7, v3;
	v3 =	vld [tilespmem:s20+$0x80C0]  }
0xed: {  	v7 =	vmax.f32 v7, v4;
	v4 =	vld [tilespmem:s20+$0x80D0]  }
0xee: {  	v7 =	vmax.f32 v7, v5;
	v5 =	vld [tilespmem:s20+$0x80E0]  }
0xef: {  	v7 =	vmax.f32 v7, v6;
	v6 =	vld [tilespmem:s20+$0x80F0];
	s20 =	sshra.s32 s21, $0x2;
	s21 =	sadd.s32 $0x400, s21  }
0xf0: {  	v8 =	vld [tilespmem:s20+$0x8000];
	v2 =	vmax.f32 v7, v2  }
0xf1: {  	v7 =	vld [tilespmem:s20+$0x8010];
	v2 =	vmax.f32 v2, v3  }
0xf2: {  	v3 =	vld [tilespmem:s20+$0x8020];
	v2 =	vmax.f32 v2, v4  }
0xf3: {  	v4 =	vld [tilespmem:s20+$0x8030];
	v2 =	vmax.f32 v2, v5  }
0xf4: {  	v5 =	vld [tilespmem:s20+$0x8040];
	v2 =	vmax.f32 v2, v6  }
0xf5: {  	v6 =	vld [tilespmem:s20+$0x8050];
	v2 =	vmax.f32 v2, v8  }
0xf6: {  	v2 =	vmax.f32 v2, v7;
	v7 =	vld [tilespmem:s20+$0x8060]  }
0xf7: {  	v2 =	vmax.f32 v2, v3;
	v3 =	vld [tilespmem:s20+$0x8070]  }
0xf8: {  	v2 =	vmax.f32 v2, v4;
	v4 =	vld [tilespmem:s20+$0x8080]  }
0xf9: {  	v2 =	vmax.f32 v2, v5;
	v5 =	vld [tilespmem:s20+$0x8090]  }
0xfa: {  	v2 =	vmax.f32 v2, v6;
	v6 =	vld [tilespmem:s20+$0x80A0]  }
0xfb: {  	v2 =	vmax.f32 v2, v7;
	v7 =	vld [tilespmem:s20+$0x80B0]  }
0xfc: {  	v2 =	vmax.f32 v2, v3;
	v3 =	vld [tilespmem:s20+$0x80C0]  }
0xfd: {  	v2 =	vmax.f32 v2, v4;
	v4 =	vld [tilespmem:s20+$0x80D0]  }
0xfe: {  	v2 =	vmax.f32 v2, v5;
	v5 =	vld [tilespmem:s20+$0x80E0]  }
0xff: {  	v2 =	vmax.f32 v2, v6;
	v6 =	vld [tilespmem:s20+$0x80F0]  }
0x100: {  	v2 =	vmax.f32 v2, v7  }
0x101: {  	v2 =	vmax.f32 v2, v3  }
0x102: {  	v2 =	vmax.f32 v2, v4  }
0x103: {  	v2 =	vmax.f32 v2, v5  }
0x104: {  	v2 =	vmax.f32 v2, v6  }
0x105: {  	(xrf0) =	vmax.scan.msk.f32 $0xffff, v2;
	_ =	sdelay $0x1  }
0x106: {  	s31 =	simm.s32 $0x8040  }
0x107: {  	v10 =	vld [tilespmem:s31+$0x10]  }
0x108: {  	v7 =	vld [tilespmem:s31+$0xFFFFFFC0]  }
0x109: {  	v3 =	vld [tilespmem:s31+$0x30]  }
0x10a: {  	v4 =	vld [tilespmem:s31+$0x20];
	v2, _, _ =	vpop (xrf0)  }
0x10b: {  	v5 =	vld [tilespmem:s31+$0x0];
	v2 =	vadd.f32 $-1.000000000e+00, v2  }
0x10c: {  	v6 =	vld [tilespmem:s31+$0xFFFFFFF0]  }
0x10d: {  	v8 =	vld [tilespmem:s31+$0xFFFFFFD0];
	v2 =	vbroadcast v2, $0xF  }
0x10e: {  	v9 =	vld [tilespmem:s31+$0xFFFFFFE0]  }
0x10f: {  	v11 =	vlaneseq.u32;
	vm0 =	vgt.f32 v3, v2  }
0x110: {  	vm1 =	vgt.f32 v5, v2;
	vm3 =	vgt.f32 v10, v2;
	vm4 =	vgt.f32 v4, v2  }
0x111: {  	vm5 =	vgt.f32 v7, v2;
	vm2 =	vgt.f32 v6, v2;
	v12 =	vmpcnt.ones.xlane vm0  }
0x112: {  	v15 =	vmpcnt.ones.xlane vm5;
	vm0 =	vgt.f32 v8, v2;
	v13 =	vmpcnt.ones.xlane vm4  }
0x113: {  	vm15 =	vgt.f32 v9, v2;
	v14 =	vmpcnt.ones.xlane vm3;
	v16 =	vmpcnt.ones.xlane vm0  }
0x114: {  	s21 =	simm.s32 $0x80C0;
	s20 =	simm.s32 $0x0;
	v17 =	vmpcnt.ones.xlane vm15;
	vm0 =	vgt.s32 v15, $0x0;
	v15 =	vmpcnt.ones.xlane vm1  }
.LBB2_17:
0x115: {  	v18 =	vld [tilespmem:s21+$0x30];
	v19 =	vsel vm0, $0x10, v0;
	vm3 =	vgt.s32 v16, $0x0;
	v16 =	vmpcnt.ones.xlane vm2  }
0x116: {  	s20 =	sadd.s32 $0x8, s20;
	v20 =	vld [tilespmem:s21+$0x20];
	v19 =	vadd.s32 v11, v19;
	v21 =	vsel vm3, $0x10, v0;
	vm2 =	vgt.s32 v17, $0x0  }
0x117: {  	p0 =	slt.u32 s20, $0x7F8;
	v22 =	vld [tilespmem:s21+$0x10];
	v17 =	vadd.s32 v19, v21;
	v21 =	vsel vm2, $0x10, v0;
	vm4 =	vgt.s32 v16, $0x0  }
0x118: {  	vm1 =	vgt.s32 v15, $0x0;
	v23 =	vld [tilespmem:s21+$0x0];
	v16 =	vadd.s32 v17, v21;
	v21 =	vsel vm4, $0x10, v0  }
0x119: {  	vm5 =	vgt.s32 v14, $0x0;
	v24 =	vsel vm1, $0x10, v0;
	v15 =	vld [tilespmem:s21+$0xFFFFFFF0];
	v21 =	vadd.s32 v16, v21  }
0x11a: {  	[tilespmem:v11+s16+$0x0] =	vst.idx.msk vm0, v7;
	v7 =	vld [tilespmem:s21+$0xFFFFFFC0];
	v14 =	vadd.s32 v21, v24;
	v11 =	vsel vm5, $0x10, v0;
	vm0 =	vgt.s32 v13, $0x0  }
0x11b: {  	[tilespmem:v19+s16+$0x0] =	vst.idx.msk vm3, v8;
	v8 =	vld [tilespmem:s21+$0xFFFFFFD0];
	v19 =	vadd.s32 v14, v11;
	v11 =	vsel vm0, $0x10, v0;
	vm3 =	vgt.s32 v12, $0x0  }
0x11c: {  	[tilespmem:v17+s16+$0x0] =	vst.idx.msk vm2, v9;
	v9 =	vld [tilespmem:s21+$0xFFFFFFE0];
	v17 =	vadd.s32 v19, v11;
	v11 =	vsel vm3, $0x10, v0  }
0x11d: {  	vm6 =	vgt.f32 v18, v2;
	[tilespmem:v16+s16+$0x0] =	vst.idx.msk vm4, v6;
	v11 =	vadd.s32 v17, v11  }
.Ltmp10:
0x11e: {  	vm8 =	vgt.f32 v20, v2;
	vm7 =	vgt.f32 v22, v2;
	vm4 =	vgt.f32 v23, v2;
	v6 =	vmovc v15;
	(pc) =	sbr.rel @p0 .LBB2_17-.Ltmp10, $4  }
0x11f: {  	v12 =	vmpcnt.ones.xlane vm6;
	vm9 =	vgt.f32 v7, v2;
	vm2 =	vgt.f32 v6, v2;
	[tilespmem:v14+s16+$0x0] =	vst.idx.msk vm5, v10  }
0x120: {  	v13 =	vmpcnt.ones.xlane vm8;
	v24 =	vmpcnt.ones.xlane vm9;
	vm5 =	vgt.f32 v8, v2;
	[tilespmem:v19+s16+$0x0] =	vst.idx.msk vm0, v4;
	v4 =	vmovc v20  }
0x121: {  	v14 =	vmpcnt.ones.xlane vm7;
	v16 =	vmpcnt.ones.xlane vm5;
	vm5 =	vgt.f32 v9, v2;
	[tilespmem:v17+s16+$0x0] =	vst.idx.msk vm3, v3;
	v3 =	vmovc v18  }
0x122: {  	s21 =	sadd.s32 $0x80, s21;
	v15 =	vmpcnt.ones.xlane vm4;
	v10 =	vmovc v22;
	vm0 =	vgt.s32 v24, $0x0;
	v17 =	vmpcnt.ones.xlane vm5;
	[tilespmem:v21+s16+$0x0] =	vst.idx.msk vm1, v5;
	v5 =	vmovc v23  }
0x123: {  	v18 =	vsel vm0, $0x10, v0;
	vm1 =	vgt.s32 v16, $0x0;
	v51 =	vmpcnt.ones.xlane vm2  }
0x124: {  	v18 =	vadd.s32 v11, v18;
	v19 =	vsel vm1, $0x10, v0;
	vm15 =	vgt.s32 v17, $0x0  }
0x125: {  	v52 =	vadd.s32 v18, v19;
	v53 =	vsel vm15, $0x10, v0;
	vm3 =	vgt.s32 v51, $0x0  }
0x126: {  	vm4 =	vgt.s32 v15, $0x0;
	v54 =	vadd.s32 v52, v53;
	v55 =	vsel vm3, $0x10, v0  }
0x127: {  	vm5 =	vgt.s32 v14, $0x0;
	v57 =	vsel vm4, $0x10, v0;
	v56 =	vadd.s32 v54, v55  }
0x128: {  	vm6 =	vgt.s32 v13, $0x0;
	v59 =	vsel vm5, $0x10, v0;
	v58 =	vadd.s32 v56, v57  }
0x129: {  	vm7 =	vgt.s32 v12, $0x0;
	v61 =	vsel vm6, $0x10, v0;
	v60 =	vadd.s32 v58, v59  }
0x12a: {  	v63 =	vsel vm7, $0x10, v0;
	v62 =	vadd.s32 v60, v61  }
0x12b: {  	v19 =	vadd.s32 v62, v63  }
0x12c: {  	v19 =	vxor.u32 $0x80000000, v19  }
0x12d: {  	(xrf0) =	vmax.scan.msk.u32 $0xffff, v19;
	_ =	sdelay $0x5  }
0x12e: {  	v19, _, _ =	vpop (xrf0)  }
0x12f: {  	(v2sf) =	vpush v19, $0xF;
	_ =	sdelay $0xc  }
0x130: {  	[tilespmem:v11+s16+$0x0] =	vst.idx.msk vm0, v7  }
0x131: {  	[tilespmem:v18+s16+$0x0] =	vst.idx.msk vm1, v8  }
0x132: {  	[tilespmem:v52+s16+$0x0] =	vst.idx.msk vm15, v9;
	s20 =	spop (v2sf)  }
.Ltmp11:
0x133: {  	[tilespmem:v54+s16+$0x0] =	vst.idx.msk vm3, v6;
	s21 =	sadd.s32 $0x7FFFFFF1, s20;
	(pc) =	sbr.rel .LBB2_19-.Ltmp11, $4  }
0x134: {  	[tilespmem:v56+s16+$0x0] =	vst.idx.msk vm4, v5;
	s20 =	sshra.s32 s21, $0x1F  }
0x135: {  	[tilespmem:v58+s16+$0x0] =	vst.idx.msk vm5, v10;
	s20 =	sshrl.u32 s20, $0x1C  }
0x136: {  	[tilespmem:v60+s16+$0x0] =	vst.idx.msk vm6, v4;
	s20 =	sadd.s32 s20, s21  }
0x137: {  	[tilespmem:v62+s16+$0x0] =	vst.idx.msk vm7, v3;
	p0 =	slt.s32 s21, $0x10;
	s20 =	sshra.s32 s20, $0x4  }
.LBB2_20:
0x138: {  	v4 =	vimm.f32 $0.0e+00  }
.LBB2_24:
0x139: {  	(xrf2) =	vadd.scan.msk.f32 $0xffff, v3  }
0x13a: {  	(xrf2) =	vadd.scan.msk.f32 $0xffff, v4;
	_ =	sdelay $0x8  }
0x13b: {  	v3, _, _ =	vpop (xrf2)  }
0x13c: {  	v4, _, _ =	vpop (xrf2)  }
0x13d: {  	v4 =	vbroadcast v4, $0xF;
	_ =	sdelay $0x1  }
0x13e: {  	(erf) = vrcp.f32 v4;
	_ =	sdelay $0x5  }
0x13f: {  	v3 =	vadd.f32 $-1.000000000e+00, v3;
	_ =	sdelay $0x1  }
0x140: {  	v3 =	vbroadcast v3, $0xF  }
0x141: {  	v4 =	vpop (erf)  }
0x142: {  	v3 =	vmul.f32 v4, v3;
	_ =	sdelay $0x1  }
0x143: {  	v3 =	vmax.f32 v2, v3  }
0x144: {  	vm0 =	veq.f32 v3, v2  }
0x145: {  	v2 =	vsel vm0, $0x3F800000, v1  }
0x146: {  	(xrf0) =	vmin.scan.msk.f32 $0xffff, v2;
	_ =	sdelay $0x5  }
0x147: {  	v2, _, _ =	vpop (xrf0)  }
0x148: {  	(v2sf) =	vpush v2, $0xF;
	_ =	sdelay $0xe  }
0x149: {  	s21 =	spop (v2sf)  }
0x14a: {  	p1 =	sgt.f32 s21, $0.0e+00  }
.Ltmp12:
0x14b: {  	_ = 	snop;
	(pc) =	sbr.rel @p1 .LBB2_25-.Ltmp12, $2  }
0x14c: {  	_ =	sdelay $0x2  }
0x14d: {  	v2 =	vmov v3  }
.LBB2_19:
.Ltmp13:
0x14e: {  	(pc) =	sbr.rel @p0 .LBB2_20-.Ltmp13, $2  }
0x14f: {  	_ =	sdelay $0x2  }
0x150: {  	v3 =	vimm.f32 $0.0e+00;
	s22 =	simm.s32 $0x10000  }
0x151: {  	v4 =	vld [tilespmem:s22+$0x0];
	p1 =	sne.s32 s20, $0x1  }
.Ltmp14:
0x152: {  	_ = 	snop;
	(pc) =	sbr.rel @!p1 .LBB2_23-.Ltmp14, $2  }
0x153: {  	_ =	sdelay $0x2  }
0x154: {  	s21 =	sadd.s32 $0xFFFFFFFF, s20;
	s22 =	sadd.s32 $0x10, s22;
	v5 =	vimm.f32 $0.0e+00;
	vm0 =	vgt.f32 v4, v2  }
.LBB2_22:
0x155: {  	p1 =	sne.s32 s21, $0x1;
	s21 =	sadd.s32 $0xFFFFFFFF, s21;
	v6 =	vnsel vm0, $0x0, v4;
	v4 =	vld [tilespmem:s22+$0x0];
	v7 =	vsel vm0, $0x3F800000, v1  }
.Ltmp15:
0x156: {  	v3 =	vadd.f32 v6, v3;
	v5 =	vadd.f32 v7, v5;
	(pc) =	sbr.rel @p1 .LBB2_22-.Ltmp15, $2  }
0x157: {  	_ =	sdelay $0x2  }
0x158: {  	s22 =	sadd.s32 $0x10, s22;
	vm0 =	vgt.f32 v4, v2  }
.LBB2_23:
.Ltmp16:
0x159: {  	(pc) =	sbr.rel .LBB2_24-.Ltmp16, $4  }
0x15a: {  	_ = 	snop  }
0x15b: {  	v4 =	vnsel vm0, $0x0, v4  }
0x15c: {  	v6 =	vsel vm0, $0x3F800000, v1;
	v3 =	vadd.f32 v4, v3  }
0x15d: {  	v4 =	vadd.f32 v6, v5  }
.LBB2_25:
0x15e: {  	_ =	swait.ge [sflag:s18], $0x8000  }
0x15f: {  	[sflag:s18] =	ssyncset.done $0x0  }
0x160: {  	s20 =	simm.s32 $0x0;
	[sflag:s18] =	ssyncadd.s32 $0xFFFF8000  }
0x161: {  	[tilespmem:s20], [sflag:$0x1] =	stream.strided.gather [hbm4b:s6+s12], $0x8000, s13, s12, $0x38;
	[tilespmem:$0x18000] =	vst v63  }
0x162: {  	s20 =	simm.s32 $0x0  }
0x163: {  	v2 =	vld [tilespmem:s20+$0x8000]  }
0x164: {  	v4 =	vld [tilespmem:s20+$0x8010];
	_ =	sdelay $0x1  }
0x165: {  	v5 =	vld [tilespmem:s20+$0x8020]  }
0x166: {  	v6 =	vld [tilespmem:s20+$0x8030]  }
0x167: {  	v2 =	vsub.f32 v2, v3  }
0x168: {  	v7 =	vld [tilespmem:s20+$0x8040];
	v4 =	vsub.f32 v4, v3  }
0x169: {  	v8 =	vld [tilespmem:s20+$0x8050];
	v2 =	vmax.f32 v2, $0.0e+00  }
0x16a: {  	v4 =	vmax.f32 v4, $0.0e+00;
	[tilespmem:s20+$0x8000] =	vst v2;
	v2 =	vsub.f32 v5, v3  }
0x16b: {  	v9 =	vld [tilespmem:s20+$0x8060];
	[tilespmem:s20+$0x8010] =	vst v4;
	v4 =	vsub.f32 v6, v3  }
0x16c: {  	v10 =	vld [tilespmem:s20+$0x8070];
	v2 =	vmax.f32 v2, $0.0e+00  }
0x16d: {  	v11 =	vld [tilespmem:s20+$0x8080];
	v5 =	vmax.f32 v4, $0.0e+00;
	[tilespmem:s20+$0x8020] =	vst v2;
	v2 =	vsub.f32 v7, v3  }
0x16e: {  	v12 =	vld [tilespmem:s20+$0x8090];
	[tilespmem:s20+$0x8030] =	vst v5;
	v5 =	vsub.f32 v8, v3  }
0x16f: {  	v4 =	vld [tilespmem:s20+$0x80A0];
	v6 =	vmax.f32 v2, $0.0e+00  }
0x170: {  	v2 =	vld [tilespmem:s20+$0x80B0];
	v7 =	vmax.f32 v5, $0.0e+00;
	[tilespmem:s20+$0x8040] =	vst v6;
	v6 =	vsub.f32 v9, v3  }
0x171: {  	v5 =	vld [tilespmem:s20+$0x80C0];
	[tilespmem:s20+$0x8050] =	vst v7;
	v7 =	vsub.f32 v10, v3  }
0x172: {  	v9 =	vsub.f32 v11, v3;
	v8 =	vmax.f32 v6, $0.0e+00;
	v6 =	vld [tilespmem:s20+$0x80D0]  }
0x173: {  	s21 =	simm.s32 $0x400;
	v10 =	vmax.f32 v7, $0.0e+00;
	v7 =	vld [tilespmem:s20+$0x80E0];
	[tilespmem:s20+$0x8060] =	vst v8;
	v8 =	vsub.f32 v12, v3  }
.LBB2_26:
0x174: {  	s22 =	sshra.s32 s21, $0x2;
	p0 =	sne.s32 s21, $0x1FC00;
	[tilespmem:s20+$0x8070] =	vst v10;
	v9 =	vmax.f32 v9, $0.0e+00;
	v4 =	vsub.f32 v4, v3;
	v10 =	vld [tilespmem:s20+$0x80F0]  }
0x175: {  	v11 =	vld [tilespmem:s22+$0x8000];
	[tilespmem:s20+$0x8080] =	vst v9;
	v8 =	vmax.f32 v8, $0.0e+00;
	v2 =	vsub.f32 v2, v3  }
0x176: {  	v9 =	vld [tilespmem:s22+$0x8010];
	[tilespmem:s20+$0x8090] =	vst v8;
	v4 =	vmax.f32 v4, $0.0e+00;
	v5 =	vsub.f32 v5, v3  }
0x177: {  	v8 =	vld [tilespmem:s22+$0x8020];
	[tilespmem:s20+$0x80A0] =	vst v4;
	v2 =	vmax.f32 v2, $0.0e+00;
	v4 =	vsub.f32 v6, v3  }
0x178: {  	v6 =	vld [tilespmem:s22+$0x8030];
	[tilespmem:s20+$0x80B0] =	vst v2;
	v2 =	vmax.f32 v5, $0.0e+00;
	v5 =	vsub.f32 v7, v3  }
0x179: {  	v7 =	vld [tilespmem:s22+$0x8040];
	[tilespmem:s20+$0x80C0] =	vst v2;
	v2 =	vmax.f32 v4, $0.0e+00;
	v4 =	vsub.f32 v10, v3  }
0x17a: {  	v10 =	vsub.f32 v11, v3;
	v11 =	vld [tilespmem:s22+$0x8050];
	[tilespmem:s20+$0x80D0] =	vst v2;
	v2 =	vmax.f32 v5, $0.0e+00  }
0x17b: {  	v5 =	vsub.f32 v9, v3;
	v9 =	vld [tilespmem:s22+$0x8060];
	[tilespmem:s20+$0x80E0] =	vst v2;
	v2 =	vmax.f32 v4, $0.0e+00  }
0x17c: {  	v4 =	vmax.f32 v10, $0.0e+00;
	v8 =	vsub.f32 v8, v3;
	v10 =	vld [tilespmem:s22+$0x8070];
	[tilespmem:s20+$0x80F0] =	vst v2;
	s20 =	smov.u32 s22  }
0x17d: {  	[tilespmem:s20+$0x8000] =	vst v4;
	v2 =	vmax.f32 v5, $0.0e+00;
	v4 =	vsub.f32 v6, v3;
	v6 =	vld [tilespmem:s20+$0x8080]  }
0x17e: {  	[tilespmem:s20+$0x8010] =	vst v2;
	v2 =	vmax.f32 v8, $0.0e+00;
	v5 =	vsub.f32 v7, v3;
	v7 =	vld [tilespmem:s20+$0x8090]  }
.Ltmp17:
0x17f: {  	[tilespmem:s20+$0x8020] =	vst v2;
	v2 =	vmax.f32 v4, $0.0e+00;
	v8 =	vsub.f32 v11, v3;
	v4 =	vld [tilespmem:s20+$0x80A0];
	(pc) =	sbr.rel @p0 .LBB2_26-.Ltmp17, $4  }
0x180: {  	[tilespmem:s20+$0x8030] =	vst v2;
	v5 =	vmax.f32 v5, $0.0e+00;
	v9 =	vsub.f32 v9, v3;
	v2 =	vld [tilespmem:s20+$0x80B0]  }
0x181: {  	[tilespmem:s20+$0x8040] =	vst v5;
	v8 =	vmax.f32 v8, $0.0e+00;
	v10 =	vsub.f32 v10, v3;
	v5 =	vld [tilespmem:s20+$0x80C0]  }
0x182: {  	[tilespmem:s20+$0x8050] =	vst v8;
	v8 =	vmax.f32 v9, $0.0e+00;
	v9 =	vsub.f32 v6, v3;
	v6 =	vld [tilespmem:s20+$0x80D0]  }
0x183: {  	s21 =	sadd.s32 $0x400, s21;
	[tilespmem:s20+$0x8060] =	vst v8;
	v10 =	vmax.f32 v10, $0.0e+00;
	v8 =	vsub.f32 v7, v3;
	v7 =	vld [tilespmem:s20+$0x80E0]  }
0x184: {  	[tilespmem:s20+$0x8070] =	vst v10;
	v9 =	vmax.f32 v9, $0.0e+00;
	v4 =	vsub.f32 v4, v3;
	v63 =	vld [tilespmem:s20+$0x80F0]  }
0x185: {  	[tilespmem:s20+$0x8080] =	vst v9;
	v8 =	vmax.f32 v8, $0.0e+00;
	v2 =	vsub.f32 v2, v3  }
0x186: {  	[tilespmem:s20+$0x8090] =	vst v8;
	v4 =	vmax.f32 v4, $0.0e+00;
	v5 =	vsub.f32 v5, v3  }
0x187: {  	[tilespmem:s20+$0x80A0] =	vst v4;
	v2 =	vmax.f32 v2, $0.0e+00;
	v4 =	vsub.f32 v6, v3  }
0x188: {  	[tilespmem:s20+$0x80B0] =	vst v2;
	v2 =	vmax.f32 v5, $0.0e+00;
	v5 =	vsub.f32 v7, v3  }
0x189: {  	[tilespmem:s20+$0x80C0] =	vst v2;
	v2 =	vmax.f32 v4, $0.0e+00;
	v3 =	vsub.f32 v63, v3  }
0x18a: {  	[tilespmem:s20+$0x80D0] =	vst v2;
	v2 =	vmax.f32 v5, $0.0e+00  }
0x18b: {  	[tilespmem:s20+$0x80E0] =	vst v2;
	v2 =	vmax.f32 v3, $0.0e+00  }
0x18c: {  	[tilespmem:s20+$0x80F0] =	vst v2  }
0x18d: {  	[hbm4b:s7+s12] =	stream.strided.scatter [tilespmem:s15], [sflag:$0x3], $0x8000, s13, s12, $0x38;
	[tilespmem:$0x18000] =	vst v63  }
0x18e: {  	_ =	swait.ge [sflag:s14], $0x8000  }
0x18f: {  	[sflag:s14] =	ssyncset.done $0x0  }
0x190: {  	s22 =	simm.s32 $0x0;
	[sflag:s14] =	ssyncadd.s32 $0xFFFF8000  }
0x191: {  	v2 =	vld [tilespmem:s22+$0x0]  }
0x192: {  	v3 =	vld [tilespmem:s22+$0x10]  }
0x193: {  	v4 =	vld [tilespmem:s22+$0x20]  }
0x194: {  	v5 =	vld [tilespmem:s22+$0x30]  }
0x195: {  	v6 =	vimm.f32 $-Inf;
	v7 =	vld [tilespmem:s22+$0x40]  }
0x196: {  	v2 =	vmax.f32 v6, v2;
	v6 =	vld [tilespmem:s22+$0x50]  }
0x197: {  	v2 =	vmax.f32 v2, v3;
	v3 =	vld [tilespmem:s22+$0x60]  }
0x198: {  	v2 =	vmax.f32 v2, v4;
	v4 =	vld [tilespmem:s22+$0x70]  }
0x199: {  	v2 =	vmax.f32 v2, v5;
	v5 =	vld [tilespmem:s22+$0x80]  }
0x19a: {  	v2 =	vmax.f32 v2, v7;
	v7 =	vld [tilespmem:s22+$0x90]  }
0x19b: {  	v2 =	vmax.f32 v2, v6;
	v6 =	vld [tilespmem:s22+$0xA0]  }
0x19c: {  	v3 =	vmax.f32 v2, v3;
	v2 =	vld [tilespmem:s22+$0xB0]  }
0x19d: {  	v4 =	vmax.f32 v3, v4;
	v3 =	vld [tilespmem:s22+$0xC0]  }
0x19e: {  	v5 =	vmax.f32 v4, v5;
	v4 =	vld [tilespmem:s22+$0xD0]  }
0x19f: {  	v7 =	vmax.f32 v5, v7;
	v5 =	vld [tilespmem:s22+$0xE0]  }
0x1a0: {  	s21 =	simm.s32 $0x800;
	s20 =	simm.s32 $0x100;
	v7 =	vmax.f32 v7, v6;
	v6 =	vld [tilespmem:s22+$0xF0]  }
.LBB2_28:
0x1a1: {  	p0 =	sne.s32 s21, $0x1FC00;
	v8 =	vld [tilespmem:s20+$0x0];
	v2 =	vmax.f32 v7, v2  }
0x1a2: {  	v7 =	vld [tilespmem:s20+$0x10];
	v2 =	vmax.f32 v2, v3  }
0x1a3: {  	v3 =	vld [tilespmem:s20+$0x20];
	v2 =	vmax.f32 v2, v4  }
0x1a4: {  	v4 =	vld [tilespmem:s20+$0x30];
	v2 =	vmax.f32 v2, v5  }
0x1a5: {  	v5 =	vld [tilespmem:s20+$0x40];
	v2 =	vmax.f32 v2, v6  }
0x1a6: {  	v2 =	vmax.f32 v2, v8;
	v6 =	vld [tilespmem:s20+$0x50]  }
0x1a7: {  	v2 =	vmax.f32 v2, v7;
	v7 =	vld [tilespmem:s20+$0x60]  }
0x1a8: {  	v2 =	vmax.f32 v2, v3;
	v3 =	vld [tilespmem:s20+$0x70]  }
0x1a9: {  	v2 =	vmax.f32 v2, v4;
	v4 =	vld [tilespmem:s20+$0x80]  }
0x1aa: {  	v2 =	vmax.f32 v2, v5;
	v5 =	vld [tilespmem:s20+$0x90]  }
0x1ab: {  	v2 =	vmax.f32 v2, v6;
	v6 =	vld [tilespmem:s20+$0xA0]  }
.Ltmp18:
0x1ac: {  	v7 =	vmax.f32 v2, v7;
	v2 =	vld [tilespmem:s20+$0xB0];
	(pc) =	sbr.rel @p0 .LBB2_28-.Ltmp18, $4  }
0x1ad: {  	v7 =	vmax.f32 v7, v3;
	v3 =	vld [tilespmem:s20+$0xC0]  }
0x1ae: {  	v7 =	vmax.f32 v7, v4;
	v4 =	vld [tilespmem:s20+$0xD0]  }
0x1af: {  	v7 =	vmax.f32 v7, v5;
	v5 =	vld [tilespmem:s20+$0xE0]  }
0x1b0: {  	v7 =	vmax.f32 v7, v6;
	v6 =	vld [tilespmem:s20+$0xF0];
	s20 =	sshra.s32 s21, $0x2;
	s21 =	sadd.s32 $0x400, s21  }
0x1b1: {  	v8 =	vld [tilespmem:s20+$0x0];
	v2 =	vmax.f32 v7, v2  }
0x1b2: {  	v7 =	vld [tilespmem:s20+$0x10];
	v2 =	vmax.f32 v2, v3  }
0x1b3: {  	v3 =	vld [tilespmem:s20+$0x20];
	v2 =	vmax.f32 v2, v4  }
0x1b4: {  	v4 =	vld [tilespmem:s20+$0x30];
	v2 =	vmax.f32 v2, v5  }
0x1b5: {  	v5 =	vld [tilespmem:s20+$0x40];
	v2 =	vmax.f32 v2, v6  }
0x1b6: {  	v6 =	vld [tilespmem:s20+$0x50];
	v2 =	vmax.f32 v2, v8  }
0x1b7: {  	v2 =	vmax.f32 v2, v7;
	v7 =	vld [tilespmem:s20+$0x60]  }
0x1b8: {  	v2 =	vmax.f32 v2, v3;
	v3 =	vld [tilespmem:s20+$0x70]  }
0x1b9: {  	v2 =	vmax.f32 v2, v4;
	v4 =	vld [tilespmem:s20+$0x80]  }
0x1ba: {  	v2 =	vmax.f32 v2, v5;
	v5 =	vld [tilespmem:s20+$0x90]  }
0x1bb: {  	v2 =	vmax.f32 v2, v6;
	v6 =	vld [tilespmem:s20+$0xA0]  }
0x1bc: {  	v2 =	vmax.f32 v2, v7;
	v7 =	vld [tilespmem:s20+$0xB0]  }
0x1bd: {  	v2 =	vmax.f32 v2, v3;
	v3 =	vld [tilespmem:s20+$0xC0]  }
0x1be: {  	v2 =	vmax.f32 v2, v4;
	v4 =	vld [tilespmem:s20+$0xD0]  }
0x1bf: {  	v2 =	vmax.f32 v2, v5;
	v5 =	vld [tilespmem:s20+$0xE0]  }
0x1c0: {  	v2 =	vmax.f32 v2, v6;
	v6 =	vld [tilespmem:s20+$0xF0]  }
0x1c1: {  	v2 =	vmax.f32 v2, v7  }
0x1c2: {  	v2 =	vmax.f32 v2, v3  }
0x1c3: {  	v2 =	vmax.f32 v2, v4  }
0x1c4: {  	v2 =	vmax.f32 v2, v5  }
0x1c5: {  	v2 =	vmax.f32 v2, v6  }
0x1c6: {  	(xrf0) =	vmax.scan.msk.f32 $0xffff, v2;
	_ =	sdelay $0x1  }
0x1c7: {  	s31 =	simm.s32 $0x40  }
0x1c8: {  	v10 =	vld [tilespmem:s31+$0x10]  }
0x1c9: {  	v7 =	vld [tilespmem:s31+$0xFFFFFFC0]  }
0x1ca: {  	v3 =	vld [tilespmem:s31+$0x30]  }
0x1cb: {  	v4 =	vld [tilespmem:s31+$0x20];
	v2, _, _ =	vpop (xrf0)  }
0x1cc: {  	v5 =	vld [tilespmem:s31+$0x0];
	v2 =	vadd.f32 $-1.000000000e+00, v2  }
0x1cd: {  	v6 =	vld [tilespmem:s31+$0xFFFFFFF0]  }
0x1ce: {  	v8 =	vld [tilespmem:s31+$0xFFFFFFD0];
	v2 =	vbroadcast v2, $0xF  }
0x1cf: {  	v9 =	vld [tilespmem:s31+$0xFFFFFFE0]  }
0x1d0: {  	v11 =	vlaneseq.u32;
	vm0 =	vgt.f32 v3, v2  }
0x1d1: {  	vm1 =	vgt.f32 v5, v2;
	vm3 =	vgt.f32 v10, v2;
	vm4 =	vgt.f32 v4, v2  }
0x1d2: {  	vm5 =	vgt.f32 v7, v2;
	vm2 =	vgt.f32 v6, v2;
	v12 =	vmpcnt.ones.xlane vm0  }
0x1d3: {  	v15 =	vmpcnt.ones.xlane vm5;
	vm0 =	vgt.f32 v8, v2;
	v13 =	vmpcnt.ones.xlane vm4  }
0x1d4: {  	vm15 =	vgt.f32 v9, v2;
	v14 =	vmpcnt.ones.xlane vm3;
	v16 =	vmpcnt.ones.xlane vm0  }
0x1d5: {  	s21 =	simm.s32 $0xC0;
	s20 =	simm.s32 $0x0;
	v17 =	vmpcnt.ones.xlane vm15;
	vm0 =	vgt.s32 v15, $0x0;
	v15 =	vmpcnt.ones.xlane vm1  }
.LBB2_30:
0x1d6: {  	v18 =	vld [tilespmem:s21+$0x30];
	v19 =	vsel vm0, $0x10, v0;
	vm3 =	vgt.s32 v16, $0x0;
	v16 =	vmpcnt.ones.xlane vm2  }
0x1d7: {  	s20 =	sadd.s32 $0x8, s20;
	v20 =	vld [tilespmem:s21+$0x20];
	v19 =	vadd.s32 v11, v19;
	v21 =	vsel vm3, $0x10, v0;
	vm2 =	vgt.s32 v17, $0x0  }
0x1d8: {  	p0 =	slt.u32 s20, $0x7F8;
	v22 =	vld [tilespmem:s21+$0x10];
	v17 =	vadd.s32 v19, v21;
	v21 =	vsel vm2, $0x10, v0;
	vm4 =	vgt.s32 v16, $0x0  }
0x1d9: {  	vm1 =	vgt.s32 v15, $0x0;
	v23 =	vld [tilespmem:s21+$0x0];
	v16 =	vadd.s32 v17, v21;
	v21 =	vsel vm4, $0x10, v0  }
0x1da: {  	vm5 =	vgt.s32 v14, $0x0;
	v24 =	vsel vm1, $0x10, v0;
	v15 =	vld [tilespmem:s21+$0xFFFFFFF0];
	v21 =	vadd.s32 v16, v21  }
0x1db: {  	[tilespmem:v11+s16+$0x0] =	vst.idx.msk vm0, v7;
	v7 =	vld [tilespmem:s21+$0xFFFFFFC0];
	v14 =	vadd.s32 v21, v24;
	v11 =	vsel vm5, $0x10, v0;
	vm0 =	vgt.s32 v13, $0x0  }
0x1dc: {  	[tilespmem:v19+s16+$0x0] =	vst.idx.msk vm3, v8;
	v8 =	vld [tilespmem:s21+$0xFFFFFFD0];
	v19 =	vadd.s32 v14, v11;
	v11 =	vsel vm0, $0x10, v0;
	vm3 =	vgt.s32 v12, $0x0  }
0x1dd: {  	[tilespmem:v17+s16+$0x0] =	vst.idx.msk vm2, v9;
	v9 =	vld [tilespmem:s21+$0xFFFFFFE0];
	v17 =	vadd.s32 v19, v11;
	v11 =	vsel vm3, $0x10, v0  }
0x1de: {  	vm6 =	vgt.f32 v18, v2;
	[tilespmem:v16+s16+$0x0] =	vst.idx.msk vm4, v6;
	v11 =	vadd.s32 v17, v11  }
.Ltmp19:
0x1df: {  	vm8 =	vgt.f32 v20, v2;
	vm7 =	vgt.f32 v22, v2;
	vm4 =	vgt.f32 v23, v2;
	v6 =	vmovc v15;
	(pc) =	sbr.rel @p0 .LBB2_30-.Ltmp19, $4  }
0x1e0: {  	v12 =	vmpcnt.ones.xlane vm6;
	vm9 =	vgt.f32 v7, v2;
	vm2 =	vgt.f32 v6, v2;
	[tilespmem:v14+s16+$0x0] =	vst.idx.msk vm5, v10  }
0x1e1: {  	v13 =	vmpcnt.ones.xlane vm8;
	v24 =	vmpcnt.ones.xlane vm9;
	vm5 =	vgt.f32 v8, v2;
	[tilespmem:v19+s16+$0x0] =	vst.idx.msk vm0, v4;
	v4 =	vmovc v20  }
0x1e2: {  	v14 =	vmpcnt.ones.xlane vm7;
	v16 =	vmpcnt.ones.xlane vm5;
	vm5 =	vgt.f32 v9, v2;
	[tilespmem:v17+s16+$0x0] =	vst.idx.msk vm3, v3;
	v3 =	vmovc v18  }
0x1e3: {  	s21 =	sadd.s32 $0x80, s21;
	v15 =	vmpcnt.ones.xlane vm4;
	v10 =	vmovc v22;
	vm0 =	vgt.s32 v24, $0x0;
	v17 =	vmpcnt.ones.xlane vm5;
	[tilespmem:v21+s16+$0x0] =	vst.idx.msk vm1, v5;
	v5 =	vmovc v23  }
0x1e4: {  	v18 =	vsel vm0, $0x10, v0;
	vm1 =	vgt.s32 v16, $0x0;
	v51 =	vmpcnt.ones.xlane vm2  }
0x1e5: {  	v18 =	vadd.s32 v11, v18;
	v19 =	vsel vm1, $0x10, v0;
	vm15 =	vgt.s32 v17, $0x0  }
0x1e6: {  	v52 =	vadd.s32 v18, v19;
	v53 =	vsel vm15, $0x10, v0;
	vm3 =	vgt.s32 v51, $0x0  }
0x1e7: {  	vm4 =	vgt.s32 v15, $0x0;
	v54 =	vadd.s32 v52, v53;
	v55 =	vsel vm3, $0x10, v0  }
0x1e8: {  	vm5 =	vgt.s32 v14, $0x0;
	v57 =	vsel vm4, $0x10, v0;
	v56 =	vadd.s32 v54, v55  }
0x1e9: {  	vm6 =	vgt.s32 v13, $0x0;
	v59 =	vsel vm5, $0x10, v0;
	v58 =	vadd.s32 v56, v57  }
0x1ea: {  	vm7 =	vgt.s32 v12, $0x0;
	v61 =	vsel vm6, $0x10, v0;
	v60 =	vadd.s32 v58, v59  }
0x1eb: {  	v63 =	vsel vm7, $0x10, v0;
	v62 =	vadd.s32 v60, v61  }
0x1ec: {  	v19 =	vadd.s32 v62, v63  }
0x1ed: {  	v19 =	vxor.u32 $0x80000000, v19  }
0x1ee: {  	(xrf0) =	vmax.scan.msk.u32 $0xffff, v19;
	_ =	sdelay $0x5  }
0x1ef: {  	v19, _, _ =	vpop (xrf0)  }
0x1f0: {  	(v2sf) =	vpush v19, $0xF;
	_ =	sdelay $0xc  }
0x1f1: {  	[tilespmem:v11+s16+$0x0] =	vst.idx.msk vm0, v7  }
0x1f2: {  	[tilespmem:v18+s16+$0x0] =	vst.idx.msk vm1, v8  }
0x1f3: {  	[tilespmem:v52+s16+$0x0] =	vst.idx.msk vm15, v9;
	s20 =	spop (v2sf)  }
.Ltmp20:
0x1f4: {  	[tilespmem:v54+s16+$0x0] =	vst.idx.msk vm3, v6;
	s21 =	sadd.s32 $0x7FFFFFF1, s20;
	(pc) =	sbr.rel .LBB2_32-.Ltmp20, $4  }
0x1f5: {  	[tilespmem:v56+s16+$0x0] =	vst.idx.msk vm4, v5;
	s20 =	sshra.s32 s21, $0x1F  }
0x1f6: {  	[tilespmem:v58+s16+$0x0] =	vst.idx.msk vm5, v10;
	s20 =	sshrl.u32 s20, $0x1C  }
0x1f7: {  	[tilespmem:v60+s16+$0x0] =	vst.idx.msk vm6, v4;
	s20 =	sadd.s32 s20, s21  }
0x1f8: {  	[tilespmem:v62+s16+$0x0] =	vst.idx.msk vm7, v3;
	p0 =	slt.s32 s21, $0x10;
	s20 =	sshra.s32 s20, $0x4  }
.LBB2_33:
0x1f9: {  	v4 =	vimm.f32 $0.0e+00  }
.LBB2_37:
0x1fa: {  	(xrf2) =	vadd.scan.msk.f32 $0xffff, v3  }
0x1fb: {  	(xrf2) =	vadd.scan.msk.f32 $0xffff, v4;
	_ =	sdelay $0x8  }
0x1fc: {  	v3, _, _ =	vpop (xrf2)  }
0x1fd: {  	v4, _, _ =	vpop (xrf2)  }
0x1fe: {  	v4 =	vbroadcast v4, $0xF;
	_ =	sdelay $0x1  }
0x1ff: {  	(erf) = vrcp.f32 v4;
	_ =	sdelay $0x5  }
0x200: {  	v3 =	vadd.f32 $-1.000000000e+00, v3;
	_ =	sdelay $0x1  }
0x201: {  	v3 =	vbroadcast v3, $0xF  }
0x202: {  	v4 =	vpop (erf)  }
0x203: {  	v3 =	vmul.f32 v4, v3;
	_ =	sdelay $0x1  }
0x204: {  	v3 =	vmax.f32 v2, v3  }
0x205: {  	vm0 =	veq.f32 v3, v2  }
0x206: {  	v2 =	vsel vm0, $0x3F800000, v1  }
0x207: {  	(xrf0) =	vmin.scan.msk.f32 $0xffff, v2;
	_ =	sdelay $0x5  }
0x208: {  	v2, _, _ =	vpop (xrf0)  }
0x209: {  	(v2sf) =	vpush v2, $0xF;
	_ =	sdelay $0xe  }
0x20a: {  	s21 =	spop (v2sf)  }
0x20b: {  	p1 =	sgt.f32 s21, $0.0e+00  }
.Ltmp21:
0x20c: {  	_ = 	snop;
	(pc) =	sbr.rel @p1 .LBB2_38-.Ltmp21, $2  }
0x20d: {  	_ =	sdelay $0x2  }
0x20e: {  	v2 =	vmov v3  }
.LBB2_32:
.Ltmp22:
0x20f: {  	(pc) =	sbr.rel @p0 .LBB2_33-.Ltmp22, $2  }
0x210: {  	_ =	sdelay $0x2  }
0x211: {  	v3 =	vimm.f32 $0.0e+00;
	s22 =	simm.s32 $0x10000  }
0x212: {  	v4 =	vld [tilespmem:s22+$0x0];
	p1 =	sne.s32 s20, $0x1  }
.Ltmp23:
0x213: {  	_ = 	snop;
	(pc) =	sbr.rel @!p1 .LBB2_36-.Ltmp23, $2  }
0x214: {  	_ =	sdelay $0x2  }
0x215: {  	s21 =	sadd.s32 $0xFFFFFFFF, s20;
	s22 =	sadd.s32 $0x10, s22;
	v5 =	vimm.f32 $0.0e+00;
	vm0 =	vgt.f32 v4, v2  }
.LBB2_35:
0x216: {  	p1 =	sne.s32 s21, $0x1;
	s21 =	sadd.s32 $0xFFFFFFFF, s21;
	v6 =	vnsel vm0, $0x0, v4;
	v4 =	vld [tilespmem:s22+$0x0];
	v7 =	vsel vm0, $0x3F800000, v1  }
.Ltmp24:
0x217: {  	v3 =	vadd.f32 v6, v3;
	v5 =	vadd.f32 v7, v5;
	(pc) =	sbr.rel @p1 .LBB2_35-.Ltmp24, $2  }
0x218: {  	_ =	sdelay $0x2  }
0x219: {  	s22 =	sadd.s32 $0x10, s22;
	vm0 =	vgt.f32 v4, v2  }
.LBB2_36:
.Ltmp25:
0x21a: {  	(pc) =	sbr.rel .LBB2_37-.Ltmp25, $4  }
0x21b: {  	_ = 	snop  }
0x21c: {  	v4 =	vnsel vm0, $0x0, v4  }
0x21d: {  	v6 =	vsel vm0, $0x3F800000, v1;
	v3 =	vadd.f32 v4, v3  }
0x21e: {  	v4 =	vadd.f32 v6, v5  }
.LBB2_38:
0x21f: {  	_ =	swait.ge [sflag:s18], $0x8000  }
0x220: {  	[sflag:s18] =	ssyncset.done $0x0  }
0x221: {  	s20 =	simm.s32 $0x0;
	[sflag:s18] =	ssyncadd.s32 $0xFFFF8000  }
0x222: {  	[tilespmem:s15], [sflag:$0x2] =	stream.strided.gather [hbm4b:s8+s12], $0x8000, s13, s12, $0x38;
	[tilespmem:$0x18000] =	vst v63  }
0x223: {  	v2 =	vld [tilespmem:s20+$0x0]  }
0x224: {  	v4 =	vld [tilespmem:s20+$0x10];
	_ =	sdelay $0x1  }
0x225: {  	v5 =	vld [tilespmem:s20+$0x20]  }
0x226: {  	v6 =	vld [tilespmem:s20+$0x30]  }
0x227: {  	v2 =	vsub.f32 v2, v3  }
0x228: {  	v7 =	vld [tilespmem:s20+$0x40];
	v4 =	vsub.f32 v4, v3  }
0x229: {  	v8 =	vld [tilespmem:s20+$0x50];
	v2 =	vmax.f32 v2, $0.0e+00  }
0x22a: {  	v4 =	vmax.f32 v4, $0.0e+00;
	[tilespmem:s20+$0x0] =	vst v2;
	v2 =	vsub.f32 v5, v3  }
0x22b: {  	v9 =	vld [tilespmem:s20+$0x60];
	[tilespmem:s20+$0x10] =	vst v4;
	v4 =	vsub.f32 v6, v3  }
0x22c: {  	v10 =	vld [tilespmem:s20+$0x70];
	v2 =	vmax.f32 v2, $0.0e+00  }
0x22d: {  	v11 =	vld [tilespmem:s20+$0x80];
	v5 =	vmax.f32 v4, $0.0e+00;
	[tilespmem:s20+$0x20] =	vst v2;
	v2 =	vsub.f32 v7, v3  }
0x22e: {  	v12 =	vld [tilespmem:s20+$0x90];
	[tilespmem:s20+$0x30] =	vst v5;
	v5 =	vsub.f32 v8, v3  }
0x22f: {  	v4 =	vld [tilespmem:s20+$0xA0];
	v6 =	vmax.f32 v2, $0.0e+00  }
0x230: {  	v2 =	vld [tilespmem:s20+$0xB0];
	v7 =	vmax.f32 v5, $0.0e+00;
	[tilespmem:s20+$0x40] =	vst v6;
	v6 =	vsub.f32 v9, v3  }
0x231: {  	v5 =	vld [tilespmem:s20+$0xC0];
	[tilespmem:s20+$0x50] =	vst v7;
	v7 =	vsub.f32 v10, v3  }
0x232: {  	v9 =	vsub.f32 v11, v3;
	v8 =	vmax.f32 v6, $0.0e+00;
	v6 =	vld [tilespmem:s20+$0xD0]  }
0x233: {  	s21 =	simm.s32 $0x400;
	v10 =	vmax.f32 v7, $0.0e+00;
	v7 =	vld [tilespmem:s20+$0xE0];
	[tilespmem:s20+$0x60] =	vst v8;
	v8 =	vsub.f32 v12, v3  }
.LBB2_39:
0x234: {  	s22 =	sshra.s32 s21, $0x2;
	p0 =	sne.s32 s21, $0x1FC00;
	[tilespmem:s20+$0x70] =	vst v10;
	v9 =	vmax.f32 v9, $0.0e+00;
	v4 =	vsub.f32 v4, v3;
	v10 =	vld [tilespmem:s20+$0xF0]  }
0x235: {  	v11 =	vld [tilespmem:s22+$0x0];
	[tilespmem:s20+$0x80] =	vst v9;
	v8 =	vmax.f32 v8, $0.0e+00;
	v2 =	vsub.f32 v2, v3  }
0x236: {  	v9 =	vld [tilespmem:s22+$0x10];
	[tilespmem:s20+$0x90] =	vst v8;
	v4 =	vmax.f32 v4, $0.0e+00;
	v5 =	vsub.f32 v5, v3  }
0x237: {  	v8 =	vld [tilespmem:s22+$0x20];
	[tilespmem:s20+$0xA0] =	vst v4;
	v2 =	vmax.f32 v2, $0.0e+00;
	v4 =	vsub.f32 v6, v3  }
0x238: {  	v6 =	vld [tilespmem:s22+$0x30];
	[tilespmem:s20+$0xB0] =	vst v2;
	v2 =	vmax.f32 v5, $0.0e+00;
	v5 =	vsub.f32 v7, v3  }
0x239: {  	v7 =	vld [tilespmem:s22+$0x40];
	[tilespmem:s20+$0xC0] =	vst v2;
	v2 =	vmax.f32 v4, $0.0e+00;
	v4 =	vsub.f32 v10, v3  }
0x23a: {  	v10 =	vsub.f32 v11, v3;
	v11 =	vld [tilespmem:s22+$0x50];
	[tilespmem:s20+$0xD0] =	vst v2;
	v2 =	vmax.f32 v5, $0.0e+00  }
0x23b: {  	v5 =	vsub.f32 v9, v3;
	v9 =	vld [tilespmem:s22+$0x60];
	[tilespmem:s20+$0xE0] =	vst v2;
	v2 =	vmax.f32 v4, $0.0e+00  }
0x23c: {  	v4 =	vmax.f32 v10, $0.0e+00;
	v8 =	vsub.f32 v8, v3;
	v10 =	vld [tilespmem:s22+$0x70];
	[tilespmem:s20+$0xF0] =	vst v2;
	s20 =	smov.u32 s22  }
0x23d: {  	[tilespmem:s20+$0x0] =	vst v4;
	v2 =	vmax.f32 v5, $0.0e+00;
	v4 =	vsub.f32 v6, v3;
	v6 =	vld [tilespmem:s20+$0x80]  }
0x23e: {  	[tilespmem:s20+$0x10] =	vst v2;
	v2 =	vmax.f32 v8, $0.0e+00;
	v5 =	vsub.f32 v7, v3;
	v7 =	vld [tilespmem:s20+$0x90]  }
.Ltmp26:
0x23f: {  	[tilespmem:s20+$0x20] =	vst v2;
	v2 =	vmax.f32 v4, $0.0e+00;
	v8 =	vsub.f32 v11, v3;
	v4 =	vld [tilespmem:s20+$0xA0];
	(pc) =	sbr.rel @p0 .LBB2_39-.Ltmp26, $4  }
0x240: {  	[tilespmem:s20+$0x30] =	vst v2;
	v5 =	vmax.f32 v5, $0.0e+00;
	v9 =	vsub.f32 v9, v3;
	v2 =	vld [tilespmem:s20+$0xB0]  }
0x241: {  	[tilespmem:s20+$0x40] =	vst v5;
	v8 =	vmax.f32 v8, $0.0e+00;
	v10 =	vsub.f32 v10, v3;
	v5 =	vld [tilespmem:s20+$0xC0]  }
0x242: {  	[tilespmem:s20+$0x50] =	vst v8;
	v8 =	vmax.f32 v9, $0.0e+00;
	v9 =	vsub.f32 v6, v3;
	v6 =	vld [tilespmem:s20+$0xD0]  }
0x243: {  	s21 =	sadd.s32 $0x400, s21;
	[tilespmem:s20+$0x60] =	vst v8;
	v10 =	vmax.f32 v10, $0.0e+00;
	v8 =	vsub.f32 v7, v3;
	v7 =	vld [tilespmem:s20+$0xE0]  }
0x244: {  	[tilespmem:s20+$0x70] =	vst v10;
	v9 =	vmax.f32 v9, $0.0e+00;
	v4 =	vsub.f32 v4, v3;
	v63 =	vld [tilespmem:s20+$0xF0]  }
0x245: {  	[tilespmem:s20+$0x80] =	vst v9;
	v8 =	vmax.f32 v8, $0.0e+00;
	v2 =	vsub.f32 v2, v3  }
0x246: {  	[tilespmem:s20+$0x90] =	vst v8;
	v4 =	vmax.f32 v4, $0.0e+00;
	v5 =	vsub.f32 v5, v3  }
0x247: {  	[tilespmem:s20+$0xA0] =	vst v4;
	v2 =	vmax.f32 v2, $0.0e+00;
	v4 =	vsub.f32 v6, v3  }
0x248: {  	[tilespmem:s20+$0xB0] =	vst v2;
	v2 =	vmax.f32 v5, $0.0e+00;
	v5 =	vsub.f32 v7, v3  }
0x249: {  	[tilespmem:s20+$0xC0] =	vst v2;
	v2 =	vmax.f32 v4, $0.0e+00;
	v3 =	vsub.f32 v63, v3  }
0x24a: {  	[tilespmem:s20+$0xD0] =	vst v2;
	v2 =	vmax.f32 v5, $0.0e+00  }
0x24b: {  	[tilespmem:s20+$0xE0] =	vst v2;
	v2 =	vmax.f32 v3, $0.0e+00  }
0x24c: {  	s31 =	simm.s32 $0x0;
	[tilespmem:s20+$0xF0] =	vst v2  }
0x24d: {  	[hbm4b:s9+s12] =	stream.strided.scatter [tilespmem:s31], [sflag:$0x3], $0x8000, s13, s12, $0x38;
	[tilespmem:$0x18000] =	vst v63  }
0x24e: {  	_ =	swait.ge [sflag:s17], $0x8000  }
0x24f: {  	[sflag:s17] =	ssyncset.done $0x0  }
0x250: {  	s22 =	simm.s32 $0x0;
	[sflag:s17] =	ssyncadd.s32 $0xFFFF8000  }
0x251: {  	v2 =	vld [tilespmem:s22+$0x8000]  }
0x252: {  	v3 =	vld [tilespmem:s22+$0x8010]  }
0x253: {  	v4 =	vld [tilespmem:s22+$0x8020]  }
0x254: {  	v5 =	vld [tilespmem:s22+$0x8030]  }
0x255: {  	v6 =	vimm.f32 $-Inf;
	v7 =	vld [tilespmem:s22+$0x8040]  }
0x256: {  	v2 =	vmax.f32 v6, v2;
	v6 =	vld [tilespmem:s22+$0x8050]  }
0x257: {  	v2 =	vmax.f32 v2, v3;
	v3 =	vld [tilespmem:s22+$0x8060]  }
0x258: {  	v2 =	vmax.f32 v2, v4;
	v4 =	vld [tilespmem:s22+$0x8070]  }
0x259: {  	v2 =	vmax.f32 v2, v5;
	v5 =	vld [tilespmem:s22+$0x8080]  }
0x25a: {  	v2 =	vmax.f32 v2, v7;
	v7 =	vld [tilespmem:s22+$0x8090]  }
0x25b: {  	v2 =	vmax.f32 v2, v6;
	v6 =	vld [tilespmem:s22+$0x80A0]  }
0x25c: {  	v3 =	vmax.f32 v2, v3;
	v2 =	vld [tilespmem:s22+$0x80B0]  }
0x25d: {  	v4 =	vmax.f32 v3, v4;
	v3 =	vld [tilespmem:s22+$0x80C0]  }
0x25e: {  	v5 =	vmax.f32 v4, v5;
	v4 =	vld [tilespmem:s22+$0x80D0]  }
0x25f: {  	v7 =	vmax.f32 v5, v7;
	v5 =	vld [tilespmem:s22+$0x80E0]  }
0x260: {  	s21 =	simm.s32 $0x800;
	s20 =	simm.s32 $0x100;
	v7 =	vmax.f32 v7, v6;
	v6 =	vld [tilespmem:s22+$0x80F0]  }
.LBB2_41:
0x261: {  	p0 =	sne.s32 s21, $0x1FC00;
	v8 =	vld [tilespmem:s20+$0x8000];
	v2 =	vmax.f32 v7, v2  }
0x262: {  	v7 =	vld [tilespmem:s20+$0x8010];
	v2 =	vmax.f32 v2, v3  }
0x263: {  	v3 =	vld [tilespmem:s20+$0x8020];
	v2 =	vmax.f32 v2, v4  }
0x264: {  	v4 =	vld [tilespmem:s20+$0x8030];
	v2 =	vmax.f32 v2, v5  }
0x265: {  	v5 =	vld [tilespmem:s20+$0x8040];
	v2 =	vmax.f32 v2, v6  }
0x266: {  	v2 =	vmax.f32 v2, v8;
	v6 =	vld [tilespmem:s20+$0x8050]  }
0x267: {  	v2 =	vmax.f32 v2, v7;
	v7 =	vld [tilespmem:s20+$0x8060]  }
0x268: {  	v2 =	vmax.f32 v2, v3;
	v3 =	vld [tilespmem:s20+$0x8070]  }
0x269: {  	v2 =	vmax.f32 v2, v4;
	v4 =	vld [tilespmem:s20+$0x8080]  }
0x26a: {  	v2 =	vmax.f32 v2, v5;
	v5 =	vld [tilespmem:s20+$0x8090]  }
0x26b: {  	v2 =	vmax.f32 v2, v6;
	v6 =	vld [tilespmem:s20+$0x80A0]  }
.Ltmp27:
0x26c: {  	v7 =	vmax.f32 v2, v7;
	v2 =	vld [tilespmem:s20+$0x80B0];
	(pc) =	sbr.rel @p0 .LBB2_41-.Ltmp27, $4  }
0x26d: {  	v7 =	vmax.f32 v7, v3;
	v3 =	vld [tilespmem:s20+$0x80C0]  }
0x26e: {  	v7 =	vmax.f32 v7, v4;
	v4 =	vld [tilespmem:s20+$0x80D0]  }
0x26f: {  	v7 =	vmax.f32 v7, v5;
	v5 =	vld [tilespmem:s20+$0x80E0]  }
0x270: {  	v7 =	vmax.f32 v7, v6;
	v6 =	vld [tilespmem:s20+$0x80F0];
	s20 =	sshra.s32 s21, $0x2;
	s21 =	sadd.s32 $0x400, s21  }
0x271: {  	v8 =	vld [tilespmem:s20+$0x8000];
	v2 =	vmax.f32 v7, v2  }
0x272: {  	v7 =	vld [tilespmem:s20+$0x8010];
	v2 =	vmax.f32 v2, v3  }
0x273: {  	v3 =	vld [tilespmem:s20+$0x8020];
	v2 =	vmax.f32 v2, v4  }
0x274: {  	v4 =	vld [tilespmem:s20+$0x8030];
	v2 =	vmax.f32 v2, v5  }
0x275: {  	v5 =	vld [tilespmem:s20+$0x8040];
	v2 =	vmax.f32 v2, v6  }
0x276: {  	v6 =	vld [tilespmem:s20+$0x8050];
	v2 =	vmax.f32 v2, v8  }
0x277: {  	v2 =	vmax.f32 v2, v7;
	v7 =	vld [tilespmem:s20+$0x8060]  }
0x278: {  	v2 =	vmax.f32 v2, v3;
	v3 =	vld [tilespmem:s20+$0x8070]  }
0x279: {  	v2 =	vmax.f32 v2, v4;
	v4 =	vld [tilespmem:s20+$0x8080]  }
0x27a: {  	v2 =	vmax.f32 v2, v5;
	v5 =	vld [tilespmem:s20+$0x8090]  }
0x27b: {  	v2 =	vmax.f32 v2, v6;
	v6 =	vld [tilespmem:s20+$0x80A0]  }
0x27c: {  	v2 =	vmax.f32 v2, v7;
	v7 =	vld [tilespmem:s20+$0x80B0]  }
0x27d: {  	v2 =	vmax.f32 v2, v3;
	v3 =	vld [tilespmem:s20+$0x80C0]  }
0x27e: {  	v2 =	vmax.f32 v2, v4;
	v4 =	vld [tilespmem:s20+$0x80D0]  }
0x27f: {  	v2 =	vmax.f32 v2, v5;
	v5 =	vld [tilespmem:s20+$0x80E0]  }
0x280: {  	v2 =	vmax.f32 v2, v6;
	v6 =	vld [tilespmem:s20+$0x80F0]  }
0x281: {  	v2 =	vmax.f32 v2, v7  }
0x282: {  	v2 =	vmax.f32 v2, v3  }
0x283: {  	v2 =	vmax.f32 v2, v4  }
0x284: {  	v2 =	vmax.f32 v2, v5  }
0x285: {  	v2 =	vmax.f32 v2, v6  }
0x286: {  	(xrf0) =	vmax.scan.msk.f32 $0xffff, v2;
	_ =	sdelay $0x1  }
0x287: {  	s31 =	simm.s32 $0x8040  }
0x288: {  	v10 =	vld [tilespmem:s31+$0x10]  }
0x289: {  	v7 =	vld [tilespmem:s31+$0xFFFFFFC0]  }
0x28a: {  	v3 =	vld [tilespmem:s31+$0x30]  }
0x28b: {  	v4 =	vld [tilespmem:s31+$0x20];
	v2, _, _ =	vpop (xrf0)  }
0x28c: {  	v5 =	vld [tilespmem:s31+$0x0];
	v2 =	vadd.f32 $-1.000000000e+00, v2  }
0x28d: {  	v6 =	vld [tilespmem:s31+$0xFFFFFFF0]  }
0x28e: {  	v8 =	vld [tilespmem:s31+$0xFFFFFFD0];
	v2 =	vbroadcast v2, $0xF  }
0x28f: {  	v9 =	vld [tilespmem:s31+$0xFFFFFFE0]  }
0x290: {  	v11 =	vlaneseq.u32;
	vm0 =	vgt.f32 v3, v2  }
0x291: {  	vm1 =	vgt.f32 v5, v2;
	vm3 =	vgt.f32 v10, v2;
	vm4 =	vgt.f32 v4, v2  }
0x292: {  	vm5 =	vgt.f32 v7, v2;
	vm2 =	vgt.f32 v6, v2;
	v12 =	vmpcnt.ones.xlane vm0  }
0x293: {  	v15 =	vmpcnt.ones.xlane vm5;
	vm0 =	vgt.f32 v8, v2;
	v13 =	vmpcnt.ones.xlane vm4  }
0x294: {  	vm15 =	vgt.f32 v9, v2;
	v14 =	vmpcnt.ones.xlane vm3;
	v16 =	vmpcnt.ones.xlane vm0  }
0x295: {  	s21 =	simm.s32 $0x80C0;
	s20 =	simm.s32 $0x0;
	v17 =	vmpcnt.ones.xlane vm15;
	vm0 =	vgt.s32 v15, $0x0;
	v15 =	vmpcnt.ones.xlane vm1  }
.LBB2_43:
0x296: {  	v18 =	vld [tilespmem:s21+$0x30];
	v19 =	vsel vm0, $0x10, v0;
	vm3 =	vgt.s32 v16, $0x0;
	v16 =	vmpcnt.ones.xlane vm2  }
0x297: {  	s20 =	sadd.s32 $0x8, s20;
	v20 =	vld [tilespmem:s21+$0x20];
	v19 =	vadd.s32 v11, v19;
	v21 =	vsel vm3, $0x10, v0;
	vm2 =	vgt.s32 v17, $0x0  }
0x298: {  	p0 =	slt.u32 s20, $0x7F8;
	v22 =	vld [tilespmem:s21+$0x10];
	v17 =	vadd.s32 v19, v21;
	v21 =	vsel vm2, $0x10, v0;
	vm4 =	vgt.s32 v16, $0x0  }
0x299: {  	vm1 =	vgt.s32 v15, $0x0;
	v23 =	vld [tilespmem:s21+$0x0];
	v16 =	vadd.s32 v17, v21;
	v21 =	vsel vm4, $0x10, v0  }
0x29a: {  	vm5 =	vgt.s32 v14, $0x0;
	v24 =	vsel vm1, $0x10, v0;
	v15 =	vld [tilespmem:s21+$0xFFFFFFF0];
	v21 =	vadd.s32 v16, v21  }
0x29b: {  	[tilespmem:v11+s16+$0x0] =	vst.idx.msk vm0, v7;
	v7 =	vld [tilespmem:s21+$0xFFFFFFC0];
	v14 =	vadd.s32 v21, v24;
	v11 =	vsel vm5, $0x10, v0;
	vm0 =	vgt.s32 v13, $0x0  }
0x29c: {  	[tilespmem:v19+s16+$0x0] =	vst.idx.msk vm3, v8;
	v8 =	vld [tilespmem:s21+$0xFFFFFFD0];
	v19 =	vadd.s32 v14, v11;
	v11 =	vsel vm0, $0x10, v0;
	vm3 =	vgt.s32 v12, $0x0  }
0x29d: {  	[tilespmem:v17+s16+$0x0] =	vst.idx.msk vm2, v9;
	v9 =	vld [tilespmem:s21+$0xFFFFFFE0];
	v17 =	vadd.s32 v19, v11;
	v11 =	vsel vm3, $0x10, v0  }
0x29e: {  	vm6 =	vgt.f32 v18, v2;
	[tilespmem:v16+s16+$0x0] =	vst.idx.msk vm4, v6;
	v11 =	vadd.s32 v17, v11  }
.Ltmp28:
0x29f: {  	vm8 =	vgt.f32 v20, v2;
	vm7 =	vgt.f32 v22, v2;
	vm4 =	vgt.f32 v23, v2;
	v6 =	vmovc v15;
	(pc) =	sbr.rel @p0 .LBB2_43-.Ltmp28, $4  }
0x2a0: {  	v12 =	vmpcnt.ones.xlane vm6;
	vm9 =	vgt.f32 v7, v2;
	vm2 =	vgt.f32 v6, v2;
	[tilespmem:v14+s16+$0x0] =	vst.idx.msk vm5, v10  }
0x2a1: {  	v13 =	vmpcnt.ones.xlane vm8;
	v24 =	vmpcnt.ones.xlane vm9;
	vm5 =	vgt.f32 v8, v2;
	[tilespmem:v19+s16+$0x0] =	vst.idx.msk vm0, v4;
	v4 =	vmovc v20  }
0x2a2: {  	v14 =	vmpcnt.ones.xlane vm7;
	v16 =	vmpcnt.ones.xlane vm5;
	vm5 =	vgt.f32 v9, v2;
	[tilespmem:v17+s16+$0x0] =	vst.idx.msk vm3, v3;
	v3 =	vmovc v18  }
0x2a3: {  	s21 =	sadd.s32 $0x80, s21;
	v15 =	vmpcnt.ones.xlane vm4;
	v10 =	vmovc v22;
	vm0 =	vgt.s32 v24, $0x0;
	v17 =	vmpcnt.ones.xlane vm5;
	[tilespmem:v21+s16+$0x0] =	vst.idx.msk vm1, v5;
	v5 =	vmovc v23  }
0x2a4: {  	v18 =	vsel vm0, $0x10, v0;
	vm1 =	vgt.s32 v16, $0x0;
	v51 =	vmpcnt.ones.xlane vm2  }
0x2a5: {  	v18 =	vadd.s32 v11, v18;
	v19 =	vsel vm1, $0x10, v0;
	vm15 =	vgt.s32 v17, $0x0  }
0x2a6: {  	v52 =	vadd.s32 v18, v19;
	v53 =	vsel vm15, $0x10, v0;
	vm3 =	vgt.s32 v51, $0x0  }
0x2a7: {  	vm4 =	vgt.s32 v15, $0x0;
	v54 =	vadd.s32 v52, v53;
	v55 =	vsel vm3, $0x10, v0  }
0x2a8: {  	vm5 =	vgt.s32 v14, $0x0;
	v57 =	vsel vm4, $0x10, v0;
	v56 =	vadd.s32 v54, v55  }
0x2a9: {  	vm6 =	vgt.s32 v13, $0x0;
	v59 =	vsel vm5, $0x10, v0;
	v58 =	vadd.s32 v56, v57  }
0x2aa: {  	vm7 =	vgt.s32 v12, $0x0;
	v61 =	vsel vm6, $0x10, v0;
	v60 =	vadd.s32 v58, v59  }
0x2ab: {  	v63 =	vsel vm7, $0x10, v0;
	v62 =	vadd.s32 v60, v61  }
0x2ac: {  	v19 =	vadd.s32 v62, v63  }
0x2ad: {  	v19 =	vxor.u32 $0x80000000, v19  }
0x2ae: {  	(xrf0) =	vmax.scan.msk.u32 $0xffff, v19;
	_ =	sdelay $0x5  }
0x2af: {  	v19, _, _ =	vpop (xrf0)  }
0x2b0: {  	(v2sf) =	vpush v19, $0xF;
	_ =	sdelay $0xc  }
0x2b1: {  	[tilespmem:v11+s16+$0x0] =	vst.idx.msk vm0, v7  }
0x2b2: {  	[tilespmem:v18+s16+$0x0] =	vst.idx.msk vm1, v8  }
0x2b3: {  	[tilespmem:v52+s16+$0x0] =	vst.idx.msk vm15, v9;
	s20 =	spop (v2sf)  }
.Ltmp29:
0x2b4: {  	[tilespmem:v54+s16+$0x0] =	vst.idx.msk vm3, v6;
	s21 =	sadd.s32 $0x7FFFFFF1, s20;
	(pc) =	sbr.rel .LBB2_45-.Ltmp29, $4  }
0x2b5: {  	[tilespmem:v56+s16+$0x0] =	vst.idx.msk vm4, v5;
	s20 =	sshra.s32 s21, $0x1F  }
0x2b6: {  	[tilespmem:v58+s16+$0x0] =	vst.idx.msk vm5, v10;
	s20 =	sshrl.u32 s20, $0x1C  }
0x2b7: {  	[tilespmem:v60+s16+$0x0] =	vst.idx.msk vm6, v4;
	s20 =	sadd.s32 s20, s21  }
0x2b8: {  	[tilespmem:v62+s16+$0x0] =	vst.idx.msk vm7, v3;
	p0 =	slt.s32 s21, $0x10;
	s20 =	sshra.s32 s20, $0x4  }
.LBB2_46:
0x2b9: {  	v4 =	vimm.f32 $0.0e+00  }
.LBB2_50:
0x2ba: {  	(xrf2) =	vadd.scan.msk.f32 $0xffff, v3  }
0x2bb: {  	(xrf2) =	vadd.scan.msk.f32 $0xffff, v4;
	_ =	sdelay $0x8  }
0x2bc: {  	v3, _, _ =	vpop (xrf2)  }
0x2bd: {  	v4, _, _ =	vpop (xrf2)  }
0x2be: {  	v4 =	vbroadcast v4, $0xF;
	_ =	sdelay $0x1  }
0x2bf: {  	(erf) = vrcp.f32 v4;
	_ =	sdelay $0x5  }
0x2c0: {  	v3 =	vadd.f32 $-1.000000000e+00, v3;
	_ =	sdelay $0x1  }
0x2c1: {  	v3 =	vbroadcast v3, $0xF  }
0x2c2: {  	v4 =	vpop (erf)  }
0x2c3: {  	v3 =	vmul.f32 v4, v3;
	_ =	sdelay $0x1  }
0x2c4: {  	v3 =	vmax.f32 v2, v3  }
0x2c5: {  	vm0 =	veq.f32 v3, v2  }
0x2c6: {  	v2 =	vsel vm0, $0x3F800000, v1  }
0x2c7: {  	(xrf0) =	vmin.scan.msk.f32 $0xffff, v2;
	_ =	sdelay $0x5  }
0x2c8: {  	v2, _, _ =	vpop (xrf0)  }
0x2c9: {  	(v2sf) =	vpush v2, $0xF;
	_ =	sdelay $0xe  }
0x2ca: {  	s21 =	spop (v2sf)  }
0x2cb: {  	p1 =	sgt.f32 s21, $0.0e+00  }
.Ltmp30:
0x2cc: {  	_ = 	snop;
	(pc) =	sbr.rel @p1 .LBB2_51-.Ltmp30, $2  }
0x2cd: {  	_ =	sdelay $0x2  }
0x2ce: {  	v2 =	vmov v3  }
.LBB2_45:
.Ltmp31:
0x2cf: {  	(pc) =	sbr.rel @p0 .LBB2_46-.Ltmp31, $2  }
0x2d0: {  	_ =	sdelay $0x2  }
0x2d1: {  	v3 =	vimm.f32 $0.0e+00;
	s22 =	simm.s32 $0x10000  }
0x2d2: {  	v4 =	vld [tilespmem:s22+$0x0];
	p1 =	sne.s32 s20, $0x1  }
.Ltmp32:
0x2d3: {  	_ = 	snop;
	(pc) =	sbr.rel @!p1 .LBB2_49-.Ltmp32, $2  }
0x2d4: {  	_ =	sdelay $0x2  }
0x2d5: {  	s21 =	sadd.s32 $0xFFFFFFFF, s20;
	s22 =	sadd.s32 $0x10, s22;
	v5 =	vimm.f32 $0.0e+00;
	vm0 =	vgt.f32 v4, v2  }
.LBB2_48:
0x2d6: {  	p1 =	sne.s32 s21, $0x1;
	s21 =	sadd.s32 $0xFFFFFFFF, s21;
	v6 =	vnsel vm0, $0x0, v4;
	v4 =	vld [tilespmem:s22+$0x0];
	v7 =	vsel vm0, $0x3F800000, v1  }
.Ltmp33:
0x2d7: {  	v3 =	vadd.f32 v6, v3;
	v5 =	vadd.f32 v7, v5;
	(pc) =	sbr.rel @p1 .LBB2_48-.Ltmp33, $2  }
0x2d8: {  	_ =	sdelay $0x2  }
0x2d9: {  	s22 =	sadd.s32 $0x10, s22;
	vm0 =	vgt.f32 v4, v2  }
.LBB2_49:
.Ltmp34:
0x2da: {  	(pc) =	sbr.rel .LBB2_50-.Ltmp34, $4  }
0x2db: {  	_ = 	snop  }
0x2dc: {  	v4 =	vnsel vm0, $0x0, v4  }
0x2dd: {  	v6 =	vsel vm0, $0x3F800000, v1;
	v3 =	vadd.f32 v4, v3  }
0x2de: {  	v4 =	vadd.f32 v6, v5  }
.LBB2_51:
0x2df: {  	_ =	swait.ge [sflag:s18], $0x8000  }
0x2e0: {  	[sflag:s18] =	ssyncset.done $0x0  }
0x2e1: {  	s20 =	simm.s32 $0x0;
	[sflag:s18] =	ssyncadd.s32 $0xFFFF8000  }
0x2e2: {  	v2 =	vld [tilespmem:s20+$0x8000]  }
0x2e3: {  	v4 =	vld [tilespmem:s20+$0x8010];
	_ =	sdelay $0x1  }
0x2e4: {  	v5 =	vld [tilespmem:s20+$0x8020]  }
0x2e5: {  	v6 =	vld [tilespmem:s20+$0x8030]  }
0x2e6: {  	v2 =	vsub.f32 v2, v3  }
0x2e7: {  	v7 =	vld [tilespmem:s20+$0x8040];
	v4 =	vsub.f32 v4, v3  }
0x2e8: {  	v8 =	vld [tilespmem:s20+$0x8050];
	v2 =	vmax.f32 v2, $0.0e+00  }
0x2e9: {  	v4 =	vmax.f32 v4, $0.0e+00;
	[tilespmem:s20+$0x8000] =	vst v2;
	v2 =	vsub.f32 v5, v3  }
0x2ea: {  	v9 =	vld [tilespmem:s20+$0x8060];
	[tilespmem:s20+$0x8010] =	vst v4;
	v4 =	vsub.f32 v6, v3  }
0x2eb: {  	v10 =	vld [tilespmem:s20+$0x8070];
	v2 =	vmax.f32 v2, $0.0e+00  }
0x2ec: {  	v11 =	vld [tilespmem:s20+$0x8080];
	v5 =	vmax.f32 v4, $0.0e+00;
	[tilespmem:s20+$0x8020] =	vst v2;
	v2 =	vsub.f32 v7, v3  }
0x2ed: {  	v12 =	vld [tilespmem:s20+$0x8090];
	[tilespmem:s20+$0x8030] =	vst v5;
	v5 =	vsub.f32 v8, v3  }
0x2ee: {  	v4 =	vld [tilespmem:s20+$0x80A0];
	v6 =	vmax.f32 v2, $0.0e+00  }
0x2ef: {  	v2 =	vld [tilespmem:s20+$0x80B0];
	v7 =	vmax.f32 v5, $0.0e+00;
	[tilespmem:s20+$0x8040] =	vst v6;
	v6 =	vsub.f32 v9, v3  }
0x2f0: {  	v5 =	vld [tilespmem:s20+$0x80C0];
	[tilespmem:s20+$0x8050] =	vst v7;
	v7 =	vsub.f32 v10, v3  }
0x2f1: {  	v9 =	vsub.f32 v11, v3;
	v8 =	vmax.f32 v6, $0.0e+00;
	v6 =	vld [tilespmem:s20+$0x80D0]  }
0x2f2: {  	s21 =	simm.s32 $0x400;
	v10 =	vmax.f32 v7, $0.0e+00;
	v7 =	vld [tilespmem:s20+$0x80E0];
	[tilespmem:s20+$0x8060] =	vst v8;
	v8 =	vsub.f32 v12, v3  }
.LBB2_52:
0x2f3: {  	s22 =	sshra.s32 s21, $0x2;
	p0 =	sne.s32 s21, $0x1FC00;
	[tilespmem:s20+$0x8070] =	vst v10;
	v9 =	vmax.f32 v9, $0.0e+00;
	v4 =	vsub.f32 v4, v3;
	v10 =	vld [tilespmem:s20+$0x80F0]  }
0x2f4: {  	v11 =	vld [tilespmem:s22+$0x8000];
	[tilespmem:s20+$0x8080] =	vst v9;
	v8 =	vmax.f32 v8, $0.0e+00;
	v2 =	vsub.f32 v2, v3  }
0x2f5: {  	v9 =	vld [tilespmem:s22+$0x8010];
	[tilespmem:s20+$0x8090] =	vst v8;
	v4 =	vmax.f32 v4, $0.0e+00;
	v5 =	vsub.f32 v5, v3  }
0x2f6: {  	v8 =	vld [tilespmem:s22+$0x8020];
	[tilespmem:s20+$0x80A0] =	vst v4;
	v2 =	vmax.f32 v2, $0.0e+00;
	v4 =	vsub.f32 v6, v3  }
0x2f7: {  	v6 =	vld [tilespmem:s22+$0x8030];
	[tilespmem:s20+$0x80B0] =	vst v2;
	v2 =	vmax.f32 v5, $0.0e+00;
	v5 =	vsub.f32 v7, v3  }
0x2f8: {  	v7 =	vld [tilespmem:s22+$0x8040];
	[tilespmem:s20+$0x80C0] =	vst v2;
	v2 =	vmax.f32 v4, $0.0e+00;
	v4 =	vsub.f32 v10, v3  }
0x2f9: {  	v10 =	vsub.f32 v11, v3;
	v11 =	vld [tilespmem:s22+$0x8050];
	[tilespmem:s20+$0x80D0] =	vst v2;
	v2 =	vmax.f32 v5, $0.0e+00  }
0x2fa: {  	v5 =	vsub.f32 v9, v3;
	v9 =	vld [tilespmem:s22+$0x8060];
	[tilespmem:s20+$0x80E0] =	vst v2;
	v2 =	vmax.f32 v4, $0.0e+00  }
0x2fb: {  	v4 =	vmax.f32 v10, $0.0e+00;
	v8 =	vsub.f32 v8, v3;
	v10 =	vld [tilespmem:s22+$0x8070];
	[tilespmem:s20+$0x80F0] =	vst v2;
	s20 =	smov.u32 s22  }
0x2fc: {  	[tilespmem:s20+$0x8000] =	vst v4;
	v2 =	vmax.f32 v5, $0.0e+00;
	v4 =	vsub.f32 v6, v3;
	v6 =	vld [tilespmem:s20+$0x8080]  }
0x2fd: {  	[tilespmem:s20+$0x8010] =	vst v2;
	v2 =	vmax.f32 v8, $0.0e+00;
	v5 =	vsub.f32 v7, v3;
	v7 =	vld [tilespmem:s20+$0x8090]  }
.Ltmp35:
0x2fe: {  	[tilespmem:s20+$0x8020] =	vst v2;
	v2 =	vmax.f32 v4, $0.0e+00;
	v8 =	vsub.f32 v11, v3;
	v4 =	vld [tilespmem:s20+$0x80A0];
	(pc) =	sbr.rel @p0 .LBB2_52-.Ltmp35, $4  }
0x2ff: {  	[tilespmem:s20+$0x8030] =	vst v2;
	v5 =	vmax.f32 v5, $0.0e+00;
	v9 =	vsub.f32 v9, v3;
	v2 =	vld [tilespmem:s20+$0x80B0]  }
0x300: {  	[tilespmem:s20+$0x8040] =	vst v5;
	v8 =	vmax.f32 v8, $0.0e+00;
	v10 =	vsub.f32 v10, v3;
	v5 =	vld [tilespmem:s20+$0x80C0]  }
0x301: {  	[tilespmem:s20+$0x8050] =	vst v8;
	v8 =	vmax.f32 v9, $0.0e+00;
	v9 =	vsub.f32 v6, v3;
	v6 =	vld [tilespmem:s20+$0x80D0]  }
0x302: {  	s21 =	sadd.s32 $0x400, s21;
	[tilespmem:s20+$0x8060] =	vst v8;
	v10 =	vmax.f32 v10, $0.0e+00;
	v8 =	vsub.f32 v7, v3;
	v7 =	vld [tilespmem:s20+$0x80E0]  }
0x303: {  	[tilespmem:s20+$0x8070] =	vst v10;
	v9 =	vmax.f32 v9, $0.0e+00;
	v4 =	vsub.f32 v4, v3;
	v61 =	vld [tilespmem:s20+$0x80F0]  }
0x304: {  	[tilespmem:s20+$0x8080] =	vst v9;
	v8 =	vmax.f32 v8, $0.0e+00;
	v2 =	vsub.f32 v2, v3  }
0x305: {  	[tilespmem:s20+$0x8090] =	vst v8;
	v4 =	vmax.f32 v4, $0.0e+00;
	v5 =	vsub.f32 v5, v3  }
0x306: {  	[tilespmem:s20+$0x80A0] =	vst v4;
	v2 =	vmax.f32 v2, $0.0e+00;
	v62 =	vsub.f32 v6, v3  }
0x307: {  	[tilespmem:s20+$0x80B0] =	vst v2;
	v2 =	vmax.f32 v5, $0.0e+00;
	v63 =	vsub.f32 v7, v3  }
0x308: {  	[tilespmem:s20+$0x80C0] =	vst v2;
	v2 =	vmax.f32 v62, $0.0e+00;
	v3 =	vsub.f32 v61, v3  }
0x309: {  	s19 =	sadd.s32 $0x1, s19;
	[tilespmem:s20+$0x80D0] =	vst v2;
	v2 =	vmax.f32 v63, $0.0e+00  }
0x30a: {  	p0 =	sne.s32 s19, s11;
	[tilespmem:s20+$0x80E0] =	vst v2;
	v2 =	vmax.f32 v3, $0.0e+00  }
.Ltmp36:
0x30b: {  	[tilespmem:s20+$0x80F0] =	vst v2;
	(pc) =	sbr.rel @p0 .LBB2_1-.Ltmp36, $4  }
0x30c: {  	[hbm4b:s10+s12] =	stream.strided.scatter [tilespmem:s15], [sflag:$0x3], $0x8000, s13, s12, $0x38;
	[tilespmem:$0x18000] =	vst v63  }
0x30d: {  	_ =	swait.ge [sflag:s18], $0x8000  }
0x30e: {  	[sflag:s18] =	ssyncset.done $0x0  }
0x30f: {  	[sflag:s18] =	ssyncadd.s32 $0xFFFF8000  }
0x310: {  	_ =	sfence.sel $0x180000  }
0x311: {  	[bflag:$0x0] =	sbarrier.arrive $0xFFFF  }
0x312: {  	p0 =	sne.s32 s1, $0x0;
	_ =	strace $0x90000047  }
0x313: {  	s0 =	sadd.s32 @!p0 $0x100000, s0;
	[bflag:$0x2] =	sbarrier.arrive $0xFFFF  }
0x314: {  	[sflag:s0] =	ssyncadd.tile.s32 @!p0 $0x1;
	_ =	shalt  }
.Lfunc_end2:
_tile_overlayer_lowered:
.L_overlay_start_2:
0x315: {  	(tag) =	ssettag $0x2  }
0x316: {  	s0 =	rddreg [dreg:$0x0];
	s2 =	stileid.u32  }
0x317: {  	s1 =	rddreg [dreg:$0x1];
	p0 =	sne.s32 s2, $0x0  }
0x318: {  	s3 =	rddreg [dreg:$0x2];
	[bflag:$0x3] =	sbarrier.arrive $0xFFFF;
	s2 =	simm.s32 @!p0 $0x1C04  }
0x319: {  	[timem:s3], [sflag:s2] =	dma.local @!p0 [hbm:s0], s1  }
0x31a: {  	s0 =	simm.s32 @!p0 $0x4  }
0x31b: {  	_ =	swait.ge @!p0 [sflag:s0], s1  }
0x31c: {  	s1 =	ssub.s32 @!p0 $0x0, s1;
	[sflag:s0] =	ssyncset.done @!p0 $0x0  }
0x31d: {  	[sflag:s0] =	ssyncadd.s32 @!p0 s1  }
0x31e: {  	[bflag:$0x3] =	sbarrier.arrive $0xFFFF  }
0x31f: {  	_ =	shalt  }

</sc_bundles>
